<compile_context>
chip_gen: v7x
topology: tpu7x:2x2x1
jax: 0.10.2.dev20260603
libtpu: 0.0.44.dev20260713+nightly
codegen_flags: <defaults>
</compile_context>

<pallas_src>
import functools

import jax
import jax.numpy as jnp
from jax.experimental import pallas as pl

_ENC = [32, 64, 128, 256, 512]
_NPOINTS = (2048, 512, 128, 32)
_RADII = (0.1, 0.2, 0.4, 0.8)
_NSAMPLE = 32
_EPS = 1e-5


def _fold_bn(w, p):
    scale = p["gamma"] / jnp.sqrt(p["var"] + _EPS)
    return w * scale[None, :], (p["beta"] - p["mean"] * scale)[None, :]


def _fps_kernel(xyz_ref, xr_ref, o_ref):
    n = xyz_ref.shape[0]
    npoint = o_ref.shape[0]
    _, rows, cols = xr_ref.shape
    x0 = xr_ref[0]
    x1 = xr_ref[1]
    x2 = xr_ref[2]
    flat = (
        jax.lax.broadcasted_iota(jnp.int32, (rows, cols), 0) * cols
        + jax.lax.broadcasted_iota(jnp.int32, (rows, cols), 1)
    )
    o_ref[0:1, 0:1] = jnp.zeros((1, 1), jnp.int32)

    def body(k, carry):
        dists, last = carry
        row = xyz_ref[pl.ds(last, 1), :]
        d = (x0 - row[0, 0]) ** 2 + (x1 - row[0, 1]) ** 2 + (x2 - row[0, 2]) ** 2
        dists = jnp.minimum(dists, d)
        glob = jnp.max(dists)
        nxt = jnp.min(jnp.where(dists == glob, flat, n)).astype(jnp.int32)
        o_ref[pl.ds(k, 1), 0:1] = jnp.reshape(nxt, (1, 1))
        return dists, nxt

    jax.lax.fori_loop(
        1, npoint, body, (jnp.full((rows, cols), 1e10, jnp.float32), jnp.int32(0))
    )


def _fps(xyz, npoint):
    n = xyz.shape[0]
    xr = xyz.T.reshape(3, 8, n // 8)
    out = pl.pallas_call(
        _fps_kernel,
        out_shape=jax.ShapeDtypeStruct((npoint, 1), jnp.int32),
    )(xyz, xr)
    return out[:, 0]


def _ball_query(centers, xyz, radius):
    n = xyz.shape[0]
    d2e = (
        (centers[:, 0:1] - xyz[:, 0][None, :]) ** 2
        + (centers[:, 1:2] - xyz[:, 1][None, :]) ** 2
        + (centers[:, 2:3] - xyz[:, 2][None, :]) ** 2
    )
    keys = jnp.where(d2e <= radius * radius, jnp.arange(n, dtype=jnp.int32)[None, :], n)
    neg_top, _ = jax.lax.top_k(-keys, _NSAMPLE)
    ksort = -neg_top
    valid = ksort < n
    return jnp.where(valid, ksort, ksort[:, :1])




def _stem_kernel(x_ref, w_ref, b_ref, o_ref):
    o_ref[...] = jnp.maximum(
        jnp.dot(x_ref[...], w_ref[...], preferred_element_type=jnp.float32)
        + b_ref[...],
        0.0,
    )


def _sa_kernel(g_ref, f_ref, w0_ref, b0_ref, w1_ref, b1_ref, ws_ref, bs_ref, o_ref):
    blk, s, c3 = g_ref.shape
    g = g_ref[...].reshape(blk * s, c3)
    h = jnp.maximum(
        jnp.dot(g, w0_ref[...], preferred_element_type=jnp.float32) + b0_ref[...],
        0.0,
    )
    h = jnp.dot(h, w1_ref[...], preferred_element_type=jnp.float32) + b1_ref[...]
    cout = h.shape[-1]
    pooled = jnp.max(h.reshape(blk, s, cout), axis=1)
    skip = (
        jnp.dot(f_ref[...], ws_ref[...], preferred_element_type=jnp.float32)
        + bs_ref[...]
    )
    o_ref[...] = jnp.maximum(pooled + skip, 0.0)


def _fp_kernel(
    xf_ref, xc_ref, fc_ref, ff_ref, w0a_ref, w0b_ref, b0_ref, w1_ref, b1_ref, o_ref
):
    xf = xf_ref[...]
    xc = xc_ref[...]
    m = xc.shape[0]
    d2 = jnp.zeros((xf.shape[0], m), jnp.float32)
    for c in range(3):
        diff = xf[:, c : c + 1] - xc[:, c][None, :]
        d2 = d2 + diff * diff
    iota = jax.lax.broadcasted_iota(jnp.int32, (1, m), 1)
    rem = d2
    w = jnp.zeros_like(d2)
    for _ in range(3):
        mk = jnp.min(rem, axis=1, keepdims=True)
        ik = jnp.argmin(rem, axis=1).astype(jnp.int32)[:, None]
        oh = (iota == ik).astype(jnp.float32)
        w = w + oh / (mk + 1e-8)
        rem = rem + oh * 1e10
    w = w / jnp.sum(w, axis=1, keepdims=True)
    interp = jnp.dot(w, fc_ref[...], preferred_element_type=jnp.float32)
    h = jnp.maximum(
        jnp.dot(interp, w0a_ref[...], preferred_element_type=jnp.float32)
        + jnp.dot(ff_ref[...], w0b_ref[...], preferred_element_type=jnp.float32)
        + b0_ref[...],
        0.0,
    )
    o_ref[...] = jnp.maximum(
        jnp.dot(h, w1_ref[...], preferred_element_type=jnp.float32) + b1_ref[...],
        0.0,
    )


def _head_kernel(x_ref, w1_ref, b1_ref, w2_ref, b2_ref, o_ref):
    h = jnp.maximum(
        jnp.dot(x_ref[...], w1_ref[...], preferred_element_type=jnp.float32)
        + b1_ref[...],
        0.0,
    )
    o_ref[...] = (
        jnp.dot(h, w2_ref[...], preferred_element_type=jnp.float32) + b2_ref[...]
    )


def _full_spec(shape):
    return pl.BlockSpec(shape, lambda i: tuple(0 for _ in shape))


def _stem_call(x, w, b):
    n, c = x.shape[0], w.shape[1]
    return pl.pallas_call(
        _stem_kernel,
        out_shape=jax.ShapeDtypeStruct((n, c), jnp.float32),
    )(x, w, b)


def _sa_call(g, ffps, w0, b0, w1, b1, ws, bs):
    npoint, s, c3 = g.shape
    cin = ffps.shape[1]
    cout = w0.shape[1]
    blk = min(npoint, 512)
    grid = (npoint // blk,)
    return pl.pallas_call(
        _sa_kernel,
        grid=grid,
        in_specs=[
            pl.BlockSpec((blk, s, c3), lambda i: (i, 0, 0)),
            pl.BlockSpec((blk, cin), lambda i: (i, 0)),
            _full_spec(w0.shape),
            _full_spec(b0.shape),
            _full_spec(w1.shape),
            _full_spec(b1.shape),
            _full_spec(ws.shape),
            _full_spec(bs.shape),
        ],
        out_specs=pl.BlockSpec((blk, cout), lambda i: (i, 0)),
        out_shape=jax.ShapeDtypeStruct((npoint, cout), jnp.float32),
    )(g, ffps, w0, b0, w1, b1, ws, bs)


def _fp_call(xyz_fine, xyz_coarse, f_fine, f_coarse, w0a, w0b, b0, w1, b1):
    nf = xyz_fine.shape[0]
    cout = w1.shape[1]
    blk = min(nf, 512)
    grid = (nf // blk,)
    cf_fine = f_fine.shape[1]
    return pl.pallas_call(
        _fp_kernel,
        grid=grid,
        in_specs=[
            pl.BlockSpec((blk, 3), lambda i: (i, 0)),
            _full_spec(xyz_coarse.shape),
            _full_spec(f_coarse.shape),
            pl.BlockSpec((blk, cf_fine), lambda i: (i, 0)),
            _full_spec(w0a.shape),
            _full_spec(w0b.shape),
            _full_spec(b0.shape),
            _full_spec(w1.shape),
            _full_spec(b1.shape),
        ],
        out_specs=pl.BlockSpec((blk, cout), lambda i: (i, 0)),
        out_shape=jax.ShapeDtypeStruct((nf, cout), jnp.float32),
    )(xyz_fine, xyz_coarse, f_coarse, f_fine, w0a, w0b, b0, w1, b1)


def _head_call(x, w1, b1, w2, b2):
    n = x.shape[0]
    return pl.pallas_call(
        _head_kernel,
        out_shape=jax.ShapeDtypeStruct((n, w2.shape[1]), jnp.float32),
    )(x, w1, b1, w2, b2)


def _single(fp, xyz, feats):
    f = _stem_call(feats, fp["stem_w"], fp["stem_b"])
    xyz_list = [xyz]
    feat_list = [f]
    cx, cf = xyz, f
    for i in range(4):
        e = fp["enc"][i]
        fps_idx = _fps(cx, _NPOINTS[i])
        new_xyz = cx[fps_idx]
        nbr = _ball_query(new_xyz, cx, _RADII[i])
        dp = (cx[nbr] - new_xyz[:, None, :]) / _RADII[i]
        g = jnp.concatenate([dp, cf[nbr]], axis=-1)
        cf = _sa_call(
            g, cf[fps_idx], e["w0"], e["b0"], e["w1"], e["b1"], e["ws"], e["bs"]
        )
        cx = new_xyz
        xyz_list.append(cx)
        feat_list.append(cf)
    f_cur = feat_list[-1]
    for i in range(4):
        fine = 3 - i
        d = fp["dec"][i]
        f_cur = _fp_call(
            xyz_list[fine],
            xyz_list[fine + 1],
            feat_list[fine],
            f_cur,
            d["w0a"],
            d["w0b"],
            d["b0"],
            d["w1"],
            d["b1"],
        )
    return _head_call(f_cur, fp["hw1"], fp["hb1"], fp["hw2"], fp["hb2"])


def kernel(xyz, features, params):
    stem_w, stem_b = _fold_bn(params["stem_w"], params["stem_bn"])
    folded = {"stem_w": stem_w, "stem_b": stem_b, "enc": [], "dec": []}
    for i in range(4):
        e = params["enc"][i]
        w0, b0 = _fold_bn(e["mlp0_w"], e["mlp0_bn"])
        w1, b1 = _fold_bn(e["mlp1_w"], e["mlp1_bn"])
        ws, bs = _fold_bn(e["skip_w"], e["skip_bn"])
        folded["enc"].append(
            {"w0": w0, "b0": b0, "w1": w1, "b1": b1, "ws": ws, "bs": bs}
        )
    for i in range(4):
        d = params["dec"][i]
        fine = 3 - i
        c_coarse = _ENC[fine + 1]
        w0, b0 = _fold_bn(d["w0"], d["bn0"])
        w1, b1 = _fold_bn(d["w1"], d["bn1"])
        folded["dec"].append(
            {
                "w0a": w0[:c_coarse],
                "w0b": w0[c_coarse:],
                "b0": b0,
                "w1": w1,
                "b1": b1,
            }
        )
    hw1, hb1 = _fold_bn(params["head_w1"], params["head_bn"])
    folded["hw1"] = hw1
    folded["hb1"] = hb1
    folded["hw2"] = params["head_w2"]
    folded["hb2"] = params["head_b2"][None, :]
    return jax.vmap(lambda a, b: _single(folded, a, b))(xyz, features)

# --- scband reference (transcript-rebuilt; emitter-appended) ---
"""Pipeline reference for scband-point-ne-xt-seg-model-33079838113821 (READ-ONLY COPY).

The authoritative reference and input builder live on the scoring server;
editing this copy changes nothing except your own understanding.
"""

import jax, jax.numpy as jnp
import numpy as np

ENC = [32, 64, 128, 256, 512]
NPOINTS = (2048, 512, 128, 32)
RADII = (0.1, 0.2, 0.4, 0.8)
NSAMPLES = (32, 32, 32, 32)
EPS = 1e-5

def init_bn(c):
    return {"gamma": jnp.ones((c,), jnp.float32), "beta": jnp.zeros((c,), jnp.float32),
            "mean": jnp.zeros((c,), jnp.float32), "var": jnp.ones((c,), jnp.float32)}

def bn(x, p):
    return (x - p["mean"]) / jnp.sqrt(p["var"] + EPS) * p["gamma"] + p["beta"]

def init_params(key):
    keys = jax.random.split(key, 64)
    ctr = [0]
    def lin(cin, cout):
        k = keys[ctr[0]]; ctr[0] += 1
        return jax.random.normal(k, (cin, cout), jnp.float32) / np.sqrt(cin)
    p = {"stem_w": lin(3, ENC[0]), "stem_bn": init_bn(ENC[0]), "enc": [], "dec": []}
    for i in range(4):
        cin, cout = ENC[i], ENC[i + 1]
        p["enc"].append({"mlp0_w": lin(cin + 3, cout), "mlp0_bn": init_bn(cout),
                         "mlp1_w": lin(cout, cout), "mlp1_bn": init_bn(cout),
                         "skip_w": lin(cin, cout), "skip_bn": init_bn(cout)})
    for i in range(4):
        fine = 3 - i
        cin, cout = ENC[fine + 1] + ENC[fine], ENC[fine]
        p["dec"].append({"w0": lin(cin, cout), "bn0": init_bn(cout),
                         "w1": lin(cout, cout), "bn1": init_bn(cout)})
    p["head_w1"] = lin(ENC[0], 64); p["head_bn"] = init_bn(64)
    p["head_w2"] = lin(64, 13); p["head_b2"] = jnp.zeros((13,), jnp.float32)
    return p

def fps(xyz, npoint):
    N = xyz.shape[0]
    def step(carry, _):
        dists, last_idx = carry
        last = xyz[last_idx]
        d = jnp.sum((xyz - last) ** 2, axis=-1)
        dists = jnp.minimum(dists, d)
        nxt = jnp.argmax(dists).astype(jnp.int32)
        return (dists, nxt), nxt
    init = (jnp.full((N,), 1e10, jnp.float32), jnp.int32(0))
    _, idxs = jax.lax.scan(step, init, None, length=npoint - 1)
    return jnp.concatenate([jnp.zeros((1,), jnp.int32), idxs])

def ball_query(centers, xyz, radius, nsample):
    N = xyz.shape[0]
    d2 = jnp.sum((centers[:, None, :] - xyz[None, :, :]) ** 2, axis=-1)
    keys = jnp.where(d2 <= radius * radius, jnp.arange(N, dtype=jnp.int32)[None, :], N)
    order = jnp.argsort(keys, axis=-1)[:, :nsample]
    keys_sorted = jnp.take_along_axis(keys, order, axis=-1)
    valid = keys_sorted < N
    idx = jnp.where(valid, order, order[:, :1])
    return idx

def sa_block(p, xyz, feats, npoint, radius, nsample):
    fps_idx = fps(xyz, npoint)
    new_xyz = xyz[fps_idx]
    nbr_idx = ball_query(new_xyz, xyz, radius, nsample)
    dp = (xyz[nbr_idx] - new_xyz[:, None, :]) / radius
    g = jnp.concatenate([dp, feats[nbr_idx]], axis=-1)
    h = jax.nn.relu(bn(g @ p["mlp0_w"], p["mlp0_bn"]))
    h = bn(h @ p["mlp1_w"], p["mlp1_bn"])
    pooled = jnp.max(h, axis=1)
    skip = bn(feats[fps_idx] @ p["skip_w"], p["skip_bn"])
    return new_xyz, jax.nn.relu(pooled + skip)

def fp_block(p, xyz_fine, xyz_coarse, f_fine, f_coarse):
    d2 = jnp.sum((xyz_fine[:, None, :] - xyz_coarse[None, :, :]) ** 2, axis=-1)
    neg, idx = jax.lax.top_k(-d2, 3)
    w = 1.0 / ((-neg) + 1e-8)
    w = w / jnp.sum(w, axis=-1, keepdims=True)
    interp = jnp.sum(f_coarse[idx] * w[..., None], axis=1)
    h = jnp.concatenate([interp, f_fine], axis=-1)
    h = jax.nn.relu(bn(h @ p["w0"], p["bn0"]))
    h = jax.nn.relu(bn(h @ p["w1"], p["bn1"]))
    return h

def model_single(params, xyz, feats):
    f = jax.nn.relu(bn(feats @ params["stem_w"], params["stem_bn"]))
    xyz_list = [xyz]; feat_list = [f]
    cx, cf = xyz, f
    for i in range(4):
        cx, cf = sa_block(params["enc"][i], cx, cf, NPOINTS[i], RADII[i], NSAMPLES[i])
        xyz_list.append(cx); feat_list.append(cf)
    f_cur = feat_list[-1]
    for i in range(4):
        fine = 3 - i
        f_cur = fp_block(params["dec"][i], xyz_list[fine], xyz_list[fine + 1], feat_list[fine], f_cur)
    h = jax.nn.relu(bn(f_cur @ params["head_w1"], params["head_bn"]))
    return h @ params["head_w2"] + params["head_b2"]

def setup_inputs(seed: int = 0):
    key = jax.random.key(seed)
    k1, k2 = jax.random.split(key)
    xyz = jax.random.uniform(k1, (4, 8192, 3), dtype=jnp.float32)
    features = jax.random.uniform(k2, (4, 8192, 3), dtype=jnp.float32)
    params = init_params(jax.random.key(1))
    return {"xyz": xyz, "features": features, "params": params}

def reference(xyz, features, params):
    return jax.vmap(lambda a, b: model_single(params, a, b))(xyz, features)

if __name__ == "__main__":
    import jax
    _d = setup_inputs()
    print(jax.jit(kernel)(*tuple(_d.values())))

</pallas_src>

<mosaic_0001>
module attributes {stable_mosaic.version = 14 : i64} {
  func.func @_fps_kernel(%arg0: i32, %arg1: memref<1x8192x3xf32, #tpu.memory_space<vmem>>, %arg2: memref<1x3x8x1024xf32, #tpu.memory_space<vmem>>, %arg3: memref<1x2048x1xi32, #tpu.memory_space<vmem>>) attributes {dimension_semantics = [#tpu.dimension_semantics<parallel>], iteration_bounds = array<i64: 4>, scalar_prefetch = 0 : i64, scratch_operands = 0 : i64, tpu.core_type = #tpu.core_type<tc>, window_params = [{transform_indices = @transform_0, window_bounds = array<i64: 1, 8192, 3>}, {transform_indices = @transform_1, window_bounds = array<i64: 1, 3, 8, 1024>}, {transform_indices = @transform_2, window_bounds = array<i64: 1, 2048, 1>}]} {
    %get3A = arith.constant 0 : index
    %get3A_0 = arith.constant 0 : index
    %get3A_1 = arith.constant 0 : index
    %get3A_2 = arith.constant 0 : index
    %get3A_3 = vector.load %arg2[%get3A, %get3A_0, %get3A_1, %get3A_2] : memref<1x3x8x1024xf32, #tpu.memory_space<vmem>>, vector<1x1x8x1024xf32>
    %get3A_4 = vector.shape_cast %get3A_3 : vector<1x1x8x1024xf32> to vector<8x1024xf32>
    %get3A_5 = arith.constant 0 : index
    %get3A_6 = arith.constant 1 : index
    %get3A_7 = arith.constant 0 : index
    %get3A_8 = arith.constant 0 : index
    %get3A_9 = vector.load %arg2[%get3A_5, %get3A_6, %get3A_7, %get3A_8] : memref<1x3x8x1024xf32, #tpu.memory_space<vmem>>, vector<1x1x8x1024xf32>
    %get3A_10 = vector.shape_cast %get3A_9 : vector<1x1x8x1024xf32> to vector<8x1024xf32>
    %get3A_11 = arith.constant 0 : index
    %get3A_12 = arith.constant 2 : index
    %get3A_13 = arith.constant 0 : index
    %get3A_14 = arith.constant 0 : index
    %get3A_15 = vector.load %arg2[%get3A_11, %get3A_12, %get3A_13, %get3A_14] : memref<1x3x8x1024xf32, #tpu.memory_space<vmem>>, vector<1x1x8x1024xf32>
    %get3A_16 = vector.shape_cast %get3A_15 : vector<1x1x8x1024xf32> to vector<8x1024xf32>
    %iota3A = tpu.iota {dimensions = array<i32: 0>} : vector<8x1024xi32>
    %mul3A = arith.constant 1024 : i32
    %mul3A_17 = vector.broadcast %mul3A : i32 to vector<8x1024xi32>
    %mul3A_18 = arith.muli %iota3A, %mul3A_17 : vector<8x1024xi32>
    %iota3A_19 = tpu.iota {dimensions = array<i32: 1>} : vector<8x1024xi32>
    %add3A = arith.addi %mul3A_18, %iota3A_19 : vector<8x1024xi32>
    %broadcast_in_dim3A = arith.constant 0 : i32
    %broadcast_in_dim3A_20 = vector.broadcast %broadcast_in_dim3A : i32 to vector<1x1xi32>
    %swap3A = arith.constant 0 : index
    %swap3A_21 = arith.constant 0 : index
    %swap3A_22 = arith.constant 0 : index
    %swap3A_23 = vector.load %arg3[%swap3A, %swap3A_21, %swap3A_22] : memref<1x2048x1xi32, #tpu.memory_space<vmem>>, vector<1x1x1xi32>
    %swap3A_24 = vector.shape_cast %swap3A_23 : vector<1x1x1xi32> to vector<1x1xi32>
    %swap3A_25 = vector.shape_cast %broadcast_in_dim3A_20 : vector<1x1xi32> to vector<1x1x1xi32>
    tpu.vector_store %arg3[%swap3A, %swap3A_21, %swap3A_22], %swap3A_25 {strides = array<i32>} : memref<1x2048x1xi32, #tpu.memory_space<vmem>>, vector<1x1x1xi32>,
    %broadcast_in_dim3A_26 = arith.constant 1.000000e+10 : f32
    %broadcast_in_dim3A_27 = vector.broadcast %broadcast_in_dim3A_26 : f32 to vector<8x1024xf32>
    %scan3A = arith.constant 0 : i32
    %scan3A_28 = arith.constant 1 : i32
    %scan3A_29 = arith.constant 2047 : i32
    %scan3A_30 = arith.addi %scan3A_28, %scan3A_29 : i32
    %scan3A_31 = arith.constant 1 : i32
    %scan3A_32:2 = scf.for %scan3A_34 = %scan3A_28 to %scan3A_30 step %scan3A_31 iter_args(%scan3A_35 = %broadcast_in_dim3A_27, %scan3A_36 = %scan3A) -> (vector<8x1024xf32>, i32)  : i32 {
      %get3A_37 = arith.constant 0 : index
      %get3A_38 = arith.index_cast %scan3A_36 : i32 to index
      %get3A_39 = arith.constant 0 : index
      %get3A_40 = vector.load %arg1[%get3A_37, %get3A_38, %get3A_39] : memref<1x8192x3xf32, #tpu.memory_space<vmem>>, vector<1x1x3xf32>
      %get3A_41 = vector.shape_cast %get3A_40 : vector<1x1x3xf32> to vector<1x3xf32>
      %slice3A = vector.extract_strided_slice %get3A_41 {offsets = [0, 0], sizes = [1, 1], strides = [1, 1]} : vector<1x3xf32> to vector<1x1xf32>
      %squeeze3A = vector.extract %slice3A[0, 0] : f32 from vector<1x1xf32>
      %sub3A = vector.broadcast %squeeze3A : f32 to vector<8x1024xf32>
      %sub3A_42 = arith.subf %get3A_4, %sub3A : vector<8x1024xf32>
      %integer_pow3A = arith.mulf %sub3A_42, %sub3A_42 : vector<8x1024xf32>
      %slice3A_43 = vector.extract_strided_slice %get3A_41 {offsets = [0, 1], sizes = [1, 1], strides = [1, 1]} : vector<1x3xf32> to vector<1x1xf32>
      %squeeze3A_44 = vector.extract %slice3A_43[0, 0] : f32 from vector<1x1xf32>
      %sub3A_45 = vector.broadcast %squeeze3A_44 : f32 to vector<8x1024xf32>
      %sub3A_46 = arith.subf %get3A_10, %sub3A_45 : vector<8x1024xf32>
      %integer_pow3A_47 = arith.mulf %sub3A_46, %sub3A_46 : vector<8x1024xf32>
      %add3A_48 = arith.addf %integer_pow3A, %integer_pow3A_47 : vector<8x1024xf32>
      %slice3A_49 = vector.extract_strided_slice %get3A_41 {offsets = [0, 2], sizes = [1, 1], strides = [1, 1]} : vector<1x3xf32> to vector<1x1xf32>
      %squeeze3A_50 = vector.extract %slice3A_49[0, 0] : f32 from vector<1x1xf32>
      %sub3A_51 = vector.broadcast %squeeze3A_50 : f32 to vector<8x1024xf32>
      %sub3A_52 = arith.subf %get3A_16, %sub3A_51 : vector<8x1024xf32>
      %integer_pow3A_53 = arith.mulf %sub3A_52, %sub3A_52 : vector<8x1024xf32>
      %add3A_54 = arith.addf %add3A_48, %integer_pow3A_53 : vector<8x1024xf32>
      %min3A = arith.minimumf %scan3A_35, %add3A_54 : vector<8x1024xf32>
      %reduce_max3A = vector.shape_cast %min3A : vector<8x1024xf32> to vector<1x8x1024xf32>
      %reduce_max3A_55 = arith.constant dense<0xFF800000> : vector<1xf32>
      %reduce_max3A_56 = vector.multi_reduction <maximumf>, %reduce_max3A, %reduce_max3A_55 [1, 2] : vector<1x8x1024xf32> to vector<1xf32>
      %reduce_max3A_57 = vector.shape_cast %reduce_max3A_56 : vector<1xf32> to vector<1x1x1xf32>
      %reduce_max3A_58 = vector.extract %reduce_max3A_57[0, 0, 0] : f32 from vector<1x1x1xf32>
      %eq3A = vector.broadcast %reduce_max3A_58 : f32 to vector<8x1024xf32>
      %eq3A_59 = arith.cmpf oeq, %min3A, %eq3A : vector<8x1024xf32>
      %jit3A = arith.constant 8192 : i32
      %broadcast_in_dim3A_60 = vector.broadcast %jit3A : i32 to vector<8x1024xi32>
      %select_n3A = arith.select %eq3A_59, %add3A, %broadcast_in_dim3A_60 : vector<8x1024xi1>, vector<8x1024xi32>
      %reduce_min3A = vector.shape_cast %select_n3A : vector<8x1024xi32> to vector<1x8x1024xi32>
      %reduce_min3A_61 = arith.constant dense<2147483647> : vector<1xi32>
      %reduce_min3A_62 = vector.multi_reduction <minsi>, %reduce_min3A, %reduce_min3A_61 [1, 2] : vector<1x8x1024xi32> to vector<1xi32>
      %reduce_min3A_63 = vector.shape_cast %reduce_min3A_62 : vector<1xi32> to vector<1x1x1xi32>
      %reduce_min3A_64 = vector.extract %reduce_min3A_63[0, 0, 0] : i32 from vector<1x1x1xi32>
      %reshape3A = vector.broadcast %reduce_min3A_64 : i32 to vector<1x1xi32>
      %swap3A_65 = arith.constant 0 : index
      %swap3A_66 = arith.index_cast %scan3A_34 : i32 to index
      %swap3A_67 = arith.constant 0 : index
      %swap3A_68 = vector.load %arg3[%swap3A_65, %swap3A_66, %swap3A_67] : memref<1x2048x1xi32, #tpu.memory_space<vmem>>, vector<1x1x1xi32>
      %swap3A_69 = vector.shape_cast %swap3A_68 : vector<1x1x1xi32> to vector<1x1xi32>
      %swap3A_70 = vector.shape_cast %reshape3A : vector<1x1xi32> to vector<1x1x1xi32>
      tpu.vector_store %arg3[%swap3A_65, %swap3A_66, %swap3A_67], %swap3A_70 {strides = array<i32>} : memref<1x2048x1xi32, #tpu.memory_space<vmem>>, vector<1x1x1xi32>,
      scf.yield %min3A, %reduce_min3A_64 : vector<8x1024xf32>, i32
    }
    %scan3A_33 = arith.constant 2047 : i32
    return
  }
  func.func @transform_0(%arg0: i32) -> (i32, i32, i32) {
    %c0_i32 = arith.constant 0 : i32
    %c0_i32_0 = arith.constant 0 : i32
    %c0_i32_1 = arith.constant 0 : i32
    return %arg0, %c0_i32, %c0_i32_0 : i32, i32, i32
  }
  func.func @transform_1(%arg0: i32) -> (i32, i32, i32, i32) {
    %c0_i32 = arith.constant 0 : i32
    %c0_i32_0 = arith.constant 0 : i32
    %c0_i32_1 = arith.constant 0 : i32
    %c0_i32_2 = arith.constant 0 : i32
    return %arg0, %c0_i32, %c0_i32_0, %c0_i32_1 : i32, i32, i32, i32
  }
  func.func @transform_2(%arg0: i32) -> (i32, i32, i32) {
    %c0_i32 = arith.constant 0 : i32
    %c0_i32_0 = arith.constant 0 : i32
    %c0_i32_1 = arith.constant 0 : i32
    return %arg0, %c0_i32, %c0_i32_0 : i32, i32, i32
  }
}

module attributes {stable_mosaic.version = 14 : i64} {
  func.func @_fps_kernel(%arg0: i32, %arg1: memref<1x2048x3xf32, #tpu.memory_space<vmem>>, %arg2: memref<1x3x8x256xf32, #tpu.memory_space<vmem>>, %arg3: memref<1x512x1xi32, #tpu.memory_space<vmem>>) attributes {dimension_semantics = [#tpu.dimension_semantics<parallel>], iteration_bounds = array<i64: 4>, scalar_prefetch = 0 : i64, scratch_operands = 0 : i64, tpu.core_type = #tpu.core_type<tc>, window_params = [{transform_indices = @transform_0, window_bounds = array<i64: 1, 2048, 3>}, {transform_indices = @transform_1, window_bounds = array<i64: 1, 3, 8, 256>}, {transform_indices = @transform_2, window_bounds = array<i64: 1, 512, 1>}]} {
    %get3A = arith.constant 0 : index
    %get3A_0 = arith.constant 0 : index
    %get3A_1 = arith.constant 0 : index
    %get3A_2 = arith.constant 0 : index
    %get3A_3 = vector.load %arg2[%get3A, %get3A_0, %get3A_1, %get3A_2] : memref<1x3x8x256xf32, #tpu.memory_space<vmem>>, vector<1x1x8x256xf32>
    %get3A_4 = vector.shape_cast %get3A_3 : vector<1x1x8x256xf32> to vector<8x256xf32>
    %get3A_5 = arith.constant 0 : index
    %get3A_6 = arith.constant 1 : index
    %get3A_7 = arith.constant 0 : index
    %get3A_8 = arith.constant 0 : index
    %get3A_9 = vector.load %arg2[%get3A_5, %get3A_6, %get3A_7, %get3A_8] : memref<1x3x8x256xf32, #tpu.memory_space<vmem>>, vector<1x1x8x256xf32>
    %get3A_10 = vector.shape_cast %get3A_9 : vector<1x1x8x256xf32> to vector<8x256xf32>
    %get3A_11 = arith.constant 0 : index
    %get3A_12 = arith.constant 2 : index
    %get3A_13 = arith.constant 0 : index
    %get3A_14 = arith.constant 0 : index
    %get3A_15 = vector.load %arg2[%get3A_11, %get3A_12, %get3A_13, %get3A_14] : memref<1x3x8x256xf32, #tpu.memory_space<vmem>>, vector<1x1x8x256xf32>
    %get3A_16 = vector.shape_cast %get3A_15 : vector<1x1x8x256xf32> to vector<8x256xf32>
    %iota3A = tpu.iota {dimensions = array<i32: 0>} : vector<8x256xi32>
    %mul3A = arith.constant 256 : i32
    %mul3A_17 = vector.broadcast %mul3A : i32 to vector<8x256xi32>
    %mul3A_18 = arith.muli %iota3A, %mul3A_17 : vector<8x256xi32>
    %iota3A_19 = tpu.iota {dimensions = array<i32: 1>} : vector<8x256xi32>
    %add3A = arith.addi %mul3A_18, %iota3A_19 : vector<8x256xi32>
    %broadcast_in_dim3A = arith.constant 0 : i32
    %broadcast_in_dim3A_20 = vector.broadcast %broadcast_in_dim3A : i32 to vector<1x1xi32>
    %swap3A = arith.constant 0 : index
    %swap3A_21 = arith.constant 0 : index
    %swap3A_22 = arith.constant 0 : index
    %swap3A_23 = vector.load %arg3[%swap3A, %swap3A_21, %swap3A_22] : memref<1x512x1xi32, #tpu.memory_space<vmem>>, vector<1x1x1xi32>
    %swap3A_24 = vector.shape_cast %swap3A_23 : vector<1x1x1xi32> to vector<1x1xi32>
    %swap3A_25 = vector.shape_cast %broadcast_in_dim3A_20 : vector<1x1xi32> to vector<1x1x1xi32>
    tpu.vector_store %arg3[%swap3A, %swap3A_21, %swap3A_22], %swap3A_25 {strides = array<i32>} : memref<1x512x1xi32, #tpu.memory_space<vmem>>, vector<1x1x1xi32>,
    %broadcast_in_dim3A_26 = arith.constant 1.000000e+10 : f32
    %broadcast_in_dim3A_27 = vector.broadcast %broadcast_in_dim3A_26 : f32 to vector<8x256xf32>
    %scan3A = arith.constant 0 : i32
    %scan3A_28 = arith.constant 1 : i32
    %scan3A_29 = arith.constant 511 : i32
    %scan3A_30 = arith.addi %scan3A_28, %scan3A_29 : i32
    %scan3A_31 = arith.constant 1 : i32
    %scan3A_32:2 = scf.for %scan3A_34 = %scan3A_28 to %scan3A_30 step %scan3A_31 iter_args(%scan3A_35 = %broadcast_in_dim3A_27, %scan3A_36 = %scan3A) -> (vector<8x256xf32>, i32)  : i32 {
      %get3A_37 = arith.constant 0 : index
      %get3A_38 = arith.index_cast %scan3A_36 : i32 to index
      %get3A_39 = arith.constant 0 : index
      %get3A_40 = vector.load %arg1[%get3A_37, %get3A_38, %get3A_39] : memref<1x2048x3xf32, #tpu.memory_space<vmem>>, vector<1x1x3xf32>
      %get3A_41 = vector.shape_cast %get3A_40 : vector<1x1x3xf32> to vector<1x3xf32>
      %slice3A = vector.extract_strided_slice %get3A_41 {offsets = [0, 0], sizes = [1, 1], strides = [1, 1]} : vector<1x3xf32> to vector<1x1xf32>
      %squeeze3A = vector.extract %slice3A[0, 0] : f32 from vector<1x1xf32>
      %sub3A = vector.broadcast %squeeze3A : f32 to vector<8x256xf32>
      %sub3A_42 = arith.subf %get3A_4, %sub3A : vector<8x256xf32>
      %integer_pow3A = arith.mulf %sub3A_42, %sub3A_42 : vector<8x256xf32>
      %slice3A_43 = vector.extract_strided_slice %get3A_41 {offsets = [0, 1], sizes = [1, 1], strides = [1, 1]} : vector<1x3xf32> to vector<1x1xf32>
      %squeeze3A_44 = vector.extract %slice3A_43[0, 0] : f32 from vector<1x1xf32>
      %sub3A_45 = vector.broadcast %squeeze3A_44 : f32 to vector<8x256xf32>
      %sub3A_46 = arith.subf %get3A_10, %sub3A_45 : vector<8x256xf32>
      %integer_pow3A_47 = arith.mulf %sub3A_46, %sub3A_46 : vector<8x256xf32>
      %add3A_48 = arith.addf %integer_pow3A, %integer_pow3A_47 : vector<8x256xf32>
      %slice3A_49 = vector.extract_strided_slice %get3A_41 {offsets = [0, 2], sizes = [1, 1], strides = [1, 1]} : vector<1x3xf32> to vector<1x1xf32>
      %squeeze3A_50 = vector.extract %slice3A_49[0, 0] : f32 from vector<1x1xf32>
      %sub3A_51 = vector.broadcast %squeeze3A_50 : f32 to vector<8x256xf32>
      %sub3A_52 = arith.subf %get3A_16, %sub3A_51 : vector<8x256xf32>
      %integer_pow3A_53 = arith.mulf %sub3A_52, %sub3A_52 : vector<8x256xf32>
      %add3A_54 = arith.addf %add3A_48, %integer_pow3A_53 : vector<8x256xf32>
      %min3A = arith.minimumf %scan3A_35, %add3A_54 : vector<8x256xf32>
      %reduce_max3A = vector.shape_cast %min3A : vector<8x256xf32> to vector<1x8x256xf32>
      %reduce_max3A_55 = arith.constant dense<0xFF800000> : vector<1xf32>
      %reduce_max3A_56 = vector.multi_reduction <maximumf>, %reduce_max3A, %reduce_max3A_55 [1, 2] : vector<1x8x256xf32> to vector<1xf32>
      %reduce_max3A_57 = vector.shape_cast %reduce_max3A_56 : vector<1xf32> to vector<1x1x1xf32>
      %reduce_max3A_58 = vector.extract %reduce_max3A_57[0, 0, 0] : f32 from vector<1x1x1xf32>
      %eq3A = vector.broadcast %reduce_max3A_58 : f32 to vector<8x256xf32>
      %eq3A_59 = arith.cmpf oeq, %min3A, %eq3A : vector<8x256xf32>
      %jit3A = arith.constant 2048 : i32
      %broadcast_in_dim3A_60 = vector.broadcast %jit3A : i32 to vector<8x256xi32>
      %select_n3A = arith.select %eq3A_59, %add3A, %broadcast_in_dim3A_60 : vector<8x256xi1>, vector<8x256xi32>
      %reduce_min3A = vector.shape_cast %select_n3A : vector<8x256xi32> to vector<1x8x256xi32>
      %reduce_min3A_61 = arith.constant dense<2147483647> : vector<1xi32>
      %reduce_min3A_62 = vector.multi_reduction <minsi>, %reduce_min3A, %reduce_min3A_61 [1, 2] : vector<1x8x256xi32> to vector<1xi32>
      %reduce_min3A_63 = vector.shape_cast %reduce_min3A_62 : vector<1xi32> to vector<1x1x1xi32>
      %reduce_min3A_64 = vector.extract %reduce_min3A_63[0, 0, 0] : i32 from vector<1x1x1xi32>
      %reshape3A = vector.broadcast %reduce_min3A_64 : i32 to vector<1x1xi32>
      %swap3A_65 = arith.constant 0 : index
      %swap3A_66 = arith.index_cast %scan3A_34 : i32 to index
      %swap3A_67 = arith.constant 0 : index
      %swap3A_68 = vector.load %arg3[%swap3A_65, %swap3A_66, %swap3A_67] : memref<1x512x1xi32, #tpu.memory_space<vmem>>, vector<1x1x1xi32>
      %swap3A_69 = vector.shape_cast %swap3A_68 : vector<1x1x1xi32> to vector<1x1xi32>
      %swap3A_70 = vector.shape_cast %reshape3A : vector<1x1xi32> to vector<1x1x1xi32>
      tpu.vector_store %arg3[%swap3A_65, %swap3A_66, %swap3A_67], %swap3A_70 {strides = array<i32>} : memref<1x512x1xi32, #tpu.memory_space<vmem>>, vector<1x1x1xi32>,
      scf.yield %min3A, %reduce_min3A_64 : vector<8x256xf32>, i32
    }
    %scan3A_33 = arith.constant 511 : i32
    return
  }
  func.func @transform_0(%arg0: i32) -> (i32, i32, i32) {
    %c0_i32 = arith.constant 0 : i32
    %c0_i32_0 = arith.constant 0 : i32
    %c0_i32_1 = arith.constant 0 : i32
    return %arg0, %c0_i32, %c0_i32_0 : i32, i32, i32
  }
  func.func @transform_1(%arg0: i32) -> (i32, i32, i32, i32) {
    %c0_i32 = arith.constant 0 : i32
    %c0_i32_0 = arith.constant 0 : i32
    %c0_i32_1 = arith.constant 0 : i32
    %c0_i32_2 = arith.constant 0 : i32
    return %arg0, %c0_i32, %c0_i32_0, %c0_i32_1 : i32, i32, i32, i32
  }
  func.func @transform_2(%arg0: i32) -> (i32, i32, i32) {
    %c0_i32 = arith.constant 0 : i32
    %c0_i32_0 = arith.constant 0 : i32
    %c0_i32_1 = arith.constant 0 : i32
    return %arg0, %c0_i32, %c0_i32_0 : i32, i32, i32
  }
}

module attributes {stable_mosaic.version = 14 : i64} {
  func.func @_stem_kernel(%arg0: i32, %arg1: memref<1x8192x3xf32, #tpu.memory_space<vmem>>, %arg2: memref<3x32xf32, #tpu.memory_space<vmem>>, %arg3: memref<1x32xf32, #tpu.memory_space<vmem>>, %arg4: memref<1x8192x32xf32, #tpu.memory_space<vmem>>) attributes {dimension_semantics = [#tpu.dimension_semantics<parallel>], iteration_bounds = array<i64: 4>, scalar_prefetch = 0 : i64, scratch_operands = 0 : i64, tpu.core_type = #tpu.core_type<tc>, window_params = [{transform_indices = @transform_0, window_bounds = array<i64: 1, 8192, 3>}, {pipeline_mode = #tpu.pipeline_mode<synchronous>, transform_indices = @transform_1, window_bounds = array<i64: 3, 32>}, {pipeline_mode = #tpu.pipeline_mode<synchronous>, transform_indices = @transform_2, window_bounds = array<i64: 1, 32>}, {transform_indices = @transform_3, window_bounds = array<i64: 1, 8192, 32>}]} {
    %get3A = arith.constant 0 : index
    %get3A_0 = arith.constant 0 : index
    %get3A_1 = arith.constant 0 : index
    %get3A_2 = vector.load %arg1[%get3A, %get3A_0, %get3A_1] : memref<1x8192x3xf32, #tpu.memory_space<vmem>>, vector<1x8192x3xf32>
    %get3A_3 = vector.shape_cast %get3A_2 : vector<1x8192x3xf32> to vector<8192x3xf32>
    %get3A_4 = arith.constant 0 : index
    %get3A_5 = arith.constant 0 : index
    %get3A_6 = vector.load %arg2[%get3A_4, %get3A_5] : memref<3x32xf32, #tpu.memory_space<vmem>>, vector<3x32xf32>
    %dot_general3A = arith.constant dense<0.000000e+00> : vector<8192x32xf32>
    %dot_general3A_7 = tpu.matmul %get3A_3, %get3A_6, %dot_general3A {dimension_numbers = #tpu.dot_dimension_numbers<[1], [0], [0], [1], [0, 0, 1, 1], [], []>, transpose_lhs_hint = false} : vector<8192x3xf32>, vector<3x32xf32>, vector<8192x32xf32> -> vector<8192x32xf32>
    %get3A_8 = arith.constant 0 : index
    %get3A_9 = arith.constant 0 : index
    %get3A_10 = vector.load %arg3[%get3A_8, %get3A_9] : memref<1x32xf32, #tpu.memory_space<vmem>>, vector<1x32xf32>
    %add3A = vector.broadcast %get3A_10 : vector<1x32xf32> to vector<8192x32xf32>
    %add3A_11 = arith.addf %dot_general3A_7, %add3A : vector<8192x32xf32>
    %max3A = arith.constant 0.000000e+00 : f32
    %max3A_12 = vector.broadcast %max3A : f32 to vector<8192x32xf32>
    %max3A_13 = arith.maximumf %add3A_11, %max3A_12 : vector<8192x32xf32>
    %swap3A = arith.constant 0 : index
    %swap3A_14 = arith.constant 0 : index
    %swap3A_15 = arith.constant 0 : index
    %swap3A_16 = vector.load %arg4[%swap3A, %swap3A_14, %swap3A_15] : memref<1x8192x32xf32, #tpu.memory_space<vmem>>, vector<1x8192x32xf32>
    %swap3A_17 = vector.shape_cast %swap3A_16 : vector<1x8192x32xf32> to vector<8192x32xf32>
    %swap3A_18 = vector.shape_cast %max3A_13 : vector<8192x32xf32> to vector<1x8192x32xf32>
    tpu.vector_store %arg4[%swap3A, %swap3A_14, %swap3A_15], %swap3A_18 {strides = array<i32>} : memref<1x8192x32xf32, #tpu.memory_space<vmem>>, vector<1x8192x32xf32>,
    return
  }
  func.func @transform_0(%arg0: i32) -> (i32, i32, i32) {
    %c0_i32 = arith.constant 0 : i32
    %c0_i32_0 = arith.constant 0 : i32
    %c0_i32_1 = arith.constant 0 : i32
    return %arg0, %c0_i32, %c0_i32_0 : i32, i32, i32
  }
  func.func @transform_1(%arg0: i32) -> (i32, i32) {
    %c0_i32 = arith.constant 0 : i32
    %c0_i32_0 = arith.constant 0 : i32
    %c0_i32_1 = arith.constant 0 : i32
    return %c0_i32, %c0_i32_0 : i32, i32
  }
  func.func @transform_2(%arg0: i32) -> (i32, i32) {
    %c0_i32 = arith.constant 0 : i32
    %c0_i32_0 = arith.constant 0 : i32
    %c0_i32_1 = arith.constant 0 : i32
    return %c0_i32, %c0_i32_0 : i32, i32
  }
  func.func @transform_3(%arg0: i32) -> (i32, i32, i32) {
    %c0_i32 = arith.constant 0 : i32
    %c0_i32_0 = arith.constant 0 : i32
    %c0_i32_1 = arith.constant 0 : i32
    return %arg0, %c0_i32, %c0_i32_0 : i32, i32, i32
  }
}

module attributes {stable_mosaic.version = 14 : i64} {
  func.func @_fps_kernel(%arg0: i32, %arg1: memref<1x512x3xf32, #tpu.memory_space<vmem>>, %arg2: memref<1x3x8x64xf32, #tpu.memory_space<vmem>>, %arg3: memref<1x128x1xi32, #tpu.memory_space<vmem>>) attributes {dimension_semantics = [#tpu.dimension_semantics<parallel>], iteration_bounds = array<i64: 4>, scalar_prefetch = 0 : i64, scratch_operands = 0 : i64, tpu.core_type = #tpu.core_type<tc>, window_params = [{transform_indices = @transform_0, window_bounds = array<i64: 1, 512, 3>}, {transform_indices = @transform_1, window_bounds = array<i64: 1, 3, 8, 64>}, {transform_indices = @transform_2, window_bounds = array<i64: 1, 128, 1>}]} {
    %get3A = arith.constant 0 : index
    %get3A_0 = arith.constant 0 : index
    %get3A_1 = arith.constant 0 : index
    %get3A_2 = arith.constant 0 : index
    %get3A_3 = vector.load %arg2[%get3A, %get3A_0, %get3A_1, %get3A_2] : memref<1x3x8x64xf32, #tpu.memory_space<vmem>>, vector<1x1x8x64xf32>
    %get3A_4 = vector.shape_cast %get3A_3 : vector<1x1x8x64xf32> to vector<8x64xf32>
    %get3A_5 = arith.constant 0 : index
    %get3A_6 = arith.constant 1 : index
    %get3A_7 = arith.constant 0 : index
    %get3A_8 = arith.constant 0 : index
    %get3A_9 = vector.load %arg2[%get3A_5, %get3A_6, %get3A_7, %get3A_8] : memref<1x3x8x64xf32, #tpu.memory_space<vmem>>, vector<1x1x8x64xf32>
    %get3A_10 = vector.shape_cast %get3A_9 : vector<1x1x8x64xf32> to vector<8x64xf32>
    %get3A_11 = arith.constant 0 : index
    %get3A_12 = arith.constant 2 : index
    %get3A_13 = arith.constant 0 : index
    %get3A_14 = arith.constant 0 : index
    %get3A_15 = vector.load %arg2[%get3A_11, %get3A_12, %get3A_13, %get3A_14] : memref<1x3x8x64xf32, #tpu.memory_space<vmem>>, vector<1x1x8x64xf32>
    %get3A_16 = vector.shape_cast %get3A_15 : vector<1x1x8x64xf32> to vector<8x64xf32>
    %iota3A = tpu.iota {dimensions = array<i32: 0>} : vector<8x64xi32>
    %mul3A = arith.constant 64 : i32
    %mul3A_17 = vector.broadcast %mul3A : i32 to vector<8x64xi32>
    %mul3A_18 = arith.muli %iota3A, %mul3A_17 : vector<8x64xi32>
    %iota3A_19 = tpu.iota {dimensions = array<i32: 1>} : vector<8x64xi32>
    %add3A = arith.addi %mul3A_18, %iota3A_19 : vector<8x64xi32>
    %broadcast_in_dim3A = arith.constant 0 : i32
    %broadcast_in_dim3A_20 = vector.broadcast %broadcast_in_dim3A : i32 to vector<1x1xi32>
    %swap3A = arith.constant 0 : index
    %swap3A_21 = arith.constant 0 : index
    %swap3A_22 = arith.constant 0 : index
    %swap3A_23 = vector.load %arg3[%swap3A, %swap3A_21, %swap3A_22] : memref<1x128x1xi32, #tpu.memory_space<vmem>>, vector<1x1x1xi32>
    %swap3A_24 = vector.shape_cast %swap3A_23 : vector<1x1x1xi32> to vector<1x1xi32>
    %swap3A_25 = vector.shape_cast %broadcast_in_dim3A_20 : vector<1x1xi32> to vector<1x1x1xi32>
    tpu.vector_store %arg3[%swap3A, %swap3A_21, %swap3A_22], %swap3A_25 {strides = array<i32>} : memref<1x128x1xi32, #tpu.memory_space<vmem>>, vector<1x1x1xi32>,
    %broadcast_in_dim3A_26 = arith.constant 1.000000e+10 : f32
    %broadcast_in_dim3A_27 = vector.broadcast %broadcast_in_dim3A_26 : f32 to vector<8x64xf32>
    %scan3A = arith.constant 0 : i32
    %scan3A_28 = arith.constant 1 : i32
    %scan3A_29 = arith.constant 127 : i32
    %scan3A_30 = arith.addi %scan3A_28, %scan3A_29 : i32
    %scan3A_31 = arith.constant 1 : i32
    %scan3A_32:2 = scf.for %scan3A_34 = %scan3A_28 to %scan3A_30 step %scan3A_31 iter_args(%scan3A_35 = %broadcast_in_dim3A_27, %scan3A_36 = %scan3A) -> (vector<8x64xf32>, i32)  : i32 {
      %get3A_37 = arith.constant 0 : index
      %get3A_38 = arith.index_cast %scan3A_36 : i32 to index
      %get3A_39 = arith.constant 0 : index
      %get3A_40 = vector.load %arg1[%get3A_37, %get3A_38, %get3A_39] : memref<1x512x3xf32, #tpu.memory_space<vmem>>, vector<1x1x3xf32>
      %get3A_41 = vector.shape_cast %get3A_40 : vector<1x1x3xf32> to vector<1x3xf32>
      %slice3A = vector.extract_strided_slice %get3A_41 {offsets = [0, 0], sizes = [1, 1], strides = [1, 1]} : vector<1x3xf32> to vector<1x1xf32>
      %squeeze3A = vector.extract %slice3A[0, 0] : f32 from vector<1x1xf32>
      %sub3A = vector.broadcast %squeeze3A : f32 to vector<8x64xf32>
      %sub3A_42 = arith.subf %get3A_4, %sub3A : vector<8x64xf32>
      %integer_pow3A = arith.mulf %sub3A_42, %sub3A_42 : vector<8x64xf32>
      %slice3A_43 = vector.extract_strided_slice %get3A_41 {offsets = [0, 1], sizes = [1, 1], strides = [1, 1]} : vector<1x3xf32> to vector<1x1xf32>
      %squeeze3A_44 = vector.extract %slice3A_43[0, 0] : f32 from vector<1x1xf32>
      %sub3A_45 = vector.broadcast %squeeze3A_44 : f32 to vector<8x64xf32>
      %sub3A_46 = arith.subf %get3A_10, %sub3A_45 : vector<8x64xf32>
      %integer_pow3A_47 = arith.mulf %sub3A_46, %sub3A_46 : vector<8x64xf32>
      %add3A_48 = arith.addf %integer_pow3A, %integer_pow3A_47 : vector<8x64xf32>
      %slice3A_49 = vector.extract_strided_slice %get3A_41 {offsets = [0, 2], sizes = [1, 1], strides = [1, 1]} : vector<1x3xf32> to vector<1x1xf32>
      %squeeze3A_50 = vector.extract %slice3A_49[0, 0] : f32 from vector<1x1xf32>
      %sub3A_51 = vector.broadcast %squeeze3A_50 : f32 to vector<8x64xf32>
      %sub3A_52 = arith.subf %get3A_16, %sub3A_51 : vector<8x64xf32>
      %integer_pow3A_53 = arith.mulf %sub3A_52, %sub3A_52 : vector<8x64xf32>
      %add3A_54 = arith.addf %add3A_48, %integer_pow3A_53 : vector<8x64xf32>
      %min3A = arith.minimumf %scan3A_35, %add3A_54 : vector<8x64xf32>
      %reduce_max3A = vector.shape_cast %min3A : vector<8x64xf32> to vector<1x8x64xf32>
      %reduce_max3A_55 = arith.constant dense<0xFF800000> : vector<1xf32>
      %reduce_max3A_56 = vector.multi_reduction <maximumf>, %reduce_max3A, %reduce_max3A_55 [1, 2] : vector<1x8x64xf32> to vector<1xf32>
      %reduce_max3A_57 = vector.shape_cast %reduce_max3A_56 : vector<1xf32> to vector<1x1x1xf32>
      %reduce_max3A_58 = vector.extract %reduce_max3A_57[0, 0, 0] : f32 from vector<1x1x1xf32>
      %eq3A = vector.broadcast %reduce_max3A_58 : f32 to vector<8x64xf32>
      %eq3A_59 = arith.cmpf oeq, %min3A, %eq3A : vector<8x64xf32>
      %jit3A = arith.constant 512 : i32
      %broadcast_in_dim3A_60 = vector.broadcast %jit3A : i32 to vector<8x64xi32>
      %select_n3A = arith.select %eq3A_59, %add3A, %broadcast_in_dim3A_60 : vector<8x64xi1>, vector<8x64xi32>
      %reduce_min3A = vector.shape_cast %select_n3A : vector<8x64xi32> to vector<1x8x64xi32>
      %reduce_min3A_61 = arith.constant dense<2147483647> : vector<1xi32>
      %reduce_min3A_62 = vector.multi_reduction <minsi>, %reduce_min3A, %reduce_min3A_61 [1, 2] : vector<1x8x64xi32> to vector<1xi32>
      %reduce_min3A_63 = vector.shape_cast %reduce_min3A_62 : vector<1xi32> to vector<1x1x1xi32>
      %reduce_min3A_64 = vector.extract %reduce_min3A_63[0, 0, 0] : i32 from vector<1x1x1xi32>
      %reshape3A = vector.broadcast %reduce_min3A_64 : i32 to vector<1x1xi32>
      %swap3A_65 = arith.constant 0 : index
      %swap3A_66 = arith.index_cast %scan3A_34 : i32 to index
      %swap3A_67 = arith.constant 0 : index
      %swap3A_68 = vector.load %arg3[%swap3A_65, %swap3A_66, %swap3A_67] : memref<1x128x1xi32, #tpu.memory_space<vmem>>, vector<1x1x1xi32>
      %swap3A_69 = vector.shape_cast %swap3A_68 : vector<1x1x1xi32> to vector<1x1xi32>
      %swap3A_70 = vector.shape_cast %reshape3A : vector<1x1xi32> to vector<1x1x1xi32>
      tpu.vector_store %arg3[%swap3A_65, %swap3A_66, %swap3A_67], %swap3A_70 {strides = array<i32>} : memref<1x128x1xi32, #tpu.memory_space<vmem>>, vector<1x1x1xi32>,
      scf.yield %min3A, %reduce_min3A_64 : vector<8x64xf32>, i32
    }
    %scan3A_33 = arith.constant 127 : i32
    return
  }
  func.func @transform_0(%arg0: i32) -> (i32, i32, i32) {
    %c0_i32 = arith.constant 0 : i32
    %c0_i32_0 = arith.constant 0 : i32
    %c0_i32_1 = arith.constant 0 : i32
    return %arg0, %c0_i32, %c0_i32_0 : i32, i32, i32
  }
  func.func @transform_1(%arg0: i32) -> (i32, i32, i32, i32) {
    %c0_i32 = arith.constant 0 : i32
    %c0_i32_0 = arith.constant 0 : i32
    %c0_i32_1 = arith.constant 0 : i32
    %c0_i32_2 = arith.constant 0 : i32
    return %arg0, %c0_i32, %c0_i32_0, %c0_i32_1 : i32, i32, i32, i32
  }
  func.func @transform_2(%arg0: i32) -> (i32, i32, i32) {
    %c0_i32 = arith.constant 0 : i32
    %c0_i32_0 = arith.constant 0 : i32
    %c0_i32_1 = arith.constant 0 : i32
    return %arg0, %c0_i32, %c0_i32_0 : i32, i32, i32
  }
}

module attributes {stable_mosaic.version = 14 : i64} {
  func.func @_fps_kernel(%arg0: i32, %arg1: memref<1x128x3xf32, #tpu.memory_space<vmem>>, %arg2: memref<1x3x8x16xf32, #tpu.memory_space<vmem>>, %arg3: memref<1x32x1xi32, #tpu.memory_space<vmem>>) attributes {dimension_semantics = [#tpu.dimension_semantics<parallel>], iteration_bounds = array<i64: 4>, scalar_prefetch = 0 : i64, scratch_operands = 0 : i64, tpu.core_type = #tpu.core_type<tc>, window_params = [{transform_indices = @transform_0, window_bounds = array<i64: 1, 128, 3>}, {transform_indices = @transform_1, window_bounds = array<i64: 1, 3, 8, 16>}, {transform_indices = @transform_2, window_bounds = array<i64: 1, 32, 1>}]} {
    %get3A = arith.constant 0 : index
    %get3A_0 = arith.constant 0 : index
    %get3A_1 = arith.constant 0 : index
    %get3A_2 = arith.constant 0 : index
    %get3A_3 = vector.load %arg2[%get3A, %get3A_0, %get3A_1, %get3A_2] : memref<1x3x8x16xf32, #tpu.memory_space<vmem>>, vector<1x1x8x16xf32>
    %get3A_4 = vector.shape_cast %get3A_3 : vector<1x1x8x16xf32> to vector<8x16xf32>
    %get3A_5 = arith.constant 0 : index
    %get3A_6 = arith.constant 1 : index
    %get3A_7 = arith.constant 0 : index
    %get3A_8 = arith.constant 0 : index
    %get3A_9 = vector.load %arg2[%get3A_5, %get3A_6, %get3A_7, %get3A_8] : memref<1x3x8x16xf32, #tpu.memory_space<vmem>>, vector<1x1x8x16xf32>
    %get3A_10 = vector.shape_cast %get3A_9 : vector<1x1x8x16xf32> to vector<8x16xf32>
    %get3A_11 = arith.constant 0 : index
    %get3A_12 = arith.constant 2 : index
    %get3A_13 = arith.constant 0 : index
    %get3A_14 = arith.constant 0 : index
    %get3A_15 = vector.load %arg2[%get3A_11, %get3A_12, %get3A_13, %get3A_14] : memref<1x3x8x16xf32, #tpu.memory_space<vmem>>, vector<1x1x8x16xf32>
    %get3A_16 = vector.shape_cast %get3A_15 : vector<1x1x8x16xf32> to vector<8x16xf32>
    %iota3A = tpu.iota {dimensions = array<i32: 0>} : vector<8x16xi32>
    %mul3A = arith.constant 16 : i32
    %mul3A_17 = vector.broadcast %mul3A : i32 to vector<8x16xi32>
    %mul3A_18 = arith.muli %iota3A, %mul3A_17 : vector<8x16xi32>
    %iota3A_19 = tpu.iota {dimensions = array<i32: 1>} : vector<8x16xi32>
    %add3A = arith.addi %mul3A_18, %iota3A_19 : vector<8x16xi32>
    %broadcast_in_dim3A = arith.constant 0 : i32
    %broadcast_in_dim3A_20 = vector.broadcast %broadcast_in_dim3A : i32 to vector<1x1xi32>
    %swap3A = arith.constant 0 : index
    %swap3A_21 = arith.constant 0 : index
    %swap3A_22 = arith.constant 0 : index
    %swap3A_23 = vector.load %arg3[%swap3A, %swap3A_21, %swap3A_22] : memref<1x32x1xi32, #tpu.memory_space<vmem>>, vector<1x1x1xi32>
    %swap3A_24 = vector.shape_cast %swap3A_23 : vector<1x1x1xi32> to vector<1x1xi32>
    %swap3A_25 = vector.shape_cast %broadcast_in_dim3A_20 : vector<1x1xi32> to vector<1x1x1xi32>
    tpu.vector_store %arg3[%swap3A, %swap3A_21, %swap3A_22], %swap3A_25 {strides = array<i32>} : memref<1x32x1xi32, #tpu.memory_space<vmem>>, vector<1x1x1xi32>,
    %broadcast_in_dim3A_26 = arith.constant 1.000000e+10 : f32
    %broadcast_in_dim3A_27 = vector.broadcast %broadcast_in_dim3A_26 : f32 to vector<8x16xf32>
    %scan3A = arith.constant 0 : i32
    %scan3A_28 = arith.constant 1 : i32
    %scan3A_29 = arith.constant 31 : i32
    %scan3A_30 = arith.addi %scan3A_28, %scan3A_29 : i32
    %scan3A_31 = arith.constant 1 : i32
    %scan3A_32:2 = scf.for %scan3A_34 = %scan3A_28 to %scan3A_30 step %scan3A_31 iter_args(%scan3A_35 = %broadcast_in_dim3A_27, %scan3A_36 = %scan3A) -> (vector<8x16xf32>, i32)  : i32 {
      %get3A_37 = arith.constant 0 : index
      %get3A_38 = arith.index_cast %scan3A_36 : i32 to index
      %get3A_39 = arith.constant 0 : index
      %get3A_40 = vector.load %arg1[%get3A_37, %get3A_38, %get3A_39] : memref<1x128x3xf32, #tpu.memory_space<vmem>>, vector<1x1x3xf32>
      %get3A_41 = vector.shape_cast %get3A_40 : vector<1x1x3xf32> to vector<1x3xf32>
      %slice3A = vector.extract_strided_slice %get3A_41 {offsets = [0, 0], sizes = [1, 1], strides = [1, 1]} : vector<1x3xf32> to vector<1x1xf32>
      %squeeze3A = vector.extract %slice3A[0, 0] : f32 from vector<1x1xf32>
      %sub3A = vector.broadcast %squeeze3A : f32 to vector<8x16xf32>
      %sub3A_42 = arith.subf %get3A_4, %sub3A : vector<8x16xf32>
      %integer_pow3A = arith.mulf %sub3A_42, %sub3A_42 : vector<8x16xf32>
      %slice3A_43 = vector.extract_strided_slice %get3A_41 {offsets = [0, 1], sizes = [1, 1], strides = [1, 1]} : vector<1x3xf32> to vector<1x1xf32>
      %squeeze3A_44 = vector.extract %slice3A_43[0, 0] : f32 from vector<1x1xf32>
      %sub3A_45 = vector.broadcast %squeeze3A_44 : f32 to vector<8x16xf32>
      %sub3A_46 = arith.subf %get3A_10, %sub3A_45 : vector<8x16xf32>
      %integer_pow3A_47 = arith.mulf %sub3A_46, %sub3A_46 : vector<8x16xf32>
      %add3A_48 = arith.addf %integer_pow3A, %integer_pow3A_47 : vector<8x16xf32>
      %slice3A_49 = vector.extract_strided_slice %get3A_41 {offsets = [0, 2], sizes = [1, 1], strides = [1, 1]} : vector<1x3xf32> to vector<1x1xf32>
      %squeeze3A_50 = vector.extract %slice3A_49[0, 0] : f32 from vector<1x1xf32>
      %sub3A_51 = vector.broadcast %squeeze3A_50 : f32 to vector<8x16xf32>
      %sub3A_52 = arith.subf %get3A_16, %sub3A_51 : vector<8x16xf32>
      %integer_pow3A_53 = arith.mulf %sub3A_52, %sub3A_52 : vector<8x16xf32>
      %add3A_54 = arith.addf %add3A_48, %integer_pow3A_53 : vector<8x16xf32>
      %min3A = arith.minimumf %scan3A_35, %add3A_54 : vector<8x16xf32>
      %reduce_max3A = vector.shape_cast %min3A : vector<8x16xf32> to vector<1x8x16xf32>
      %reduce_max3A_55 = arith.constant dense<0xFF800000> : vector<1xf32>
      %reduce_max3A_56 = vector.multi_reduction <maximumf>, %reduce_max3A, %reduce_max3A_55 [1, 2] : vector<1x8x16xf32> to vector<1xf32>
      %reduce_max3A_57 = vector.shape_cast %reduce_max3A_56 : vector<1xf32> to vector<1x1x1xf32>
      %reduce_max3A_58 = vector.extract %reduce_max3A_57[0, 0, 0] : f32 from vector<1x1x1xf32>
      %eq3A = vector.broadcast %reduce_max3A_58 : f32 to vector<8x16xf32>
      %eq3A_59 = arith.cmpf oeq, %min3A, %eq3A : vector<8x16xf32>
      %jit3A = arith.constant 128 : i32
      %broadcast_in_dim3A_60 = vector.broadcast %jit3A : i32 to vector<8x16xi32>
      %select_n3A = arith.select %eq3A_59, %add3A, %broadcast_in_dim3A_60 : vector<8x16xi1>, vector<8x16xi32>
      %reduce_min3A = vector.shape_cast %select_n3A : vector<8x16xi32> to vector<1x8x16xi32>
      %reduce_min3A_61 = arith.constant dense<2147483647> : vector<1xi32>
      %reduce_min3A_62 = vector.multi_reduction <minsi>, %reduce_min3A, %reduce_min3A_61 [1, 2] : vector<1x8x16xi32> to vector<1xi32>
      %reduce_min3A_63 = vector.shape_cast %reduce_min3A_62 : vector<1xi32> to vector<1x1x1xi32>
      %reduce_min3A_64 = vector.extract %reduce_min3A_63[0, 0, 0] : i32 from vector<1x1x1xi32>
      %reshape3A = vector.broadcast %reduce_min3A_64 : i32 to vector<1x1xi32>
      %swap3A_65 = arith.constant 0 : index
      %swap3A_66 = arith.index_cast %scan3A_34 : i32 to index
      %swap3A_67 = arith.constant 0 : index
      %swap3A_68 = vector.load %arg3[%swap3A_65, %swap3A_66, %swap3A_67] : memref<1x32x1xi32, #tpu.memory_space<vmem>>, vector<1x1x1xi32>
      %swap3A_69 = vector.shape_cast %swap3A_68 : vector<1x1x1xi32> to vector<1x1xi32>
      %swap3A_70 = vector.shape_cast %reshape3A : vector<1x1xi32> to vector<1x1x1xi32>
      tpu.vector_store %arg3[%swap3A_65, %swap3A_66, %swap3A_67], %swap3A_70 {strides = array<i32>} : memref<1x32x1xi32, #tpu.memory_space<vmem>>, vector<1x1x1xi32>,
      scf.yield %min3A, %reduce_min3A_64 : vector<8x16xf32>, i32
    }
    %scan3A_33 = arith.constant 31 : i32
    return
  }
  func.func @transform_0(%arg0: i32) -> (i32, i32, i32) {
    %c0_i32 = arith.constant 0 : i32
    %c0_i32_0 = arith.constant 0 : i32
    %c0_i32_1 = arith.constant 0 : i32
    return %arg0, %c0_i32, %c0_i32_0 : i32, i32, i32
  }
  func.func @transform_1(%arg0: i32) -> (i32, i32, i32, i32) {
    %c0_i32 = arith.constant 0 : i32
    %c0_i32_0 = arith.constant 0 : i32
    %c0_i32_1 = arith.constant 0 : i32
    %c0_i32_2 = arith.constant 0 : i32
    return %arg0, %c0_i32, %c0_i32_0, %c0_i32_1 : i32, i32, i32, i32
  }
  func.func @transform_2(%arg0: i32) -> (i32, i32, i32) {
    %c0_i32 = arith.constant 0 : i32
    %c0_i32_0 = arith.constant 0 : i32
    %c0_i32_1 = arith.constant 0 : i32
    return %arg0, %c0_i32, %c0_i32_0 : i32, i32, i32
  }
}

module attributes {stable_mosaic.version = 14 : i64} {
  func.func @_sa_kernel(%arg0: i32, %arg1: i32, %arg2: memref<1x512x32x35xf32, #tpu.memory_space<vmem>>, %arg3: memref<1x512x32xf32, #tpu.memory_space<vmem>>, %arg4: memref<35x64xf32, #tpu.memory_space<vmem>>, %arg5: memref<1x64xf32, #tpu.memory_space<vmem>>, %arg6: memref<64x64xf32, #tpu.memory_space<vmem>>, %arg7: memref<1x64xf32, #tpu.memory_space<vmem>>, %arg8: memref<32x64xf32, #tpu.memory_space<vmem>>, %arg9: memref<1x64xf32, #tpu.memory_space<vmem>>, %arg10: memref<1x512x64xf32, #tpu.memory_space<vmem>>) attributes {dimension_semantics = [#tpu.dimension_semantics<parallel>, #tpu.dimension_semantics<arbitrary>], iteration_bounds = array<i64: 4, 4>, scalar_prefetch = 0 : i64, scratch_operands = 0 : i64, tpu.core_type = #tpu.core_type<tc>, window_params = [{transform_indices = @transform_0, window_bounds = array<i64: 1, 512, 32, 35>}, {transform_indices = @transform_1, window_bounds = array<i64: 1, 512, 32>}, {pipeline_mode = #tpu.pipeline_mode<synchronous>, transform_indices = @transform_2, window_bounds = array<i64: 35, 64>}, {pipeline_mode = #tpu.pipeline_mode<synchronous>, transform_indices = @transform_3, window_bounds = array<i64: 1, 64>}, {pipeline_mode = #tpu.pipeline_mode<synchronous>, transform_indices = @transform_4, window_bounds = array<i64: 64, 64>}, {pipeline_mode = #tpu.pipeline_mode<synchronous>, transform_indices = @transform_5, window_bounds = array<i64: 1, 64>}, {pipeline_mode = #tpu.pipeline_mode<synchronous>, transform_indices = @transform_6, window_bounds = array<i64: 32, 64>}, {pipeline_mode = #tpu.pipeline_mode<synchronous>, transform_indices = @transform_7, window_bounds = array<i64: 1, 64>}, {transform_indices = @transform_8, window_bounds = array<i64: 1, 512, 64>}]} {
    %get3A = arith.constant 0 : index
    %get3A_0 = arith.constant 0 : index
    %get3A_1 = arith.constant 0 : index
    %get3A_2 = arith.constant 0 : index
    %get3A_3 = vector.load %arg2[%get3A, %get3A_0, %get3A_1, %get3A_2] : memref<1x512x32x35xf32, #tpu.memory_space<vmem>>, vector<1x512x32x35xf32>
    %get3A_4 = vector.shape_cast %get3A_3 : vector<1x512x32x35xf32> to vector<512x32x35xf32>
    %reshape3A = vector.shape_cast %get3A_4 : vector<512x32x35xf32> to vector<16384x35xf32>
    %get3A_5 = arith.constant 0 : index
    %get3A_6 = arith.constant 0 : index
    %get3A_7 = vector.load %arg4[%get3A_5, %get3A_6] : memref<35x64xf32, #tpu.memory_space<vmem>>, vector<35x64xf32>
    %dot_general3A = arith.constant dense<0.000000e+00> : vector<16384x64xf32>
    %dot_general3A_8 = tpu.matmul %reshape3A, %get3A_7, %dot_general3A {dimension_numbers = #tpu.dot_dimension_numbers<[1], [0], [0], [1], [0, 0, 1, 1], [], []>, transpose_lhs_hint = false} : vector<16384x35xf32>, vector<35x64xf32>, vector<16384x64xf32> -> vector<16384x64xf32>
    %get3A_9 = arith.constant 0 : index
    %get3A_10 = arith.constant 0 : index
    %get3A_11 = vector.load %arg5[%get3A_9, %get3A_10] : memref<1x64xf32, #tpu.memory_space<vmem>>, vector<1x64xf32>
    %add3A = vector.broadcast %get3A_11 : vector<1x64xf32> to vector<16384x64xf32>
    %add3A_12 = arith.addf %dot_general3A_8, %add3A : vector<16384x64xf32>
    %max3A = arith.constant 0.000000e+00 : f32
    %max3A_13 = vector.broadcast %max3A : f32 to vector<16384x64xf32>
    %max3A_14 = arith.maximumf %add3A_12, %max3A_13 : vector<16384x64xf32>
    %get3A_15 = arith.constant 0 : index
    %get3A_16 = arith.constant 0 : index
    %get3A_17 = vector.load %arg6[%get3A_15, %get3A_16] : memref<64x64xf32, #tpu.memory_space<vmem>>, vector<64x64xf32>
    %dot_general3A_18 = arith.constant dense<0.000000e+00> : vector<16384x64xf32>
    %dot_general3A_19 = tpu.matmul %max3A_14, %get3A_17, %dot_general3A_18 {dimension_numbers = #tpu.dot_dimension_numbers<[1], [0], [0], [1], [0, 0, 1, 1], [], []>, transpose_lhs_hint = false} : vector<16384x64xf32>, vector<64x64xf32>, vector<16384x64xf32> -> vector<16384x64xf32>
    %get3A_20 = arith.constant 0 : index
    %get3A_21 = arith.constant 0 : index
    %get3A_22 = vector.load %arg7[%get3A_20, %get3A_21] : memref<1x64xf32, #tpu.memory_space<vmem>>, vector<1x64xf32>
    %add3A_23 = vector.broadcast %get3A_22 : vector<1x64xf32> to vector<16384x64xf32>
    %add3A_24 = arith.addf %dot_general3A_19, %add3A_23 : vector<16384x64xf32>
    %reshape3A_25 = vector.shape_cast %add3A_24 : vector<16384x64xf32> to vector<512x32x64xf32>
    %reduce_max3A = arith.constant dense<0xFF800000> : vector<512x64xf32>
    %reduce_max3A_26 = vector.multi_reduction <maximumf>, %reshape3A_25, %reduce_max3A [1] : vector<512x32x64xf32> to vector<512x64xf32>
    %get3A_27 = arith.constant 0 : index
    %get3A_28 = arith.constant 0 : index
    %get3A_29 = arith.constant 0 : index
    %get3A_30 = vector.load %arg3[%get3A_27, %get3A_28, %get3A_29] : memref<1x512x32xf32, #tpu.memory_space<vmem>>, vector<1x512x32xf32>
    %get3A_31 = vector.shape_cast %get3A_30 : vector<1x512x32xf32> to vector<512x32xf32>
    %get3A_32 = arith.constant 0 : index
    %get3A_33 = arith.constant 0 : index
    %get3A_34 = vector.load %arg8[%get3A_32, %get3A_33] : memref<32x64xf32, #tpu.memory_space<vmem>>, vector<32x64xf32>
    %dot_general3A_35 = arith.constant dense<0.000000e+00> : vector<512x64xf32>
    %dot_general3A_36 = tpu.matmul %get3A_31, %get3A_34, %dot_general3A_35 {dimension_numbers = #tpu.dot_dimension_numbers<[1], [0], [0], [1], [0, 0, 1, 1], [], []>, transpose_lhs_hint = false} : vector<512x32xf32>, vector<32x64xf32>, vector<512x64xf32> -> vector<512x64xf32>
    %get3A_37 = arith.constant 0 : index
    %get3A_38 = arith.constant 0 : index
    %get3A_39 = vector.load %arg9[%get3A_37, %get3A_38] : memref<1x64xf32, #tpu.memory_space<vmem>>, vector<1x64xf32>
    %add3A_40 = vector.broadcast %get3A_39 : vector<1x64xf32> to vector<512x64xf32>
    %add3A_41 = arith.addf %dot_general3A_36, %add3A_40 : vector<512x64xf32>
    %add3A_42 = arith.addf %reduce_max3A_26, %add3A_41 : vector<512x64xf32>
    %max3A_43 = arith.constant 0.000000e+00 : f32
    %max3A_44 = vector.broadcast %max3A_43 : f32 to vector<512x64xf32>
    %max3A_45 = arith.maximumf %add3A_42, %max3A_44 : vector<512x64xf32>
    %swap3A = arith.constant 0 : index
    %swap3A_46 = arith.constant 0 : index
    %swap3A_47 = arith.constant 0 : index
    %swap3A_48 = vector.load %arg10[%swap3A, %swap3A_46, %swap3A_47] : memref<1x512x64xf32, #tpu.memory_space<vmem>>, vector<1x512x64xf32>
    %swap3A_49 = vector.shape_cast %swap3A_48 : vector<1x512x64xf32> to vector<512x64xf32>
    %swap3A_50 = vector.shape_cast %max3A_45 : vector<512x64xf32> to vector<1x512x64xf32>
    tpu.vector_store %arg10[%swap3A, %swap3A_46, %swap3A_47], %swap3A_50 {strides = array<i32>} : memref<1x512x64xf32, #tpu.memory_space<vmem>>, vector<1x512x64xf32>,
    return
  }
  func.func @transform_0(%arg0: i32, %arg1: i32) -> (i32, i32, i32, i32) {
    %c0_i32 = arith.constant 0 : i32
    %c0_i32_0 = arith.constant 0 : i32
    %c0_i32_1 = arith.constant 0 : i32
    return %arg0, %arg1, %c0_i32, %c0_i32_0 : i32, i32, i32, i32
  }
  func.func @transform_1(%arg0: i32, %arg1: i32) -> (i32, i32, i32) {
    %c0_i32 = arith.constant 0 : i32
    %c0_i32_0 = arith.constant 0 : i32
    return %arg0, %arg1, %c0_i32 : i32, i32, i32
  }
  func.func @transform_2(%arg0: i32, %arg1: i32) -> (i32, i32) {
    %c0_i32 = arith.constant 0 : i32
    %c0_i32_0 = arith.constant 0 : i32
    %c0_i32_1 = arith.constant 0 : i32
    return %c0_i32, %c0_i32_0 : i32, i32
  }
  func.func @transform_3(%arg0: i32, %arg1: i32) -> (i32, i32) {
    %c0_i32 = arith.constant 0 : i32
    %c0_i32_0 = arith.constant 0 : i32
    %c0_i32_1 = arith.constant 0 : i32
    return %c0_i32, %c0_i32_0 : i32, i32
  }
  func.func @transform_4(%arg0: i32, %arg1: i32) -> (i32, i32) {
    %c0_i32 = arith.constant 0 : i32
    %c0_i32_0 = arith.constant 0 : i32
    %c0_i32_1 = arith.constant 0 : i32
    return %c0_i32, %c0_i32_0 : i32, i32
  }
  func.func @transform_5(%arg0: i32, %arg1: i32) -> (i32, i32) {
    %c0_i32 = arith.constant 0 : i32
    %c0_i32_0 = arith.constant 0 : i32
    %c0_i32_1 = arith.constant 0 : i32
    return %c0_i32, %c0_i32_0 : i32, i32
  }
  func.func @transform_6(%arg0: i32, %arg1: i32) -> (i32, i32) {
    %c0_i32 = arith.constant 0 : i32
    %c0_i32_0 = arith.constant 0 : i32
    %c0_i32_1 = arith.constant 0 : i32
    return %c0_i32, %c0_i32_0 : i32, i32
  }
  func.func @transform_7(%arg0: i32, %arg1: i32) -> (i32, i32) {
    %c0_i32 = arith.constant 0 : i32
    %c0_i32_0 = arith.constant 0 : i32
    %c0_i32_1 = arith.constant 0 : i32
    return %c0_i32, %c0_i32_0 : i32, i32
  }
  func.func @transform_8(%arg0: i32, %arg1: i32) -> (i32, i32, i32) {
    %c0_i32 = arith.constant 0 : i32
    %c0_i32_0 = arith.constant 0 : i32
    return %arg0, %arg1, %c0_i32 : i32, i32, i32
  }
}

module attributes {stable_mosaic.version = 14 : i64} {
  func.func @_sa_kernel(%arg0: i32, %arg1: i32, %arg2: memref<1x512x32x67xf32, #tpu.memory_space<vmem>>, %arg3: memref<1x512x64xf32, #tpu.memory_space<vmem>>, %arg4: memref<67x128xf32, #tpu.memory_space<vmem>>, %arg5: memref<1x128xf32, #tpu.memory_space<vmem>>, %arg6: memref<128x128xf32, #tpu.memory_space<vmem>>, %arg7: memref<1x128xf32, #tpu.memory_space<vmem>>, %arg8: memref<64x128xf32, #tpu.memory_space<vmem>>, %arg9: memref<1x128xf32, #tpu.memory_space<vmem>>, %arg10: memref<1x512x128xf32, #tpu.memory_space<vmem>>) attributes {dimension_semantics = [#tpu.dimension_semantics<parallel>, #tpu.dimension_semantics<arbitrary>], iteration_bounds = array<i64: 4, 1>, scalar_prefetch = 0 : i64, scratch_operands = 0 : i64, tpu.core_type = #tpu.core_type<tc>, window_params = [{transform_indices = @transform_0, window_bounds = array<i64: 1, 512, 32, 67>}, {transform_indices = @transform_1, window_bounds = array<i64: 1, 512, 64>}, {pipeline_mode = #tpu.pipeline_mode<synchronous>, transform_indices = @transform_2, window_bounds = array<i64: 67, 128>}, {pipeline_mode = #tpu.pipeline_mode<synchronous>, transform_indices = @transform_3, window_bounds = array<i64: 1, 128>}, {pipeline_mode = #tpu.pipeline_mode<synchronous>, transform_indices = @transform_4, window_bounds = array<i64: 128, 128>}, {pipeline_mode = #tpu.pipeline_mode<synchronous>, transform_indices = @transform_5, window_bounds = array<i64: 1, 128>}, {pipeline_mode = #tpu.pipeline_mode<synchronous>, transform_indices = @transform_6, window_bounds = array<i64: 64, 128>}, {pipeline_mode = #tpu.pipeline_mode<synchronous>, transform_indices = @transform_7, window_bounds = array<i64: 1, 128>}, {transform_indices = @transform_8, window_bounds = array<i64: 1, 512, 128>}]} {
    %get3A = arith.constant 0 : index
    %get3A_0 = arith.constant 0 : index
    %get3A_1 = arith.constant 0 : index
    %get3A_2 = arith.constant 0 : index
    %get3A_3 = vector.load %arg2[%get3A, %get3A_0, %get3A_1, %get3A_2] : memref<1x512x32x67xf32, #tpu.memory_space<vmem>>, vector<1x512x32x67xf32>
    %get3A_4 = vector.shape_cast %get3A_3 : vector<1x512x32x67xf32> to vector<512x32x67xf32>
    %reshape3A = vector.shape_cast %get3A_4 : vector<512x32x67xf32> to vector<16384x67xf32>
    %get3A_5 = arith.constant 0 : index
    %get3A_6 = arith.constant 0 : index
    %get3A_7 = vector.load %arg4[%get3A_5, %get3A_6] : memref<67x128xf32, #tpu.memory_space<vmem>>, vector<67x128xf32>
    %dot_general3A = arith.constant dense<0.000000e+00> : vector<16384x128xf32>
    %dot_general3A_8 = tpu.matmul %reshape3A, %get3A_7, %dot_general3A {dimension_numbers = #tpu.dot_dimension_numbers<[1], [0], [0], [1], [0, 0, 1, 1], [], []>, transpose_lhs_hint = false} : vector<16384x67xf32>, vector<67x128xf32>, vector<16384x128xf32> -> vector<16384x128xf32>
    %get3A_9 = arith.constant 0 : index
    %get3A_10 = arith.constant 0 : index
    %get3A_11 = vector.load %arg5[%get3A_9, %get3A_10] : memref<1x128xf32, #tpu.memory_space<vmem>>, vector<1x128xf32>
    %add3A = vector.broadcast %get3A_11 : vector<1x128xf32> to vector<16384x128xf32>
    %add3A_12 = arith.addf %dot_general3A_8, %add3A : vector<16384x128xf32>
    %max3A = arith.constant 0.000000e+00 : f32
    %max3A_13 = vector.broadcast %max3A : f32 to vector<16384x128xf32>
    %max3A_14 = arith.maximumf %add3A_12, %max3A_13 : vector<16384x128xf32>
    %get3A_15 = arith.constant 0 : index
    %get3A_16 = arith.constant 0 : index
    %get3A_17 = vector.load %arg6[%get3A_15, %get3A_16] : memref<128x128xf32, #tpu.memory_space<vmem>>, vector<128x128xf32>
    %dot_general3A_18 = arith.constant dense<0.000000e+00> : vector<16384x128xf32>
    %dot_general3A_19 = tpu.matmul %max3A_14, %get3A_17, %dot_general3A_18 {dimension_numbers = #tpu.dot_dimension_numbers<[1], [0], [0], [1], [0, 0, 1, 1], [], []>, transpose_lhs_hint = false} : vector<16384x128xf32>, vector<128x128xf32>, vector<16384x128xf32> -> vector<16384x128xf32>
    %get3A_20 = arith.constant 0 : index
    %get3A_21 = arith.constant 0 : index
    %get3A_22 = vector.load %arg7[%get3A_20, %get3A_21] : memref<1x128xf32, #tpu.memory_space<vmem>>, vector<1x128xf32>
    %add3A_23 = vector.broadcast %get3A_22 : vector<1x128xf32> to vector<16384x128xf32>
    %add3A_24 = arith.addf %dot_general3A_19, %add3A_23 : vector<16384x128xf32>
    %reshape3A_25 = vector.shape_cast %add3A_24 : vector<16384x128xf32> to vector<512x32x128xf32>
    %reduce_max3A = arith.constant dense<0xFF800000> : vector<512x128xf32>
    %reduce_max3A_26 = vector.multi_reduction <maximumf>, %reshape3A_25, %reduce_max3A [1] : vector<512x32x128xf32> to vector<512x128xf32>
    %get3A_27 = arith.constant 0 : index
    %get3A_28 = arith.constant 0 : index
    %get3A_29 = arith.constant 0 : index
    %get3A_30 = vector.load %arg3[%get3A_27, %get3A_28, %get3A_29] : memref<1x512x64xf32, #tpu.memory_space<vmem>>, vector<1x512x64xf32>
    %get3A_31 = vector.shape_cast %get3A_30 : vector<1x512x64xf32> to vector<512x64xf32>
    %get3A_32 = arith.constant 0 : index
    %get3A_33 = arith.constant 0 : index
    %get3A_34 = vector.load %arg8[%get3A_32, %get3A_33] : memref<64x128xf32, #tpu.memory_space<vmem>>, vector<64x128xf32>
    %dot_general3A_35 = arith.constant dense<0.000000e+00> : vector<512x128xf32>
    %dot_general3A_36 = tpu.matmul %get3A_31, %get3A_34, %dot_general3A_35 {dimension_numbers = #tpu.dot_dimension_numbers<[1], [0], [0], [1], [0, 0, 1, 1], [], []>, transpose_lhs_hint = false} : vector<512x64xf32>, vector<64x128xf32>, vector<512x128xf32> -> vector<512x128xf32>
    %get3A_37 = arith.constant 0 : index
    %get3A_38 = arith.constant 0 : index
    %get3A_39 = vector.load %arg9[%get3A_37, %get3A_38] : memref<1x128xf32, #tpu.memory_space<vmem>>, vector<1x128xf32>
    %add3A_40 = vector.broadcast %get3A_39 : vector<1x128xf32> to vector<512x128xf32>
    %add3A_41 = arith.addf %dot_general3A_36, %add3A_40 : vector<512x128xf32>
    %add3A_42 = arith.addf %reduce_max3A_26, %add3A_41 : vector<512x128xf32>
    %max3A_43 = arith.constant 0.000000e+00 : f32
    %max3A_44 = vector.broadcast %max3A_43 : f32 to vector<512x128xf32>
    %max3A_45 = arith.maximumf %add3A_42, %max3A_44 : vector<512x128xf32>
    %swap3A = arith.constant 0 : index
    %swap3A_46 = arith.constant 0 : index
    %swap3A_47 = arith.constant 0 : index
    %swap3A_48 = vector.load %arg10[%swap3A, %swap3A_46, %swap3A_47] : memref<1x512x128xf32, #tpu.memory_space<vmem>>, vector<1x512x128xf32>
    %swap3A_49 = vector.shape_cast %swap3A_48 : vector<1x512x128xf32> to vector<512x128xf32>
    %swap3A_50 = vector.shape_cast %max3A_45 : vector<512x128xf32> to vector<1x512x128xf32>
    tpu.vector_store %arg10[%swap3A, %swap3A_46, %swap3A_47], %swap3A_50 {strides = array<i32>} : memref<1x512x128xf32, #tpu.memory_space<vmem>>, vector<1x512x128xf32>,
    return
  }
  func.func @transform_0(%arg0: i32, %arg1: i32) -> (i32, i32, i32, i32) {
    %c0_i32 = arith.constant 0 : i32
    %c0_i32_0 = arith.constant 0 : i32
    %c0_i32_1 = arith.constant 0 : i32
    return %arg0, %arg1, %c0_i32, %c0_i32_0 : i32, i32, i32, i32
  }
  func.func @transform_1(%arg0: i32, %arg1: i32) -> (i32, i32, i32) {
    %c0_i32 = arith.constant 0 : i32
    %c0_i32_0 = arith.constant 0 : i32
    return %arg0, %arg1, %c0_i32 : i32, i32, i32
  }
  func.func @transform_2(%arg0: i32, %arg1: i32) -> (i32, i32) {
    %c0_i32 = arith.constant 0 : i32
    %c0_i32_0 = arith.constant 0 : i32
    %c0_i32_1 = arith.constant 0 : i32
    return %c0_i32, %c0_i32_0 : i32, i32
  }
  func.func @transform_3(%arg0: i32, %arg1: i32) -> (i32, i32) {
    %c0_i32 = arith.constant 0 : i32
    %c0_i32_0 = arith.constant 0 : i32
    %c0_i32_1 = arith.constant 0 : i32
    return %c0_i32, %c0_i32_0 : i32, i32
  }
  func.func @transform_4(%arg0: i32, %arg1: i32) -> (i32, i32) {
    %c0_i32 = arith.constant 0 : i32
    %c0_i32_0 = arith.constant 0 : i32
    %c0_i32_1 = arith.constant 0 : i32
    return %c0_i32, %c0_i32_0 : i32, i32
  }
  func.func @transform_5(%arg0: i32, %arg1: i32) -> (i32, i32) {
    %c0_i32 = arith.constant 0 : i32
    %c0_i32_0 = arith.constant 0 : i32
    %c0_i32_1 = arith.constant 0 : i32
    return %c0_i32, %c0_i32_0 : i32, i32
  }
  func.func @transform_6(%arg0: i32, %arg1: i32) -> (i32, i32) {
    %c0_i32 = arith.constant 0 : i32
    %c0_i32_0 = arith.constant 0 : i32
    %c0_i32_1 = arith.constant 0 : i32
    return %c0_i32, %c0_i32_0 : i32, i32
  }
  func.func @transform_7(%arg0: i32, %arg1: i32) -> (i32, i32) {
    %c0_i32 = arith.constant 0 : i32
    %c0_i32_0 = arith.constant 0 : i32
    %c0_i32_1 = arith.constant 0 : i32
    return %c0_i32, %c0_i32_0 : i32, i32
  }
  func.func @transform_8(%arg0: i32, %arg1: i32) -> (i32, i32, i32) {
    %c0_i32 = arith.constant 0 : i32
    %c0_i32_0 = arith.constant 0 : i32
    return %arg0, %arg1, %c0_i32 : i32, i32, i32
  }
}

module attributes {stable_mosaic.version = 14 : i64} {
  func.func @_sa_kernel(%arg0: i32, %arg1: i32, %arg2: memref<1x128x32x131xf32, #tpu.memory_space<vmem>>, %arg3: memref<1x128x128xf32, #tpu.memory_space<vmem>>, %arg4: memref<131x256xf32, #tpu.memory_space<vmem>>, %arg5: memref<1x256xf32, #tpu.memory_space<vmem>>, %arg6: memref<256x256xf32, #tpu.memory_space<vmem>>, %arg7: memref<1x256xf32, #tpu.memory_space<vmem>>, %arg8: memref<128x256xf32, #tpu.memory_space<vmem>>, %arg9: memref<1x256xf32, #tpu.memory_space<vmem>>, %arg10: memref<1x128x256xf32, #tpu.memory_space<vmem>>) attributes {dimension_semantics = [#tpu.dimension_semantics<parallel>, #tpu.dimension_semantics<arbitrary>], iteration_bounds = array<i64: 4, 1>, scalar_prefetch = 0 : i64, scratch_operands = 0 : i64, tpu.core_type = #tpu.core_type<tc>, window_params = [{transform_indices = @transform_0, window_bounds = array<i64: 1, 128, 32, 131>}, {transform_indices = @transform_1, window_bounds = array<i64: 1, 128, 128>}, {pipeline_mode = #tpu.pipeline_mode<synchronous>, transform_indices = @transform_2, window_bounds = array<i64: 131, 256>}, {pipeline_mode = #tpu.pipeline_mode<synchronous>, transform_indices = @transform_3, window_bounds = array<i64: 1, 256>}, {pipeline_mode = #tpu.pipeline_mode<synchronous>, transform_indices = @transform_4, window_bounds = array<i64: 256, 256>}, {pipeline_mode = #tpu.pipeline_mode<synchronous>, transform_indices = @transform_5, window_bounds = array<i64: 1, 256>}, {pipeline_mode = #tpu.pipeline_mode<synchronous>, transform_indices = @transform_6, window_bounds = array<i64: 128, 256>}, {pipeline_mode = #tpu.pipeline_mode<synchronous>, transform_indices = @transform_7, window_bounds = array<i64: 1, 256>}, {transform_indices = @transform_8, window_bounds = array<i64: 1, 128, 256>}]} {
    %get3A = arith.constant 0 : index
    %get3A_0 = arith.constant 0 : index
    %get3A_1 = arith.constant 0 : index
    %get3A_2 = arith.constant 0 : index
    %get3A_3 = vector.load %arg2[%get3A, %get3A_0, %get3A_1, %get3A_2] : memref<1x128x32x131xf32, #tpu.memory_space<vmem>>, vector<1x128x32x131xf32>
    %get3A_4 = vector.shape_cast %get3A_3 : vector<1x128x32x131xf32> to vector<128x32x131xf32>
    %reshape3A = vector.shape_cast %get3A_4 : vector<128x32x131xf32> to vector<4096x131xf32>
    %get3A_5 = arith.constant 0 : index
    %get3A_6 = arith.constant 0 : index
    %get3A_7 = vector.load %arg4[%get3A_5, %get3A_6] : memref<131x256xf32, #tpu.memory_space<vmem>>, vector<131x256xf32>
    %dot_general3A = arith.constant dense<0.000000e+00> : vector<4096x256xf32>
    %dot_general3A_8 = tpu.matmul %reshape3A, %get3A_7, %dot_general3A {dimension_numbers = #tpu.dot_dimension_numbers<[1], [0], [0], [1], [0, 0, 1, 1], [], []>, transpose_lhs_hint = false} : vector<4096x131xf32>, vector<131x256xf32>, vector<4096x256xf32> -> vector<4096x256xf32>
    %get3A_9 = arith.constant 0 : index
    %get3A_10 = arith.constant 0 : index
    %get3A_11 = vector.load %arg5[%get3A_9, %get3A_10] : memref<1x256xf32, #tpu.memory_space<vmem>>, vector<1x256xf32>
    %add3A = vector.broadcast %get3A_11 : vector<1x256xf32> to vector<4096x256xf32>
    %add3A_12 = arith.addf %dot_general3A_8, %add3A : vector<4096x256xf32>
    %max3A = arith.constant 0.000000e+00 : f32
    %max3A_13 = vector.broadcast %max3A : f32 to vector<4096x256xf32>
    %max3A_14 = arith.maximumf %add3A_12, %max3A_13 : vector<4096x256xf32>
    %get3A_15 = arith.constant 0 : index
    %get3A_16 = arith.constant 0 : index
    %get3A_17 = vector.load %arg6[%get3A_15, %get3A_16] : memref<256x256xf32, #tpu.memory_space<vmem>>, vector<256x256xf32>
    %dot_general3A_18 = arith.constant dense<0.000000e+00> : vector<4096x256xf32>
    %dot_general3A_19 = tpu.matmul %max3A_14, %get3A_17, %dot_general3A_18 {dimension_numbers = #tpu.dot_dimension_numbers<[1], [0], [0], [1], [0, 0, 1, 1], [], []>, transpose_lhs_hint = false} : vector<4096x256xf32>, vector<256x256xf32>, vector<4096x256xf32> -> vector<4096x256xf32>
    %get3A_20 = arith.constant 0 : index
    %get3A_21 = arith.constant 0 : index
    %get3A_22 = vector.load %arg7[%get3A_20, %get3A_21] : memref<1x256xf32, #tpu.memory_space<vmem>>, vector<1x256xf32>
    %add3A_23 = vector.broadcast %get3A_22 : vector<1x256xf32> to vector<4096x256xf32>
    %add3A_24 = arith.addf %dot_general3A_19, %add3A_23 : vector<4096x256xf32>
    %reshape3A_25 = vector.shape_cast %add3A_24 : vector<4096x256xf32> to vector<128x32x256xf32>
    %reduce_max3A = arith.constant dense<0xFF800000> : vector<128x256xf32>
    %reduce_max3A_26 = vector.multi_reduction <maximumf>, %reshape3A_25, %reduce_max3A [1] : vector<128x32x256xf32> to vector<128x256xf32>
    %get3A_27 = arith.constant 0 : index
    %get3A_28 = arith.constant 0 : index
    %get3A_29 = arith.constant 0 : index
    %get3A_30 = vector.load %arg3[%get3A_27, %get3A_28, %get3A_29] : memref<1x128x128xf32, #tpu.memory_space<vmem>>, vector<1x128x128xf32>
    %get3A_31 = vector.shape_cast %get3A_30 : vector<1x128x128xf32> to vector<128x128xf32>
    %get3A_32 = arith.constant 0 : index
    %get3A_33 = arith.constant 0 : index
    %get3A_34 = vector.load %arg8[%get3A_32, %get3A_33] : memref<128x256xf32, #tpu.memory_space<vmem>>, vector<128x256xf32>
    %dot_general3A_35 = arith.constant dense<0.000000e+00> : vector<128x256xf32>
    %dot_general3A_36 = tpu.matmul %get3A_31, %get3A_34, %dot_general3A_35 {dimension_numbers = #tpu.dot_dimension_numbers<[1], [0], [0], [1], [0, 0, 1, 1], [], []>, transpose_lhs_hint = false} : vector<128x128xf32>, vector<128x256xf32>, vector<128x256xf32> -> vector<128x256xf32>
    %get3A_37 = arith.constant 0 : index
    %get3A_38 = arith.constant 0 : index
    %get3A_39 = vector.load %arg9[%get3A_37, %get3A_38] : memref<1x256xf32, #tpu.memory_space<vmem>>, vector<1x256xf32>
    %add3A_40 = vector.broadcast %get3A_39 : vector<1x256xf32> to vector<128x256xf32>
    %add3A_41 = arith.addf %dot_general3A_36, %add3A_40 : vector<128x256xf32>
    %add3A_42 = arith.addf %reduce_max3A_26, %add3A_41 : vector<128x256xf32>
    %max3A_43 = arith.constant 0.000000e+00 : f32
    %max3A_44 = vector.broadcast %max3A_43 : f32 to vector<128x256xf32>
    %max3A_45 = arith.maximumf %add3A_42, %max3A_44 : vector<128x256xf32>
    %swap3A = arith.constant 0 : index
    %swap3A_46 = arith.constant 0 : index
    %swap3A_47 = arith.constant 0 : index
    %swap3A_48 = vector.load %arg10[%swap3A, %swap3A_46, %swap3A_47] : memref<1x128x256xf32, #tpu.memory_space<vmem>>, vector<1x128x256xf32>
    %swap3A_49 = vector.shape_cast %swap3A_48 : vector<1x128x256xf32> to vector<128x256xf32>
    %swap3A_50 = vector.shape_cast %max3A_45 : vector<128x256xf32> to vector<1x128x256xf32>
    tpu.vector_store %arg10[%swap3A, %swap3A_46, %swap3A_47], %swap3A_50 {strides = array<i32>} : memref<1x128x256xf32, #tpu.memory_space<vmem>>, vector<1x128x256xf32>,
    return
  }
  func.func @transform_0(%arg0: i32, %arg1: i32) -> (i32, i32, i32, i32) {
    %c0_i32 = arith.constant 0 : i32
    %c0_i32_0 = arith.constant 0 : i32
    %c0_i32_1 = arith.constant 0 : i32
    return %arg0, %arg1, %c0_i32, %c0_i32_0 : i32, i32, i32, i32
  }
  func.func @transform_1(%arg0: i32, %arg1: i32) -> (i32, i32, i32) {
    %c0_i32 = arith.constant 0 : i32
    %c0_i32_0 = arith.constant 0 : i32
    return %arg0, %arg1, %c0_i32 : i32, i32, i32
  }
  func.func @transform_2(%arg0: i32, %arg1: i32) -> (i32, i32) {
    %c0_i32 = arith.constant 0 : i32
    %c0_i32_0 = arith.constant 0 : i32
    %c0_i32_1 = arith.constant 0 : i32
    return %c0_i32, %c0_i32_0 : i32, i32
  }
  func.func @transform_3(%arg0: i32, %arg1: i32) -> (i32, i32) {
    %c0_i32 = arith.constant 0 : i32
    %c0_i32_0 = arith.constant 0 : i32
    %c0_i32_1 = arith.constant 0 : i32
    return %c0_i32, %c0_i32_0 : i32, i32
  }
  func.func @transform_4(%arg0: i32, %arg1: i32) -> (i32, i32) {
    %c0_i32 = arith.constant 0 : i32
    %c0_i32_0 = arith.constant 0 : i32
    %c0_i32_1 = arith.constant 0 : i32
    return %c0_i32, %c0_i32_0 : i32, i32
  }
  func.func @transform_5(%arg0: i32, %arg1: i32) -> (i32, i32) {
    %c0_i32 = arith.constant 0 : i32
    %c0_i32_0 = arith.constant 0 : i32
    %c0_i32_1 = arith.constant 0 : i32
    return %c0_i32, %c0_i32_0 : i32, i32
  }
  func.func @transform_6(%arg0: i32, %arg1: i32) -> (i32, i32) {
    %c0_i32 = arith.constant 0 : i32
    %c0_i32_0 = arith.constant 0 : i32
    %c0_i32_1 = arith.constant 0 : i32
    return %c0_i32, %c0_i32_0 : i32, i32
  }
  func.func @transform_7(%arg0: i32, %arg1: i32) -> (i32, i32) {
    %c0_i32 = arith.constant 0 : i32
    %c0_i32_0 = arith.constant 0 : i32
    %c0_i32_1 = arith.constant 0 : i32
    return %c0_i32, %c0_i32_0 : i32, i32
  }
  func.func @transform_8(%arg0: i32, %arg1: i32) -> (i32, i32, i32) {
    %c0_i32 = arith.constant 0 : i32
    %c0_i32_0 = arith.constant 0 : i32
    return %arg0, %arg1, %c0_i32 : i32, i32, i32
  }
}

module attributes {stable_mosaic.version = 14 : i64} {
  func.func @_sa_kernel(%arg0: i32, %arg1: i32, %arg2: memref<1x32x32x259xf32, #tpu.memory_space<vmem>>, %arg3: memref<1x32x256xf32, #tpu.memory_space<vmem>>, %arg4: memref<259x512xf32, #tpu.memory_space<vmem>>, %arg5: memref<1x512xf32, #tpu.memory_space<vmem>>, %arg6: memref<512x512xf32, #tpu.memory_space<vmem>>, %arg7: memref<1x512xf32, #tpu.memory_space<vmem>>, %arg8: memref<256x512xf32, #tpu.memory_space<vmem>>, %arg9: memref<1x512xf32, #tpu.memory_space<vmem>>, %arg10: memref<1x32x512xf32, #tpu.memory_space<vmem>>) attributes {dimension_semantics = [#tpu.dimension_semantics<parallel>, #tpu.dimension_semantics<arbitrary>], iteration_bounds = array<i64: 4, 1>, scalar_prefetch = 0 : i64, scratch_operands = 0 : i64, tpu.core_type = #tpu.core_type<tc>, window_params = [{transform_indices = @transform_0, window_bounds = array<i64: 1, 32, 32, 259>}, {transform_indices = @transform_1, window_bounds = array<i64: 1, 32, 256>}, {pipeline_mode = #tpu.pipeline_mode<synchronous>, transform_indices = @transform_2, window_bounds = array<i64: 259, 512>}, {pipeline_mode = #tpu.pipeline_mode<synchronous>, transform_indices = @transform_3, window_bounds = array<i64: 1, 512>}, {pipeline_mode = #tpu.pipeline_mode<synchronous>, transform_indices = @transform_4, window_bounds = array<i64: 512, 512>}, {pipeline_mode = #tpu.pipeline_mode<synchronous>, transform_indices = @transform_5, window_bounds = array<i64: 1, 512>}, {pipeline_mode = #tpu.pipeline_mode<synchronous>, transform_indices = @transform_6, window_bounds = array<i64: 256, 512>}, {pipeline_mode = #tpu.pipeline_mode<synchronous>, transform_indices = @transform_7, window_bounds = array<i64: 1, 512>}, {transform_indices = @transform_8, window_bounds = array<i64: 1, 32, 512>}]} {
    %get3A = arith.constant 0 : index
    %get3A_0 = arith.constant 0 : index
    %get3A_1 = arith.constant 0 : index
    %get3A_2 = arith.constant 0 : index
    %get3A_3 = vector.load %arg2[%get3A, %get3A_0, %get3A_1, %get3A_2] : memref<1x32x32x259xf32, #tpu.memory_space<vmem>>, vector<1x32x32x259xf32>
    %get3A_4 = vector.shape_cast %get3A_3 : vector<1x32x32x259xf32> to vector<32x32x259xf32>
    %reshape3A = vector.shape_cast %get3A_4 : vector<32x32x259xf32> to vector<1024x259xf32>
    %get3A_5 = arith.constant 0 : index
    %get3A_6 = arith.constant 0 : index
    %get3A_7 = vector.load %arg4[%get3A_5, %get3A_6] : memref<259x512xf32, #tpu.memory_space<vmem>>, vector<259x512xf32>
    %dot_general3A = arith.constant dense<0.000000e+00> : vector<1024x512xf32>
    %dot_general3A_8 = tpu.matmul %reshape3A, %get3A_7, %dot_general3A {dimension_numbers = #tpu.dot_dimension_numbers<[1], [0], [0], [1], [0, 0, 1, 1], [], []>, transpose_lhs_hint = false} : vector<1024x259xf32>, vector<259x512xf32>, vector<1024x512xf32> -> vector<1024x512xf32>
    %get3A_9 = arith.constant 0 : index
    %get3A_10 = arith.constant 0 : index
    %get3A_11 = vector.load %arg5[%get3A_9, %get3A_10] : memref<1x512xf32, #tpu.memory_space<vmem>>, vector<1x512xf32>
    %add3A = vector.broadcast %get3A_11 : vector<1x512xf32> to vector<1024x512xf32>
    %add3A_12 = arith.addf %dot_general3A_8, %add3A : vector<1024x512xf32>
    %max3A = arith.constant 0.000000e+00 : f32
    %max3A_13 = vector.broadcast %max3A : f32 to vector<1024x512xf32>
    %max3A_14 = arith.maximumf %add3A_12, %max3A_13 : vector<1024x512xf32>
    %get3A_15 = arith.constant 0 : index
    %get3A_16 = arith.constant 0 : index
    %get3A_17 = vector.load %arg6[%get3A_15, %get3A_16] : memref<512x512xf32, #tpu.memory_space<vmem>>, vector<512x512xf32>
    %dot_general3A_18 = arith.constant dense<0.000000e+00> : vector<1024x512xf32>
    %dot_general3A_19 = tpu.matmul %max3A_14, %get3A_17, %dot_general3A_18 {dimension_numbers = #tpu.dot_dimension_numbers<[1], [0], [0], [1], [0, 0, 1, 1], [], []>, transpose_lhs_hint = false} : vector<1024x512xf32>, vector<512x512xf32>, vector<1024x512xf32> -> vector<1024x512xf32>
    %get3A_20 = arith.constant 0 : index
    %get3A_21 = arith.constant 0 : index
    %get3A_22 = vector.load %arg7[%get3A_20, %get3A_21] : memref<1x512xf32, #tpu.memory_space<vmem>>, vector<1x512xf32>
    %add3A_23 = vector.broadcast %get3A_22 : vector<1x512xf32> to vector<1024x512xf32>
    %add3A_24 = arith.addf %dot_general3A_19, %add3A_23 : vector<1024x512xf32>
    %reshape3A_25 = vector.shape_cast %add3A_24 : vector<1024x512xf32> to vector<32x32x512xf32>
    %reduce_max3A = arith.constant dense<0xFF800000> : vector<32x512xf32>
    %reduce_max3A_26 = vector.multi_reduction <maximumf>, %reshape3A_25, %reduce_max3A [1] : vector<32x32x512xf32> to vector<32x512xf32>
    %get3A_27 = arith.constant 0 : index
    %get3A_28 = arith.constant 0 : index
    %get3A_29 = arith.constant 0 : index
    %get3A_30 = vector.load %arg3[%get3A_27, %get3A_28, %get3A_29] : memref<1x32x256xf32, #tpu.memory_space<vmem>>, vector<1x32x256xf32>
    %get3A_31 = vector.shape_cast %get3A_30 : vector<1x32x256xf32> to vector<32x256xf32>
    %get3A_32 = arith.constant 0 : index
    %get3A_33 = arith.constant 0 : index
    %get3A_34 = vector.load %arg8[%get3A_32, %get3A_33] : memref<256x512xf32, #tpu.memory_space<vmem>>, vector<256x512xf32>
    %dot_general3A_35 = arith.constant dense<0.000000e+00> : vector<32x512xf32>
    %dot_general3A_36 = tpu.matmul %get3A_31, %get3A_34, %dot_general3A_35 {dimension_numbers = #tpu.dot_dimension_numbers<[1], [0], [0], [1], [0, 0, 1, 1], [], []>, transpose_lhs_hint = false} : vector<32x256xf32>, vector<256x512xf32>, vector<32x512xf32> -> vector<32x512xf32>
    %get3A_37 = arith.constant 0 : index
    %get3A_38 = arith.constant 0 : index
    %get3A_39 = vector.load %arg9[%get3A_37, %get3A_38] : memref<1x512xf32, #tpu.memory_space<vmem>>, vector<1x512xf32>
    %add3A_40 = vector.broadcast %get3A_39 : vector<1x512xf32> to vector<32x512xf32>
    %add3A_41 = arith.addf %dot_general3A_36, %add3A_40 : vector<32x512xf32>
    %add3A_42 = arith.addf %reduce_max3A_26, %add3A_41 : vector<32x512xf32>
    %max3A_43 = arith.constant 0.000000e+00 : f32
    %max3A_44 = vector.broadcast %max3A_43 : f32 to vector<32x512xf32>
    %max3A_45 = arith.maximumf %add3A_42, %max3A_44 : vector<32x512xf32>
    %swap3A = arith.constant 0 : index
    %swap3A_46 = arith.constant 0 : index
    %swap3A_47 = arith.constant 0 : index
    %swap3A_48 = vector.load %arg10[%swap3A, %swap3A_46, %swap3A_47] : memref<1x32x512xf32, #tpu.memory_space<vmem>>, vector<1x32x512xf32>
    %swap3A_49 = vector.shape_cast %swap3A_48 : vector<1x32x512xf32> to vector<32x512xf32>
    %swap3A_50 = vector.shape_cast %max3A_45 : vector<32x512xf32> to vector<1x32x512xf32>
    tpu.vector_store %arg10[%swap3A, %swap3A_46, %swap3A_47], %swap3A_50 {strides = array<i32>} : memref<1x32x512xf32, #tpu.memory_space<vmem>>, vector<1x32x512xf32>,
    return
  }
  func.func @transform_0(%arg0: i32, %arg1: i32) -> (i32, i32, i32, i32) {
    %c0_i32 = arith.constant 0 : i32
    %c0_i32_0 = arith.constant 0 : i32
    %c0_i32_1 = arith.constant 0 : i32
    return %arg0, %arg1, %c0_i32, %c0_i32_0 : i32, i32, i32, i32
  }
  func.func @transform_1(%arg0: i32, %arg1: i32) -> (i32, i32, i32) {
    %c0_i32 = arith.constant 0 : i32
    %c0_i32_0 = arith.constant 0 : i32
    return %arg0, %arg1, %c0_i32 : i32, i32, i32
  }
  func.func @transform_2(%arg0: i32, %arg1: i32) -> (i32, i32) {
    %c0_i32 = arith.constant 0 : i32
    %c0_i32_0 = arith.constant 0 : i32
    %c0_i32_1 = arith.constant 0 : i32
    return %c0_i32, %c0_i32_0 : i32, i32
  }
  func.func @transform_3(%arg0: i32, %arg1: i32) -> (i32, i32) {
    %c0_i32 = arith.constant 0 : i32
    %c0_i32_0 = arith.constant 0 : i32
    %c0_i32_1 = arith.constant 0 : i32
    return %c0_i32, %c0_i32_0 : i32, i32
  }
  func.func @transform_4(%arg0: i32, %arg1: i32) -> (i32, i32) {
    %c0_i32 = arith.constant 0 : i32
    %c0_i32_0 = arith.constant 0 : i32
    %c0_i32_1 = arith.constant 0 : i32
    return %c0_i32, %c0_i32_0 : i32, i32
  }
  func.func @transform_5(%arg0: i32, %arg1: i32) -> (i32, i32) {
    %c0_i32 = arith.constant 0 : i32
    %c0_i32_0 = arith.constant 0 : i32
    %c0_i32_1 = arith.constant 0 : i32
    return %c0_i32, %c0_i32_0 : i32, i32
  }
  func.func @transform_6(%arg0: i32, %arg1: i32) -> (i32, i32) {
    %c0_i32 = arith.constant 0 : i32
    %c0_i32_0 = arith.constant 0 : i32
    %c0_i32_1 = arith.constant 0 : i32
    return %c0_i32, %c0_i32_0 : i32, i32
  }
  func.func @transform_7(%arg0: i32, %arg1: i32) -> (i32, i32) {
    %c0_i32 = arith.constant 0 : i32
    %c0_i32_0 = arith.constant 0 : i32
    %c0_i32_1 = arith.constant 0 : i32
    return %c0_i32, %c0_i32_0 : i32, i32
  }
  func.func @transform_8(%arg0: i32, %arg1: i32) -> (i32, i32, i32) {
    %c0_i32 = arith.constant 0 : i32
    %c0_i32_0 = arith.constant 0 : i32
    return %arg0, %arg1, %c0_i32 : i32, i32, i32
  }
}

module attributes {stable_mosaic.version = 14 : i64} {
  func.func @_fp_kernel(%arg0: i32, %arg1: i32, %arg2: memref<1x128x3xf32, #tpu.memory_space<vmem>>, %arg3: memref<1x32x3xf32, #tpu.memory_space<vmem>>, %arg4: memref<1x32x512xf32, #tpu.memory_space<vmem>>, %arg5: memref<1x128x256xf32, #tpu.memory_space<vmem>>, %arg6: memref<512x256xf32, #tpu.memory_space<vmem>>, %arg7: memref<256x256xf32, #tpu.memory_space<vmem>>, %arg8: memref<1x256xf32, #tpu.memory_space<vmem>>, %arg9: memref<256x256xf32, #tpu.memory_space<vmem>>, %arg10: memref<1x256xf32, #tpu.memory_space<vmem>>, %arg11: memref<1x128x256xf32, #tpu.memory_space<vmem>>) attributes {dimension_semantics = [#tpu.dimension_semantics<parallel>, #tpu.dimension_semantics<arbitrary>], iteration_bounds = array<i64: 4, 1>, scalar_prefetch = 0 : i64, scratch_operands = 0 : i64, tpu.core_type = #tpu.core_type<tc>, window_params = [{transform_indices = @transform_0, window_bounds = array<i64: 1, 128, 3>}, {transform_indices = @transform_1, window_bounds = array<i64: 1, 32, 3>}, {transform_indices = @transform_2, window_bounds = array<i64: 1, 32, 512>}, {transform_indices = @transform_3, window_bounds = array<i64: 1, 128, 256>}, {pipeline_mode = #tpu.pipeline_mode<synchronous>, transform_indices = @transform_4, window_bounds = array<i64: 512, 256>}, {pipeline_mode = #tpu.pipeline_mode<synchronous>, transform_indices = @transform_5, window_bounds = array<i64: 256, 256>}, {pipeline_mode = #tpu.pipeline_mode<synchronous>, transform_indices = @transform_6, window_bounds = array<i64: 1, 256>}, {pipeline_mode = #tpu.pipeline_mode<synchronous>, transform_indices = @transform_7, window_bounds = array<i64: 256, 256>}, {pipeline_mode = #tpu.pipeline_mode<synchronous>, transform_indices = @transform_8, window_bounds = array<i64: 1, 256>}, {transform_indices = @transform_9, window_bounds = array<i64: 1, 128, 256>}]} {
    %get3A = arith.constant 0 : index
    %get3A_0 = arith.constant 0 : index
    %get3A_1 = arith.constant 0 : index
    %get3A_2 = vector.load %arg2[%get3A, %get3A_0, %get3A_1] : memref<1x128x3xf32, #tpu.memory_space<vmem>>, vector<1x128x3xf32>
    %get3A_3 = vector.shape_cast %get3A_2 : vector<1x128x3xf32> to vector<128x3xf32>
    %get3A_4 = arith.constant 0 : index
    %get3A_5 = arith.constant 0 : index
    %get3A_6 = arith.constant 0 : index
    %get3A_7 = vector.load %arg3[%get3A_4, %get3A_5, %get3A_6] : memref<1x32x3xf32, #tpu.memory_space<vmem>>, vector<1x32x3xf32>
    %get3A_8 = vector.shape_cast %get3A_7 : vector<1x32x3xf32> to vector<32x3xf32>
    %broadcast_in_dim3A = arith.constant 0.000000e+00 : f32
    %broadcast_in_dim3A_9 = vector.broadcast %broadcast_in_dim3A : f32 to vector<128x32xf32>
    %slice3A = vector.extract_strided_slice %get3A_3 {offsets = [0, 0], sizes = [128, 1], strides = [1, 1]} : vector<128x3xf32> to vector<128x1xf32>
    %slice3A_10 = vector.extract_strided_slice %get3A_8 {offsets = [0, 0], sizes = [32, 1], strides = [1, 1]} : vector<32x3xf32> to vector<32x1xf32>
    %squeeze3A = vector.shape_cast %slice3A_10 : vector<32x1xf32> to vector<32xf32>
    %broadcast_in_dim3A_11 = vector.shape_cast %squeeze3A : vector<32xf32> to vector<1x32xf32>
    %sub3A = vector.broadcast %slice3A : vector<128x1xf32> to vector<128x32xf32>
    %sub3A_12 = vector.broadcast %broadcast_in_dim3A_11 : vector<1x32xf32> to vector<128x32xf32>
    %sub3A_13 = arith.subf %sub3A, %sub3A_12 : vector<128x32xf32>
    %mul3A = arith.mulf %sub3A_13, %sub3A_13 : vector<128x32xf32>
    %add3A = arith.addf %broadcast_in_dim3A_9, %mul3A : vector<128x32xf32>
    %slice3A_14 = vector.extract_strided_slice %get3A_3 {offsets = [0, 1], sizes = [128, 1], strides = [1, 1]} : vector<128x3xf32> to vector<128x1xf32>
    %slice3A_15 = vector.extract_strided_slice %get3A_8 {offsets = [0, 1], sizes = [32, 1], strides = [1, 1]} : vector<32x3xf32> to vector<32x1xf32>
    %squeeze3A_16 = vector.shape_cast %slice3A_15 : vector<32x1xf32> to vector<32xf32>
    %broadcast_in_dim3A_17 = vector.shape_cast %squeeze3A_16 : vector<32xf32> to vector<1x32xf32>
    %sub3A_18 = vector.broadcast %slice3A_14 : vector<128x1xf32> to vector<128x32xf32>
    %sub3A_19 = vector.broadcast %broadcast_in_dim3A_17 : vector<1x32xf32> to vector<128x32xf32>
    %sub3A_20 = arith.subf %sub3A_18, %sub3A_19 : vector<128x32xf32>
    %mul3A_21 = arith.mulf %sub3A_20, %sub3A_20 : vector<128x32xf32>
    %add3A_22 = arith.addf %add3A, %mul3A_21 : vector<128x32xf32>
    %slice3A_23 = vector.extract_strided_slice %get3A_3 {offsets = [0, 2], sizes = [128, 1], strides = [1, 1]} : vector<128x3xf32> to vector<128x1xf32>
    %slice3A_24 = vector.extract_strided_slice %get3A_8 {offsets = [0, 2], sizes = [32, 1], strides = [1, 1]} : vector<32x3xf32> to vector<32x1xf32>
    %squeeze3A_25 = vector.shape_cast %slice3A_24 : vector<32x1xf32> to vector<32xf32>
    %broadcast_in_dim3A_26 = vector.shape_cast %squeeze3A_25 : vector<32xf32> to vector<1x32xf32>
    %sub3A_27 = vector.broadcast %slice3A_23 : vector<128x1xf32> to vector<128x32xf32>
    %sub3A_28 = vector.broadcast %broadcast_in_dim3A_26 : vector<1x32xf32> to vector<128x32xf32>
    %sub3A_29 = arith.subf %sub3A_27, %sub3A_28 : vector<128x32xf32>
    %mul3A_30 = arith.mulf %sub3A_29, %sub3A_29 : vector<128x32xf32>
    %add3A_31 = arith.addf %add3A_22, %mul3A_30 : vector<128x32xf32>
    %iota3A = tpu.iota {dimensions = array<i32: 1>} : vector<1x32xi32>
    %broadcast_in_dim3A_32 = arith.constant 0.000000e+00 : f32
    %broadcast_in_dim3A_33 = vector.broadcast %broadcast_in_dim3A_32 : f32 to vector<128x32xf32>
    %reduce_min3A = arith.constant dense<0x7F800000> : vector<128xf32>
    %reduce_min3A_34 = vector.multi_reduction <minimumf>, %add3A_31, %reduce_min3A [1] : vector<128x32xf32> to vector<128xf32>
    %broadcast_in_dim3A_35 = vector.shape_cast %reduce_min3A_34 : vector<128xf32> to vector<128x1xf32>
    %argmin3A = tpu.reduce_index %add3A_31 {axis = 1 : i32, kind = #tpu.reduction_kind<arg_min>} : vector<128x32xf32> -> vector<128xi32>
    %broadcast_in_dim3A_36 = vector.shape_cast %argmin3A : vector<128xi32> to vector<128x1xi32>
    %eq3A = vector.broadcast %iota3A : vector<1x32xi32> to vector<128x32xi32>
    %eq3A_37 = vector.broadcast %broadcast_in_dim3A_36 : vector<128x1xi32> to vector<128x32xi32>
    %eq3A_38 = arith.cmpi eq, %eq3A, %eq3A_37 : vector<128x32xi32>
    %convert_element_type3A = arith.extui %eq3A_38 : vector<128x32xi1> to vector<128x32xi32>
    %convert_element_type3A_39 = arith.sitofp %convert_element_type3A : vector<128x32xi32> to vector<128x32xf32>
    %add3A_40 = arith.constant 9.99999993E-9 : f32
    %add3A_41 = vector.broadcast %add3A_40 : f32 to vector<128x1xf32>
    %add3A_42 = arith.addf %broadcast_in_dim3A_35, %add3A_41 : vector<128x1xf32>
    %div3A = vector.broadcast %add3A_42 : vector<128x1xf32> to vector<128x32xf32>
    %div3A_43 = arith.divf %convert_element_type3A_39, %div3A : vector<128x32xf32>
    %add3A_44 = arith.addf %broadcast_in_dim3A_33, %div3A_43 : vector<128x32xf32>
    %mul3A_45 = arith.constant 1.000000e+10 : f32
    %mul3A_46 = vector.broadcast %mul3A_45 : f32 to vector<128x32xf32>
    %mul3A_47 = arith.mulf %convert_element_type3A_39, %mul3A_46 : vector<128x32xf32>
    %add3A_48 = arith.addf %add3A_31, %mul3A_47 : vector<128x32xf32>
    %reduce_min3A_49 = arith.constant dense<0x7F800000> : vector<128xf32>
    %reduce_min3A_50 = vector.multi_reduction <minimumf>, %add3A_48, %reduce_min3A_49 [1] : vector<128x32xf32> to vector<128xf32>
    %broadcast_in_dim3A_51 = vector.shape_cast %reduce_min3A_50 : vector<128xf32> to vector<128x1xf32>
    %argmin3A_52 = tpu.reduce_index %add3A_48 {axis = 1 : i32, kind = #tpu.reduction_kind<arg_min>} : vector<128x32xf32> -> vector<128xi32>
    %broadcast_in_dim3A_53 = vector.shape_cast %argmin3A_52 : vector<128xi32> to vector<128x1xi32>
    %eq3A_54 = vector.broadcast %iota3A : vector<1x32xi32> to vector<128x32xi32>
    %eq3A_55 = vector.broadcast %broadcast_in_dim3A_53 : vector<128x1xi32> to vector<128x32xi32>
    %eq3A_56 = arith.cmpi eq, %eq3A_54, %eq3A_55 : vector<128x32xi32>
    %convert_element_type3A_57 = arith.extui %eq3A_56 : vector<128x32xi1> to vector<128x32xi32>
    %convert_element_type3A_58 = arith.sitofp %convert_element_type3A_57 : vector<128x32xi32> to vector<128x32xf32>
    %add3A_59 = arith.constant 9.99999993E-9 : f32
    %add3A_60 = vector.broadcast %add3A_59 : f32 to vector<128x1xf32>
    %add3A_61 = arith.addf %broadcast_in_dim3A_51, %add3A_60 : vector<128x1xf32>
    %div3A_62 = vector.broadcast %add3A_61 : vector<128x1xf32> to vector<128x32xf32>
    %div3A_63 = arith.divf %convert_element_type3A_58, %div3A_62 : vector<128x32xf32>
    %add3A_64 = arith.addf %add3A_44, %div3A_63 : vector<128x32xf32>
    %mul3A_65 = arith.constant 1.000000e+10 : f32
    %mul3A_66 = vector.broadcast %mul3A_65 : f32 to vector<128x32xf32>
    %mul3A_67 = arith.mulf %convert_element_type3A_58, %mul3A_66 : vector<128x32xf32>
    %add3A_68 = arith.addf %add3A_48, %mul3A_67 : vector<128x32xf32>
    %reduce_min3A_69 = arith.constant dense<0x7F800000> : vector<128xf32>
    %reduce_min3A_70 = vector.multi_reduction <minimumf>, %add3A_68, %reduce_min3A_69 [1] : vector<128x32xf32> to vector<128xf32>
    %broadcast_in_dim3A_71 = vector.shape_cast %reduce_min3A_70 : vector<128xf32> to vector<128x1xf32>
    %argmin3A_72 = tpu.reduce_index %add3A_68 {axis = 1 : i32, kind = #tpu.reduction_kind<arg_min>} : vector<128x32xf32> -> vector<128xi32>
    %broadcast_in_dim3A_73 = vector.shape_cast %argmin3A_72 : vector<128xi32> to vector<128x1xi32>
    %eq3A_74 = vector.broadcast %iota3A : vector<1x32xi32> to vector<128x32xi32>
    %eq3A_75 = vector.broadcast %broadcast_in_dim3A_73 : vector<128x1xi32> to vector<128x32xi32>
    %eq3A_76 = arith.cmpi eq, %eq3A_74, %eq3A_75 : vector<128x32xi32>
    %convert_element_type3A_77 = arith.extui %eq3A_76 : vector<128x32xi1> to vector<128x32xi32>
    %convert_element_type3A_78 = arith.sitofp %convert_element_type3A_77 : vector<128x32xi32> to vector<128x32xf32>
    %add3A_79 = arith.constant 9.99999993E-9 : f32
    %add3A_80 = vector.broadcast %add3A_79 : f32 to vector<128x1xf32>
    %add3A_81 = arith.addf %broadcast_in_dim3A_71, %add3A_80 : vector<128x1xf32>
    %div3A_82 = vector.broadcast %add3A_81 : vector<128x1xf32> to vector<128x32xf32>
    %div3A_83 = arith.divf %convert_element_type3A_78, %div3A_82 : vector<128x32xf32>
    %add3A_84 = arith.addf %add3A_64, %div3A_83 : vector<128x32xf32>
    %reduce_sum3A = arith.constant dense<0.000000e+00> : vector<128xf32>
    %reduce_sum3A_85 = vector.multi_reduction <add>, %add3A_84, %reduce_sum3A [1] : vector<128x32xf32> to vector<128xf32>
    %broadcast_in_dim3A_86 = vector.shape_cast %reduce_sum3A_85 : vector<128xf32> to vector<128x1xf32>
    %div3A_87 = vector.broadcast %broadcast_in_dim3A_86 : vector<128x1xf32> to vector<128x32xf32>
    %div3A_88 = arith.divf %add3A_84, %div3A_87 : vector<128x32xf32>
    %get3A_89 = arith.constant 0 : index
    %get3A_90 = arith.constant 0 : index
    %get3A_91 = arith.constant 0 : index
    %get3A_92 = vector.load %arg4[%get3A_89, %get3A_90, %get3A_91] : memref<1x32x512xf32, #tpu.memory_space<vmem>>, vector<1x32x512xf32>
    %get3A_93 = vector.shape_cast %get3A_92 : vector<1x32x512xf32> to vector<32x512xf32>
    %dot_general3A = arith.constant dense<0.000000e+00> : vector<128x512xf32>
    %dot_general3A_94 = tpu.matmul %div3A_88, %get3A_93, %dot_general3A {dimension_numbers = #tpu.dot_dimension_numbers<[1], [0], [0], [1], [0, 0, 1, 1], [], []>, transpose_lhs_hint = false} : vector<128x32xf32>, vector<32x512xf32>, vector<128x512xf32> -> vector<128x512xf32>
    %get3A_95 = arith.constant 0 : index
    %get3A_96 = arith.constant 0 : index
    %get3A_97 = vector.load %arg6[%get3A_95, %get3A_96] : memref<512x256xf32, #tpu.memory_space<vmem>>, vector<512x256xf32>
    %dot_general3A_98 = arith.constant dense<0.000000e+00> : vector<128x256xf32>
    %dot_general3A_99 = tpu.matmul %dot_general3A_94, %get3A_97, %dot_general3A_98 {dimension_numbers = #tpu.dot_dimension_numbers<[1], [0], [0], [1], [0, 0, 1, 1], [], []>, transpose_lhs_hint = false} : vector<128x512xf32>, vector<512x256xf32>, vector<128x256xf32> -> vector<128x256xf32>
    %get3A_100 = arith.constant 0 : index
    %get3A_101 = arith.constant 0 : index
    %get3A_102 = arith.constant 0 : index
    %get3A_103 = vector.load %arg5[%get3A_100, %get3A_101, %get3A_102] : memref<1x128x256xf32, #tpu.memory_space<vmem>>, vector<1x128x256xf32>
    %get3A_104 = vector.shape_cast %get3A_103 : vector<1x128x256xf32> to vector<128x256xf32>
    %get3A_105 = arith.constant 0 : index
    %get3A_106 = arith.constant 0 : index
    %get3A_107 = vector.load %arg7[%get3A_105, %get3A_106] : memref<256x256xf32, #tpu.memory_space<vmem>>, vector<256x256xf32>
    %dot_general3A_108 = arith.constant dense<0.000000e+00> : vector<128x256xf32>
    %dot_general3A_109 = tpu.matmul %get3A_104, %get3A_107, %dot_general3A_108 {dimension_numbers = #tpu.dot_dimension_numbers<[1], [0], [0], [1], [0, 0, 1, 1], [], []>, transpose_lhs_hint = false} : vector<128x256xf32>, vector<256x256xf32>, vector<128x256xf32> -> vector<128x256xf32>
    %add3A_110 = arith.addf %dot_general3A_99, %dot_general3A_109 : vector<128x256xf32>
    %get3A_111 = arith.constant 0 : index
    %get3A_112 = arith.constant 0 : index
    %get3A_113 = vector.load %arg8[%get3A_111, %get3A_112] : memref<1x256xf32, #tpu.memory_space<vmem>>, vector<1x256xf32>
    %add3A_114 = vector.broadcast %get3A_113 : vector<1x256xf32> to vector<128x256xf32>
    %add3A_115 = arith.addf %add3A_110, %add3A_114 : vector<128x256xf32>
    %max3A = arith.constant 0.000000e+00 : f32
    %max3A_116 = vector.broadcast %max3A : f32 to vector<128x256xf32>
    %max3A_117 = arith.maximumf %add3A_115, %max3A_116 : vector<128x256xf32>
    %get3A_118 = arith.constant 0 : index
    %get3A_119 = arith.constant 0 : index
    %get3A_120 = vector.load %arg9[%get3A_118, %get3A_119] : memref<256x256xf32, #tpu.memory_space<vmem>>, vector<256x256xf32>
    %dot_general3A_121 = arith.constant dense<0.000000e+00> : vector<128x256xf32>
    %dot_general3A_122 = tpu.matmul %max3A_117, %get3A_120, %dot_general3A_121 {dimension_numbers = #tpu.dot_dimension_numbers<[1], [0], [0], [1], [0, 0, 1, 1], [], []>, transpose_lhs_hint = false} : vector<128x256xf32>, vector<256x256xf32>, vector<128x256xf32> -> vector<128x256xf32>
    %get3A_123 = arith.constant 0 : index
    %get3A_124 = arith.constant 0 : index
    %get3A_125 = vector.load %arg10[%get3A_123, %get3A_124] : memref<1x256xf32, #tpu.memory_space<vmem>>, vector<1x256xf32>
    %add3A_126 = vector.broadcast %get3A_125 : vector<1x256xf32> to vector<128x256xf32>
    %add3A_127 = arith.addf %dot_general3A_122, %add3A_126 : vector<128x256xf32>
    %max3A_128 = arith.constant 0.000000e+00 : f32
    %max3A_129 = vector.broadcast %max3A_128 : f32 to vector<128x256xf32>
    %max3A_130 = arith.maximumf %add3A_127, %max3A_129 : vector<128x256xf32>
    %swap3A = arith.constant 0 : index
    %swap3A_131 = arith.constant 0 : index
    %swap3A_132 = arith.constant 0 : index
    %swap3A_133 = vector.load %arg11[%swap3A, %swap3A_131, %swap3A_132] : memref<1x128x256xf32, #tpu.memory_space<vmem>>, vector<1x128x256xf32>
    %swap3A_134 = vector.shape_cast %swap3A_133 : vector<1x128x256xf32> to vector<128x256xf32>
    %swap3A_135 = vector.shape_cast %max3A_130 : vector<128x256xf32> to vector<1x128x256xf32>
    tpu.vector_store %arg11[%swap3A, %swap3A_131, %swap3A_132], %swap3A_135 {strides = array<i32>} : memref<1x128x256xf32, #tpu.memory_space<vmem>>, vector<1x128x256xf32>,
    return
  }
  func.func @transform_0(%arg0: i32, %arg1: i32) -> (i32, i32, i32) {
    %c0_i32 = arith.constant 0 : i32
    %c0_i32_0 = arith.constant 0 : i32
    return %arg0, %arg1, %c0_i32 : i32, i32, i32
  }
  func.func @transform_1(%arg0: i32, %arg1: i32) -> (i32, i32, i32) {
    %c0_i32 = arith.constant 0 : i32
    %c0_i32_0 = arith.constant 0 : i32
    %c0_i32_1 = arith.constant 0 : i32
    return %arg0, %c0_i32, %c0_i32_0 : i32, i32, i32
  }
  func.func @transform_2(%arg0: i32, %arg1: i32) -> (i32, i32, i32) {
    %c0_i32 = arith.constant 0 : i32
    %c0_i32_0 = arith.constant 0 : i32
    %c0_i32_1 = arith.constant 0 : i32
    return %arg0, %c0_i32, %c0_i32_0 : i32, i32, i32
  }
  func.func @transform_3(%arg0: i32, %arg1: i32) -> (i32, i32, i32) {
    %c0_i32 = arith.constant 0 : i32
    %c0_i32_0 = arith.constant 0 : i32
    return %arg0, %arg1, %c0_i32 : i32, i32, i32
  }
  func.func @transform_4(%arg0: i32, %arg1: i32) -> (i32, i32) {
    %c0_i32 = arith.constant 0 : i32
    %c0_i32_0 = arith.constant 0 : i32
    %c0_i32_1 = arith.constant 0 : i32
    return %c0_i32, %c0_i32_0 : i32, i32
  }
  func.func @transform_5(%arg0: i32, %arg1: i32) -> (i32, i32) {
    %c0_i32 = arith.constant 0 : i32
    %c0_i32_0 = arith.constant 0 : i32
    %c0_i32_1 = arith.constant 0 : i32
    return %c0_i32, %c0_i32_0 : i32, i32
  }
  func.func @transform_6(%arg0: i32, %arg1: i32) -> (i32, i32) {
    %c0_i32 = arith.constant 0 : i32
    %c0_i32_0 = arith.constant 0 : i32
    %c0_i32_1 = arith.constant 0 : i32
    return %c0_i32, %c0_i32_0 : i32, i32
  }
  func.func @transform_7(%arg0: i32, %arg1: i32) -> (i32, i32) {
    %c0_i32 = arith.constant 0 : i32
    %c0_i32_0 = arith.constant 0 : i32
    %c0_i32_1 = arith.constant 0 : i32
    return %c0_i32, %c0_i32_0 : i32, i32
  }
  func.func @transform_8(%arg0: i32, %arg1: i32) -> (i32, i32) {
    %c0_i32 = arith.constant 0 : i32
    %c0_i32_0 = arith.constant 0 : i32
    %c0_i32_1 = arith.constant 0 : i32
    return %c0_i32, %c0_i32_0 : i32, i32
  }
  func.func @transform_9(%arg0: i32, %arg1: i32) -> (i32, i32, i32) {
    %c0_i32 = arith.constant 0 : i32
    %c0_i32_0 = arith.constant 0 : i32
    return %arg0, %arg1, %c0_i32 : i32, i32, i32
  }
}

module attributes {stable_mosaic.version = 14 : i64} {
  func.func @_fp_kernel(%arg0: i32, %arg1: i32, %arg2: memref<1x512x3xf32, #tpu.memory_space<vmem>>, %arg3: memref<1x128x3xf32, #tpu.memory_space<vmem>>, %arg4: memref<1x128x256xf32, #tpu.memory_space<vmem>>, %arg5: memref<1x512x128xf32, #tpu.memory_space<vmem>>, %arg6: memref<256x128xf32, #tpu.memory_space<vmem>>, %arg7: memref<128x128xf32, #tpu.memory_space<vmem>>, %arg8: memref<1x128xf32, #tpu.memory_space<vmem>>, %arg9: memref<128x128xf32, #tpu.memory_space<vmem>>, %arg10: memref<1x128xf32, #tpu.memory_space<vmem>>, %arg11: memref<1x512x128xf32, #tpu.memory_space<vmem>>) attributes {dimension_semantics = [#tpu.dimension_semantics<parallel>, #tpu.dimension_semantics<arbitrary>], iteration_bounds = array<i64: 4, 1>, scalar_prefetch = 0 : i64, scratch_operands = 0 : i64, tpu.core_type = #tpu.core_type<tc>, window_params = [{transform_indices = @transform_0, window_bounds = array<i64: 1, 512, 3>}, {transform_indices = @transform_1, window_bounds = array<i64: 1, 128, 3>}, {transform_indices = @transform_2, window_bounds = array<i64: 1, 128, 256>}, {transform_indices = @transform_3, window_bounds = array<i64: 1, 512, 128>}, {pipeline_mode = #tpu.pipeline_mode<synchronous>, transform_indices = @transform_4, window_bounds = array<i64: 256, 128>}, {pipeline_mode = #tpu.pipeline_mode<synchronous>, transform_indices = @transform_5, window_bounds = array<i64: 128, 128>}, {pipeline_mode = #tpu.pipeline_mode<synchronous>, transform_indices = @transform_6, window_bounds = array<i64: 1, 128>}, {pipeline_mode = #tpu.pipeline_mode<synchronous>, transform_indices = @transform_7, window_bounds = array<i64: 128, 128>}, {pipeline_mode = #tpu.pipeline_mode<synchronous>, transform_indices = @transform_8, window_bounds = array<i64: 1, 128>}, {transform_indices = @transform_9, window_bounds = array<i64: 1, 512, 128>}]} {
    %get3A = arith.constant 0 : index
    %get3A_0 = arith.constant 0 : index
    %get3A_1 = arith.constant 0 : index
    %get3A_2 = vector.load %arg2[%get3A, %get3A_0, %get3A_1] : memref<1x512x3xf32, #tpu.memory_space<vmem>>, vector<1x512x3xf32>
    %get3A_3 = vector.shape_cast %get3A_2 : vector<1x512x3xf32> to vector<512x3xf32>
    %get3A_4 = arith.constant 0 : index
    %get3A_5 = arith.constant 0 : index
    %get3A_6 = arith.constant 0 : index
    %get3A_7 = vector.load %arg3[%get3A_4, %get3A_5, %get3A_6] : memref<1x128x3xf32, #tpu.memory_space<vmem>>, vector<1x128x3xf32>
    %get3A_8 = vector.shape_cast %get3A_7 : vector<1x128x3xf32> to vector<128x3xf32>
    %broadcast_in_dim3A = arith.constant 0.000000e+00 : f32
    %broadcast_in_dim3A_9 = vector.broadcast %broadcast_in_dim3A : f32 to vector<512x128xf32>
    %slice3A = vector.extract_strided_slice %get3A_3 {offsets = [0, 0], sizes = [512, 1], strides = [1, 1]} : vector<512x3xf32> to vector<512x1xf32>
    %slice3A_10 = vector.extract_strided_slice %get3A_8 {offsets = [0, 0], sizes = [128, 1], strides = [1, 1]} : vector<128x3xf32> to vector<128x1xf32>
    %squeeze3A = vector.shape_cast %slice3A_10 : vector<128x1xf32> to vector<128xf32>
    %broadcast_in_dim3A_11 = vector.shape_cast %squeeze3A : vector<128xf32> to vector<1x128xf32>
    %sub3A = vector.broadcast %slice3A : vector<512x1xf32> to vector<512x128xf32>
    %sub3A_12 = vector.broadcast %broadcast_in_dim3A_11 : vector<1x128xf32> to vector<512x128xf32>
    %sub3A_13 = arith.subf %sub3A, %sub3A_12 : vector<512x128xf32>
    %mul3A = arith.mulf %sub3A_13, %sub3A_13 : vector<512x128xf32>
    %add3A = arith.addf %broadcast_in_dim3A_9, %mul3A : vector<512x128xf32>
    %slice3A_14 = vector.extract_strided_slice %get3A_3 {offsets = [0, 1], sizes = [512, 1], strides = [1, 1]} : vector<512x3xf32> to vector<512x1xf32>
    %slice3A_15 = vector.extract_strided_slice %get3A_8 {offsets = [0, 1], sizes = [128, 1], strides = [1, 1]} : vector<128x3xf32> to vector<128x1xf32>
    %squeeze3A_16 = vector.shape_cast %slice3A_15 : vector<128x1xf32> to vector<128xf32>
    %broadcast_in_dim3A_17 = vector.shape_cast %squeeze3A_16 : vector<128xf32> to vector<1x128xf32>
    %sub3A_18 = vector.broadcast %slice3A_14 : vector<512x1xf32> to vector<512x128xf32>
    %sub3A_19 = vector.broadcast %broadcast_in_dim3A_17 : vector<1x128xf32> to vector<512x128xf32>
    %sub3A_20 = arith.subf %sub3A_18, %sub3A_19 : vector<512x128xf32>
    %mul3A_21 = arith.mulf %sub3A_20, %sub3A_20 : vector<512x128xf32>
    %add3A_22 = arith.addf %add3A, %mul3A_21 : vector<512x128xf32>
    %slice3A_23 = vector.extract_strided_slice %get3A_3 {offsets = [0, 2], sizes = [512, 1], strides = [1, 1]} : vector<512x3xf32> to vector<512x1xf32>
    %slice3A_24 = vector.extract_strided_slice %get3A_8 {offsets = [0, 2], sizes = [128, 1], strides = [1, 1]} : vector<128x3xf32> to vector<128x1xf32>
    %squeeze3A_25 = vector.shape_cast %slice3A_24 : vector<128x1xf32> to vector<128xf32>
    %broadcast_in_dim3A_26 = vector.shape_cast %squeeze3A_25 : vector<128xf32> to vector<1x128xf32>
    %sub3A_27 = vector.broadcast %slice3A_23 : vector<512x1xf32> to vector<512x128xf32>
    %sub3A_28 = vector.broadcast %broadcast_in_dim3A_26 : vector<1x128xf32> to vector<512x128xf32>
    %sub3A_29 = arith.subf %sub3A_27, %sub3A_28 : vector<512x128xf32>
    %mul3A_30 = arith.mulf %sub3A_29, %sub3A_29 : vector<512x128xf32>
    %add3A_31 = arith.addf %add3A_22, %mul3A_30 : vector<512x128xf32>
    %iota3A = tpu.iota {dimensions = array<i32: 1>} : vector<1x128xi32>
    %broadcast_in_dim3A_32 = arith.constant 0.000000e+00 : f32
    %broadcast_in_dim3A_33 = vector.broadcast %broadcast_in_dim3A_32 : f32 to vector<512x128xf32>
    %reduce_min3A = arith.constant dense<0x7F800000> : vector<512xf32>
    %reduce_min3A_34 = vector.multi_reduction <minimumf>, %add3A_31, %reduce_min3A [1] : vector<512x128xf32> to vector<512xf32>
    %broadcast_in_dim3A_35 = vector.shape_cast %reduce_min3A_34 : vector<512xf32> to vector<512x1xf32>
    %argmin3A = tpu.reduce_index %add3A_31 {axis = 1 : i32, kind = #tpu.reduction_kind<arg_min>} : vector<512x128xf32> -> vector<512xi32>
    %broadcast_in_dim3A_36 = vector.shape_cast %argmin3A : vector<512xi32> to vector<512x1xi32>
    %eq3A = vector.broadcast %iota3A : vector<1x128xi32> to vector<512x128xi32>
    %eq3A_37 = vector.broadcast %broadcast_in_dim3A_36 : vector<512x1xi32> to vector<512x128xi32>
    %eq3A_38 = arith.cmpi eq, %eq3A, %eq3A_37 : vector<512x128xi32>
    %convert_element_type3A = arith.extui %eq3A_38 : vector<512x128xi1> to vector<512x128xi32>
    %convert_element_type3A_39 = arith.sitofp %convert_element_type3A : vector<512x128xi32> to vector<512x128xf32>
    %add3A_40 = arith.constant 9.99999993E-9 : f32
    %add3A_41 = vector.broadcast %add3A_40 : f32 to vector<512x1xf32>
    %add3A_42 = arith.addf %broadcast_in_dim3A_35, %add3A_41 : vector<512x1xf32>
    %div3A = vector.broadcast %add3A_42 : vector<512x1xf32> to vector<512x128xf32>
    %div3A_43 = arith.divf %convert_element_type3A_39, %div3A : vector<512x128xf32>
    %add3A_44 = arith.addf %broadcast_in_dim3A_33, %div3A_43 : vector<512x128xf32>
    %mul3A_45 = arith.constant 1.000000e+10 : f32
    %mul3A_46 = vector.broadcast %mul3A_45 : f32 to vector<512x128xf32>
    %mul3A_47 = arith.mulf %convert_element_type3A_39, %mul3A_46 : vector<512x128xf32>
    %add3A_48 = arith.addf %add3A_31, %mul3A_47 : vector<512x128xf32>
    %reduce_min3A_49 = arith.constant dense<0x7F800000> : vector<512xf32>
    %reduce_min3A_50 = vector.multi_reduction <minimumf>, %add3A_48, %reduce_min3A_49 [1] : vector<512x128xf32> to vector<512xf32>
    %broadcast_in_dim3A_51 = vector.shape_cast %reduce_min3A_50 : vector<512xf32> to vector<512x1xf32>
    %argmin3A_52 = tpu.reduce_index %add3A_48 {axis = 1 : i32, kind = #tpu.reduction_kind<arg_min>} : vector<512x128xf32> -> vector<512xi32>
    %broadcast_in_dim3A_53 = vector.shape_cast %argmin3A_52 : vector<512xi32> to vector<512x1xi32>
    %eq3A_54 = vector.broadcast %iota3A : vector<1x128xi32> to vector<512x128xi32>
    %eq3A_55 = vector.broadcast %broadcast_in_dim3A_53 : vector<512x1xi32> to vector<512x128xi32>
    %eq3A_56 = arith.cmpi eq, %eq3A_54, %eq3A_55 : vector<512x128xi32>
    %convert_element_type3A_57 = arith.extui %eq3A_56 : vector<512x128xi1> to vector<512x128xi32>
    %convert_element_type3A_58 = arith.sitofp %convert_element_type3A_57 : vector<512x128xi32> to vector<512x128xf32>
    %add3A_59 = arith.constant 9.99999993E-9 : f32
    %add3A_60 = vector.broadcast %add3A_59 : f32 to vector<512x1xf32>
    %add3A_61 = arith.addf %broadcast_in_dim3A_51, %add3A_60 : vector<512x1xf32>
    %div3A_62 = vector.broadcast %add3A_61 : vector<512x1xf32> to vector<512x128xf32>
    %div3A_63 = arith.divf %convert_element_type3A_58, %div3A_62 : vector<512x128xf32>
    %add3A_64 = arith.addf %add3A_44, %div3A_63 : vector<512x128xf32>
    %mul3A_65 = arith.constant 1.000000e+10 : f32
    %mul3A_66 = vector.broadcast %mul3A_65 : f32 to vector<512x128xf32>
    %mul3A_67 = arith.mulf %convert_element_type3A_58, %mul3A_66 : vector<512x128xf32>
    %add3A_68 = arith.addf %add3A_48, %mul3A_67 : vector<512x128xf32>
    %reduce_min3A_69 = arith.constant dense<0x7F800000> : vector<512xf32>
    %reduce_min3A_70 = vector.multi_reduction <minimumf>, %add3A_68, %reduce_min3A_69 [1] : vector<512x128xf32> to vector<512xf32>
    %broadcast_in_dim3A_71 = vector.shape_cast %reduce_min3A_70 : vector<512xf32> to vector<512x1xf32>
    %argmin3A_72 = tpu.reduce_index %add3A_68 {axis = 1 : i32, kind = #tpu.reduction_kind<arg_min>} : vector<512x128xf32> -> vector<512xi32>
    %broadcast_in_dim3A_73 = vector.shape_cast %argmin3A_72 : vector<512xi32> to vector<512x1xi32>
    %eq3A_74 = vector.broadcast %iota3A : vector<1x128xi32> to vector<512x128xi32>
    %eq3A_75 = vector.broadcast %broadcast_in_dim3A_73 : vector<512x1xi32> to vector<512x128xi32>
    %eq3A_76 = arith.cmpi eq, %eq3A_74, %eq3A_75 : vector<512x128xi32>
    %convert_element_type3A_77 = arith.extui %eq3A_76 : vector<512x128xi1> to vector<512x128xi32>
    %convert_element_type3A_78 = arith.sitofp %convert_element_type3A_77 : vector<512x128xi32> to vector<512x128xf32>
    %add3A_79 = arith.constant 9.99999993E-9 : f32
    %add3A_80 = vector.broadcast %add3A_79 : f32 to vector<512x1xf32>
    %add3A_81 = arith.addf %broadcast_in_dim3A_71, %add3A_80 : vector<512x1xf32>
    %div3A_82 = vector.broadcast %add3A_81 : vector<512x1xf32> to vector<512x128xf32>
    %div3A_83 = arith.divf %convert_element_type3A_78, %div3A_82 : vector<512x128xf32>
    %add3A_84 = arith.addf %add3A_64, %div3A_83 : vector<512x128xf32>
    %reduce_sum3A = arith.constant dense<0.000000e+00> : vector<512xf32>
    %reduce_sum3A_85 = vector.multi_reduction <add>, %add3A_84, %reduce_sum3A [1] : vector<512x128xf32> to vector<512xf32>
    %broadcast_in_dim3A_86 = vector.shape_cast %reduce_sum3A_85 : vector<512xf32> to vector<512x1xf32>
    %div3A_87 = vector.broadcast %broadcast_in_dim3A_86 : vector<512x1xf32> to vector<512x128xf32>
    %div3A_88 = arith.divf %add3A_84, %div3A_87 : vector<512x128xf32>
    %get3A_89 = arith.constant 0 : index
    %get3A_90 = arith.constant 0 : index
    %get3A_91 = arith.constant 0 : index
    %get3A_92 = vector.load %arg4[%get3A_89, %get3A_90, %get3A_91] : memref<1x128x256xf32, #tpu.memory_space<vmem>>, vector<1x128x256xf32>
    %get3A_93 = vector.shape_cast %get3A_92 : vector<1x128x256xf32> to vector<128x256xf32>
    %dot_general3A = arith.constant dense<0.000000e+00> : vector<512x256xf32>
    %dot_general3A_94 = tpu.matmul %div3A_88, %get3A_93, %dot_general3A {dimension_numbers = #tpu.dot_dimension_numbers<[1], [0], [0], [1], [0, 0, 1, 1], [], []>, transpose_lhs_hint = false} : vector<512x128xf32>, vector<128x256xf32>, vector<512x256xf32> -> vector<512x256xf32>
    %get3A_95 = arith.constant 0 : index
    %get3A_96 = arith.constant 0 : index
    %get3A_97 = vector.load %arg6[%get3A_95, %get3A_96] : memref<256x128xf32, #tpu.memory_space<vmem>>, vector<256x128xf32>
    %dot_general3A_98 = arith.constant dense<0.000000e+00> : vector<512x128xf32>
    %dot_general3A_99 = tpu.matmul %dot_general3A_94, %get3A_97, %dot_general3A_98 {dimension_numbers = #tpu.dot_dimension_numbers<[1], [0], [0], [1], [0, 0, 1, 1], [], []>, transpose_lhs_hint = false} : vector<512x256xf32>, vector<256x128xf32>, vector<512x128xf32> -> vector<512x128xf32>
    %get3A_100 = arith.constant 0 : index
    %get3A_101 = arith.constant 0 : index
    %get3A_102 = arith.constant 0 : index
    %get3A_103 = vector.load %arg5[%get3A_100, %get3A_101, %get3A_102] : memref<1x512x128xf32, #tpu.memory_space<vmem>>, vector<1x512x128xf32>
    %get3A_104 = vector.shape_cast %get3A_103 : vector<1x512x128xf32> to vector<512x128xf32>
    %get3A_105 = arith.constant 0 : index
    %get3A_106 = arith.constant 0 : index
    %get3A_107 = vector.load %arg7[%get3A_105, %get3A_106] : memref<128x128xf32, #tpu.memory_space<vmem>>, vector<128x128xf32>
    %dot_general3A_108 = arith.constant dense<0.000000e+00> : vector<512x128xf32>
    %dot_general3A_109 = tpu.matmul %get3A_104, %get3A_107, %dot_general3A_108 {dimension_numbers = #tpu.dot_dimension_numbers<[1], [0], [0], [1], [0, 0, 1, 1], [], []>, transpose_lhs_hint = false} : vector<512x128xf32>, vector<128x128xf32>, vector<512x128xf32> -> vector<512x128xf32>
    %add3A_110 = arith.addf %dot_general3A_99, %dot_general3A_109 : vector<512x128xf32>
    %get3A_111 = arith.constant 0 : index
    %get3A_112 = arith.constant 0 : index
    %get3A_113 = vector.load %arg8[%get3A_111, %get3A_112] : memref<1x128xf32, #tpu.memory_space<vmem>>, vector<1x128xf32>
    %add3A_114 = vector.broadcast %get3A_113 : vector<1x128xf32> to vector<512x128xf32>
    %add3A_115 = arith.addf %add3A_110, %add3A_114 : vector<512x128xf32>
    %max3A = arith.constant 0.000000e+00 : f32
    %max3A_116 = vector.broadcast %max3A : f32 to vector<512x128xf32>
    %max3A_117 = arith.maximumf %add3A_115, %max3A_116 : vector<512x128xf32>
    %get3A_118 = arith.constant 0 : index
    %get3A_119 = arith.constant 0 : index
    %get3A_120 = vector.load %arg9[%get3A_118, %get3A_119] : memref<128x128xf32, #tpu.memory_space<vmem>>, vector<128x128xf32>
    %dot_general3A_121 = arith.constant dense<0.000000e+00> : vector<512x128xf32>
    %dot_general3A_122 = tpu.matmul %max3A_117, %get3A_120, %dot_general3A_121 {dimension_numbers = #tpu.dot_dimension_numbers<[1], [0], [0], [1], [0, 0, 1, 1], [], []>, transpose_lhs_hint = false} : vector<512x128xf32>, vector<128x128xf32>, vector<512x128xf32> -> vector<512x128xf32>
    %get3A_123 = arith.constant 0 : index
    %get3A_124 = arith.constant 0 : index
    %get3A_125 = vector.load %arg10[%get3A_123, %get3A_124] : memref<1x128xf32, #tpu.memory_space<vmem>>, vector<1x128xf32>
    %add3A_126 = vector.broadcast %get3A_125 : vector<1x128xf32> to vector<512x128xf32>
    %add3A_127 = arith.addf %dot_general3A_122, %add3A_126 : vector<512x128xf32>
    %max3A_128 = arith.constant 0.000000e+00 : f32
    %max3A_129 = vector.broadcast %max3A_128 : f32 to vector<512x128xf32>
    %max3A_130 = arith.maximumf %add3A_127, %max3A_129 : vector<512x128xf32>
    %swap3A = arith.constant 0 : index
    %swap3A_131 = arith.constant 0 : index
    %swap3A_132 = arith.constant 0 : index
    %swap3A_133 = vector.load %arg11[%swap3A, %swap3A_131, %swap3A_132] : memref<1x512x128xf32, #tpu.memory_space<vmem>>, vector<1x512x128xf32>
    %swap3A_134 = vector.shape_cast %swap3A_133 : vector<1x512x128xf32> to vector<512x128xf32>
    %swap3A_135 = vector.shape_cast %max3A_130 : vector<512x128xf32> to vector<1x512x128xf32>
    tpu.vector_store %arg11[%swap3A, %swap3A_131, %swap3A_132], %swap3A_135 {strides = array<i32>} : memref<1x512x128xf32, #tpu.memory_space<vmem>>, vector<1x512x128xf32>,
    return
  }
  func.func @transform_0(%arg0: i32, %arg1: i32) -> (i32, i32, i32) {
    %c0_i32 = arith.constant 0 : i32
    %c0_i32_0 = arith.constant 0 : i32
    return %arg0, %arg1, %c0_i32 : i32, i32, i32
  }
  func.func @transform_1(%arg0: i32, %arg1: i32) -> (i32, i32, i32) {
    %c0_i32 = arith.constant 0 : i32
    %c0_i32_0 = arith.constant 0 : i32
    %c0_i32_1 = arith.constant 0 : i32
    return %arg0, %c0_i32, %c0_i32_0 : i32, i32, i32
  }
  func.func @transform_2(%arg0: i32, %arg1: i32) -> (i32, i32, i32) {
    %c0_i32 = arith.constant 0 : i32
    %c0_i32_0 = arith.constant 0 : i32
    %c0_i32_1 = arith.constant 0 : i32
    return %arg0, %c0_i32, %c0_i32_0 : i32, i32, i32
  }
  func.func @transform_3(%arg0: i32, %arg1: i32) -> (i32, i32, i32) {
    %c0_i32 = arith.constant 0 : i32
    %c0_i32_0 = arith.constant 0 : i32
    return %arg0, %arg1, %c0_i32 : i32, i32, i32
  }
  func.func @transform_4(%arg0: i32, %arg1: i32) -> (i32, i32) {
    %c0_i32 = arith.constant 0 : i32
    %c0_i32_0 = arith.constant 0 : i32
    %c0_i32_1 = arith.constant 0 : i32
    return %c0_i32, %c0_i32_0 : i32, i32
  }
  func.func @transform_5(%arg0: i32, %arg1: i32) -> (i32, i32) {
    %c0_i32 = arith.constant 0 : i32
    %c0_i32_0 = arith.constant 0 : i32
    %c0_i32_1 = arith.constant 0 : i32
    return %c0_i32, %c0_i32_0 : i32, i32
  }
  func.func @transform_6(%arg0: i32, %arg1: i32) -> (i32, i32) {
    %c0_i32 = arith.constant 0 : i32
    %c0_i32_0 = arith.constant 0 : i32
    %c0_i32_1 = arith.constant 0 : i32
    return %c0_i32, %c0_i32_0 : i32, i32
  }
  func.func @transform_7(%arg0: i32, %arg1: i32) -> (i32, i32) {
    %c0_i32 = arith.constant 0 : i32
    %c0_i32_0 = arith.constant 0 : i32
    %c0_i32_1 = arith.constant 0 : i32
    return %c0_i32, %c0_i32_0 : i32, i32
  }
  func.func @transform_8(%arg0: i32, %arg1: i32) -> (i32, i32) {
    %c0_i32 = arith.constant 0 : i32
    %c0_i32_0 = arith.constant 0 : i32
    %c0_i32_1 = arith.constant 0 : i32
    return %c0_i32, %c0_i32_0 : i32, i32
  }
  func.func @transform_9(%arg0: i32, %arg1: i32) -> (i32, i32, i32) {
    %c0_i32 = arith.constant 0 : i32
    %c0_i32_0 = arith.constant 0 : i32
    return %arg0, %arg1, %c0_i32 : i32, i32, i32
  }
}

module attributes {stable_mosaic.version = 14 : i64} {
  func.func @_fp_kernel(%arg0: i32, %arg1: i32, %arg2: memref<1x512x3xf32, #tpu.memory_space<vmem>>, %arg3: memref<1x512x3xf32, #tpu.memory_space<vmem>>, %arg4: memref<1x512x128xf32, #tpu.memory_space<vmem>>, %arg5: memref<1x512x64xf32, #tpu.memory_space<vmem>>, %arg6: memref<128x64xf32, #tpu.memory_space<vmem>>, %arg7: memref<64x64xf32, #tpu.memory_space<vmem>>, %arg8: memref<1x64xf32, #tpu.memory_space<vmem>>, %arg9: memref<64x64xf32, #tpu.memory_space<vmem>>, %arg10: memref<1x64xf32, #tpu.memory_space<vmem>>, %arg11: memref<1x512x64xf32, #tpu.memory_space<vmem>>) attributes {dimension_semantics = [#tpu.dimension_semantics<parallel>, #tpu.dimension_semantics<arbitrary>], iteration_bounds = array<i64: 4, 4>, scalar_prefetch = 0 : i64, scratch_operands = 0 : i64, tpu.core_type = #tpu.core_type<tc>, window_params = [{transform_indices = @transform_0, window_bounds = array<i64: 1, 512, 3>}, {transform_indices = @transform_1, window_bounds = array<i64: 1, 512, 3>}, {transform_indices = @transform_2, window_bounds = array<i64: 1, 512, 128>}, {transform_indices = @transform_3, window_bounds = array<i64: 1, 512, 64>}, {pipeline_mode = #tpu.pipeline_mode<synchronous>, transform_indices = @transform_4, window_bounds = array<i64: 128, 64>}, {pipeline_mode = #tpu.pipeline_mode<synchronous>, transform_indices = @transform_5, window_bounds = array<i64: 64, 64>}, {pipeline_mode = #tpu.pipeline_mode<synchronous>, transform_indices = @transform_6, window_bounds = array<i64: 1, 64>}, {pipeline_mode = #tpu.pipeline_mode<synchronous>, transform_indices = @transform_7, window_bounds = array<i64: 64, 64>}, {pipeline_mode = #tpu.pipeline_mode<synchronous>, transform_indices = @transform_8, window_bounds = array<i64: 1, 64>}, {transform_indices = @transform_9, window_bounds = array<i64: 1, 512, 64>}]} {
    %get3A = arith.constant 0 : index
    %get3A_0 = arith.constant 0 : index
    %get3A_1 = arith.constant 0 : index
    %get3A_2 = vector.load %arg2[%get3A, %get3A_0, %get3A_1] : memref<1x512x3xf32, #tpu.memory_space<vmem>>, vector<1x512x3xf32>
    %get3A_3 = vector.shape_cast %get3A_2 : vector<1x512x3xf32> to vector<512x3xf32>
    %get3A_4 = arith.constant 0 : index
    %get3A_5 = arith.constant 0 : index
    %get3A_6 = arith.constant 0 : index
    %get3A_7 = vector.load %arg3[%get3A_4, %get3A_5, %get3A_6] : memref<1x512x3xf32, #tpu.memory_space<vmem>>, vector<1x512x3xf32>
    %get3A_8 = vector.shape_cast %get3A_7 : vector<1x512x3xf32> to vector<512x3xf32>
    %broadcast_in_dim3A = arith.constant 0.000000e+00 : f32
    %broadcast_in_dim3A_9 = vector.broadcast %broadcast_in_dim3A : f32 to vector<512x512xf32>
    %slice3A = vector.extract_strided_slice %get3A_3 {offsets = [0, 0], sizes = [512, 1], strides = [1, 1]} : vector<512x3xf32> to vector<512x1xf32>
    %slice3A_10 = vector.extract_strided_slice %get3A_8 {offsets = [0, 0], sizes = [512, 1], strides = [1, 1]} : vector<512x3xf32> to vector<512x1xf32>
    %squeeze3A = vector.shape_cast %slice3A_10 : vector<512x1xf32> to vector<512xf32>
    %broadcast_in_dim3A_11 = vector.shape_cast %squeeze3A : vector<512xf32> to vector<1x512xf32>
    %sub3A = vector.broadcast %slice3A : vector<512x1xf32> to vector<512x512xf32>
    %sub3A_12 = vector.broadcast %broadcast_in_dim3A_11 : vector<1x512xf32> to vector<512x512xf32>
    %sub3A_13 = arith.subf %sub3A, %sub3A_12 : vector<512x512xf32>
    %mul3A = arith.mulf %sub3A_13, %sub3A_13 : vector<512x512xf32>
    %add3A = arith.addf %broadcast_in_dim3A_9, %mul3A : vector<512x512xf32>
    %slice3A_14 = vector.extract_strided_slice %get3A_3 {offsets = [0, 1], sizes = [512, 1], strides = [1, 1]} : vector<512x3xf32> to vector<512x1xf32>
    %slice3A_15 = vector.extract_strided_slice %get3A_8 {offsets = [0, 1], sizes = [512, 1], strides = [1, 1]} : vector<512x3xf32> to vector<512x1xf32>
    %squeeze3A_16 = vector.shape_cast %slice3A_15 : vector<512x1xf32> to vector<512xf32>
    %broadcast_in_dim3A_17 = vector.shape_cast %squeeze3A_16 : vector<512xf32> to vector<1x512xf32>
    %sub3A_18 = vector.broadcast %slice3A_14 : vector<512x1xf32> to vector<512x512xf32>
    %sub3A_19 = vector.broadcast %broadcast_in_dim3A_17 : vector<1x512xf32> to vector<512x512xf32>
    %sub3A_20 = arith.subf %sub3A_18, %sub3A_19 : vector<512x512xf32>
    %mul3A_21 = arith.mulf %sub3A_20, %sub3A_20 : vector<512x512xf32>
    %add3A_22 = arith.addf %add3A, %mul3A_21 : vector<512x512xf32>
    %slice3A_23 = vector.extract_strided_slice %get3A_3 {offsets = [0, 2], sizes = [512, 1], strides = [1, 1]} : vector<512x3xf32> to vector<512x1xf32>
    %slice3A_24 = vector.extract_strided_slice %get3A_8 {offsets = [0, 2], sizes = [512, 1], strides = [1, 1]} : vector<512x3xf32> to vector<512x1xf32>
    %squeeze3A_25 = vector.shape_cast %slice3A_24 : vector<512x1xf32> to vector<512xf32>
    %broadcast_in_dim3A_26 = vector.shape_cast %squeeze3A_25 : vector<512xf32> to vector<1x512xf32>
    %sub3A_27 = vector.broadcast %slice3A_23 : vector<512x1xf32> to vector<512x512xf32>
    %sub3A_28 = vector.broadcast %broadcast_in_dim3A_26 : vector<1x512xf32> to vector<512x512xf32>
    %sub3A_29 = arith.subf %sub3A_27, %sub3A_28 : vector<512x512xf32>
    %mul3A_30 = arith.mulf %sub3A_29, %sub3A_29 : vector<512x512xf32>
    %add3A_31 = arith.addf %add3A_22, %mul3A_30 : vector<512x512xf32>
    %iota3A = tpu.iota {dimensions = array<i32: 1>} : vector<1x512xi32>
    %broadcast_in_dim3A_32 = arith.constant 0.000000e+00 : f32
    %broadcast_in_dim3A_33 = vector.broadcast %broadcast_in_dim3A_32 : f32 to vector<512x512xf32>
    %reduce_min3A = arith.constant dense<0x7F800000> : vector<512xf32>
    %reduce_min3A_34 = vector.multi_reduction <minimumf>, %add3A_31, %reduce_min3A [1] : vector<512x512xf32> to vector<512xf32>
    %broadcast_in_dim3A_35 = vector.shape_cast %reduce_min3A_34 : vector<512xf32> to vector<512x1xf32>
    %argmin3A = tpu.reduce_index %add3A_31 {axis = 1 : i32, kind = #tpu.reduction_kind<arg_min>} : vector<512x512xf32> -> vector<512xi32>
    %broadcast_in_dim3A_36 = vector.shape_cast %argmin3A : vector<512xi32> to vector<512x1xi32>
    %eq3A = vector.broadcast %iota3A : vector<1x512xi32> to vector<512x512xi32>
    %eq3A_37 = vector.broadcast %broadcast_in_dim3A_36 : vector<512x1xi32> to vector<512x512xi32>
    %eq3A_38 = arith.cmpi eq, %eq3A, %eq3A_37 : vector<512x512xi32>
    %convert_element_type3A = arith.extui %eq3A_38 : vector<512x512xi1> to vector<512x512xi32>
    %convert_element_type3A_39 = arith.sitofp %convert_element_type3A : vector<512x512xi32> to vector<512x512xf32>
    %add3A_40 = arith.constant 9.99999993E-9 : f32
    %add3A_41 = vector.broadcast %add3A_40 : f32 to vector<512x1xf32>
    %add3A_42 = arith.addf %broadcast_in_dim3A_35, %add3A_41 : vector<512x1xf32>
    %div3A = vector.broadcast %add3A_42 : vector<512x1xf32> to vector<512x512xf32>
    %div3A_43 = arith.divf %convert_element_type3A_39, %div3A : vector<512x512xf32>
    %add3A_44 = arith.addf %broadcast_in_dim3A_33, %div3A_43 : vector<512x512xf32>
    %mul3A_45 = arith.constant 1.000000e+10 : f32
    %mul3A_46 = vector.broadcast %mul3A_45 : f32 to vector<512x512xf32>
    %mul3A_47 = arith.mulf %convert_element_type3A_39, %mul3A_46 : vector<512x512xf32>
    %add3A_48 = arith.addf %add3A_31, %mul3A_47 : vector<512x512xf32>
    %reduce_min3A_49 = arith.constant dense<0x7F800000> : vector<512xf32>
    %reduce_min3A_50 = vector.multi_reduction <minimumf>, %add3A_48, %reduce_min3A_49 [1] : vector<512x512xf32> to vector<512xf32>
    %broadcast_in_dim3A_51 = vector.shape_cast %reduce_min3A_50 : vector<512xf32> to vector<512x1xf32>
    %argmin3A_52 = tpu.reduce_index %add3A_48 {axis = 1 : i32, kind = #tpu.reduction_kind<arg_min>} : vector<512x512xf32> -> vector<512xi32>
    %broadcast_in_dim3A_53 = vector.shape_cast %argmin3A_52 : vector<512xi32> to vector<512x1xi32>
    %eq3A_54 = vector.broadcast %iota3A : vector<1x512xi32> to vector<512x512xi32>
    %eq3A_55 = vector.broadcast %broadcast_in_dim3A_53 : vector<512x1xi32> to vector<512x512xi32>
    %eq3A_56 = arith.cmpi eq, %eq3A_54, %eq3A_55 : vector<512x512xi32>
    %convert_element_type3A_57 = arith.extui %eq3A_56 : vector<512x512xi1> to vector<512x512xi32>
    %convert_element_type3A_58 = arith.sitofp %convert_element_type3A_57 : vector<512x512xi32> to vector<512x512xf32>
    %add3A_59 = arith.constant 9.99999993E-9 : f32
    %add3A_60 = vector.broadcast %add3A_59 : f32 to vector<512x1xf32>
    %add3A_61 = arith.addf %broadcast_in_dim3A_51, %add3A_60 : vector<512x1xf32>
    %div3A_62 = vector.broadcast %add3A_61 : vector<512x1xf32> to vector<512x512xf32>
    %div3A_63 = arith.divf %convert_element_type3A_58, %div3A_62 : vector<512x512xf32>
    %add3A_64 = arith.addf %add3A_44, %div3A_63 : vector<512x512xf32>
    %mul3A_65 = arith.constant 1.000000e+10 : f32
    %mul3A_66 = vector.broadcast %mul3A_65 : f32 to vector<512x512xf32>
    %mul3A_67 = arith.mulf %convert_element_type3A_58, %mul3A_66 : vector<512x512xf32>
    %add3A_68 = arith.addf %add3A_48, %mul3A_67 : vector<512x512xf32>
    %reduce_min3A_69 = arith.constant dense<0x7F800000> : vector<512xf32>
    %reduce_min3A_70 = vector.multi_reduction <minimumf>, %add3A_68, %reduce_min3A_69 [1] : vector<512x512xf32> to vector<512xf32>
    %broadcast_in_dim3A_71 = vector.shape_cast %reduce_min3A_70 : vector<512xf32> to vector<512x1xf32>
    %argmin3A_72 = tpu.reduce_index %add3A_68 {axis = 1 : i32, kind = #tpu.reduction_kind<arg_min>} : vector<512x512xf32> -> vector<512xi32>
    %broadcast_in_dim3A_73 = vector.shape_cast %argmin3A_72 : vector<512xi32> to vector<512x1xi32>
    %eq3A_74 = vector.broadcast %iota3A : vector<1x512xi32> to vector<512x512xi32>
    %eq3A_75 = vector.broadcast %broadcast_in_dim3A_73 : vector<512x1xi32> to vector<512x512xi32>
    %eq3A_76 = arith.cmpi eq, %eq3A_74, %eq3A_75 : vector<512x512xi32>
    %convert_element_type3A_77 = arith.extui %eq3A_76 : vector<512x512xi1> to vector<512x512xi32>
    %convert_element_type3A_78 = arith.sitofp %convert_element_type3A_77 : vector<512x512xi32> to vector<512x512xf32>
    %add3A_79 = arith.constant 9.99999993E-9 : f32
    %add3A_80 = vector.broadcast %add3A_79 : f32 to vector<512x1xf32>
    %add3A_81 = arith.addf %broadcast_in_dim3A_71, %add3A_80 : vector<512x1xf32>
    %div3A_82 = vector.broadcast %add3A_81 : vector<512x1xf32> to vector<512x512xf32>
    %div3A_83 = arith.divf %convert_element_type3A_78, %div3A_82 : vector<512x512xf32>
    %add3A_84 = arith.addf %add3A_64, %div3A_83 : vector<512x512xf32>
    %reduce_sum3A = arith.constant dense<0.000000e+00> : vector<512xf32>
    %reduce_sum3A_85 = vector.multi_reduction <add>, %add3A_84, %reduce_sum3A [1] : vector<512x512xf32> to vector<512xf32>
    %broadcast_in_dim3A_86 = vector.shape_cast %reduce_sum3A_85 : vector<512xf32> to vector<512x1xf32>
    %div3A_87 = vector.broadcast %broadcast_in_dim3A_86 : vector<512x1xf32> to vector<512x512xf32>
    %div3A_88 = arith.divf %add3A_84, %div3A_87 : vector<512x512xf32>
    %get3A_89 = arith.constant 0 : index
    %get3A_90 = arith.constant 0 : index
    %get3A_91 = arith.constant 0 : index
    %get3A_92 = vector.load %arg4[%get3A_89, %get3A_90, %get3A_91] : memref<1x512x128xf32, #tpu.memory_space<vmem>>, vector<1x512x128xf32>
    %get3A_93 = vector.shape_cast %get3A_92 : vector<1x512x128xf32> to vector<512x128xf32>
    %dot_general3A = arith.constant dense<0.000000e+00> : vector<512x128xf32>
    %dot_general3A_94 = tpu.matmul %div3A_88, %get3A_93, %dot_general3A {dimension_numbers = #tpu.dot_dimension_numbers<[1], [0], [0], [1], [0, 0, 1, 1], [], []>, transpose_lhs_hint = false} : vector<512x512xf32>, vector<512x128xf32>, vector<512x128xf32> -> vector<512x128xf32>
    %get3A_95 = arith.constant 0 : index
    %get3A_96 = arith.constant 0 : index
    %get3A_97 = vector.load %arg6[%get3A_95, %get3A_96] : memref<128x64xf32, #tpu.memory_space<vmem>>, vector<128x64xf32>
    %dot_general3A_98 = arith.constant dense<0.000000e+00> : vector<512x64xf32>
    %dot_general3A_99 = tpu.matmul %dot_general3A_94, %get3A_97, %dot_general3A_98 {dimension_numbers = #tpu.dot_dimension_numbers<[1], [0], [0], [1], [0, 0, 1, 1], [], []>, transpose_lhs_hint = false} : vector<512x128xf32>, vector<128x64xf32>, vector<512x64xf32> -> vector<512x64xf32>
    %get3A_100 = arith.constant 0 : index
    %get3A_101 = arith.constant 0 : index
    %get3A_102 = arith.constant 0 : index
    %get3A_103 = vector.load %arg5[%get3A_100, %get3A_101, %get3A_102] : memref<1x512x64xf32, #tpu.memory_space<vmem>>, vector<1x512x64xf32>
    %get3A_104 = vector.shape_cast %get3A_103 : vector<1x512x64xf32> to vector<512x64xf32>
    %get3A_105 = arith.constant 0 : index
    %get3A_106 = arith.constant 0 : index
    %get3A_107 = vector.load %arg7[%get3A_105, %get3A_106] : memref<64x64xf32, #tpu.memory_space<vmem>>, vector<64x64xf32>
    %dot_general3A_108 = arith.constant dense<0.000000e+00> : vector<512x64xf32>
    %dot_general3A_109 = tpu.matmul %get3A_104, %get3A_107, %dot_general3A_108 {dimension_numbers = #tpu.dot_dimension_numbers<[1], [0], [0], [1], [0, 0, 1, 1], [], []>, transpose_lhs_hint = false} : vector<512x64xf32>, vector<64x64xf32>, vector<512x64xf32> -> vector<512x64xf32>
    %add3A_110 = arith.addf %dot_general3A_99, %dot_general3A_109 : vector<512x64xf32>
    %get3A_111 = arith.constant 0 : index
    %get3A_112 = arith.constant 0 : index
    %get3A_113 = vector.load %arg8[%get3A_111, %get3A_112] : memref<1x64xf32, #tpu.memory_space<vmem>>, vector<1x64xf32>
    %add3A_114 = vector.broadcast %get3A_113 : vector<1x64xf32> to vector<512x64xf32>
    %add3A_115 = arith.addf %add3A_110, %add3A_114 : vector<512x64xf32>
    %max3A = arith.constant 0.000000e+00 : f32
    %max3A_116 = vector.broadcast %max3A : f32 to vector<512x64xf32>
    %max3A_117 = arith.maximumf %add3A_115, %max3A_116 : vector<512x64xf32>
    %get3A_118 = arith.constant 0 : index
    %get3A_119 = arith.constant 0 : index
    %get3A_120 = vector.load %arg9[%get3A_118, %get3A_119] : memref<64x64xf32, #tpu.memory_space<vmem>>, vector<64x64xf32>
    %dot_general3A_121 = arith.constant dense<0.000000e+00> : vector<512x64xf32>
    %dot_general3A_122 = tpu.matmul %max3A_117, %get3A_120, %dot_general3A_121 {dimension_numbers = #tpu.dot_dimension_numbers<[1], [0], [0], [1], [0, 0, 1, 1], [], []>, transpose_lhs_hint = false} : vector<512x64xf32>, vector<64x64xf32>, vector<512x64xf32> -> vector<512x64xf32>
    %get3A_123 = arith.constant 0 : index
    %get3A_124 = arith.constant 0 : index
    %get3A_125 = vector.load %arg10[%get3A_123, %get3A_124] : memref<1x64xf32, #tpu.memory_space<vmem>>, vector<1x64xf32>
    %add3A_126 = vector.broadcast %get3A_125 : vector<1x64xf32> to vector<512x64xf32>
    %add3A_127 = arith.addf %dot_general3A_122, %add3A_126 : vector<512x64xf32>
    %max3A_128 = arith.constant 0.000000e+00 : f32
    %max3A_129 = vector.broadcast %max3A_128 : f32 to vector<512x64xf32>
    %max3A_130 = arith.maximumf %add3A_127, %max3A_129 : vector<512x64xf32>
    %swap3A = arith.constant 0 : index
    %swap3A_131 = arith.constant 0 : index
    %swap3A_132 = arith.constant 0 : index
    %swap3A_133 = vector.load %arg11[%swap3A, %swap3A_131, %swap3A_132] : memref<1x512x64xf32, #tpu.memory_space<vmem>>, vector<1x512x64xf32>
    %swap3A_134 = vector.shape_cast %swap3A_133 : vector<1x512x64xf32> to vector<512x64xf32>
    %swap3A_135 = vector.shape_cast %max3A_130 : vector<512x64xf32> to vector<1x512x64xf32>
    tpu.vector_store %arg11[%swap3A, %swap3A_131, %swap3A_132], %swap3A_135 {strides = array<i32>} : memref<1x512x64xf32, #tpu.memory_space<vmem>>, vector<1x512x64xf32>,
    return
  }
  func.func @transform_0(%arg0: i32, %arg1: i32) -> (i32, i32, i32) {
    %c0_i32 = arith.constant 0 : i32
    %c0_i32_0 = arith.constant 0 : i32
    return %arg0, %arg1, %c0_i32 : i32, i32, i32
  }
  func.func @transform_1(%arg0: i32, %arg1: i32) -> (i32, i32, i32) {
    %c0_i32 = arith.constant 0 : i32
    %c0_i32_0 = arith.constant 0 : i32
    %c0_i32_1 = arith.constant 0 : i32
    return %arg0, %c0_i32, %c0_i32_0 : i32, i32, i32
  }
  func.func @transform_2(%arg0: i32, %arg1: i32) -> (i32, i32, i32) {
    %c0_i32 = arith.constant 0 : i32
    %c0_i32_0 = arith.constant 0 : i32
    %c0_i32_1 = arith.constant 0 : i32
    return %arg0, %c0_i32, %c0_i32_0 : i32, i32, i32
  }
  func.func @transform_3(%arg0: i32, %arg1: i32) -> (i32, i32, i32) {
    %c0_i32 = arith.constant 0 : i32
    %c0_i32_0 = arith.constant 0 : i32
    return %arg0, %arg1, %c0_i32 : i32, i32, i32
  }
  func.func @transform_4(%arg0: i32, %arg1: i32) -> (i32, i32) {
    %c0_i32 = arith.constant 0 : i32
    %c0_i32_0 = arith.constant 0 : i32
    %c0_i32_1 = arith.constant 0 : i32
    return %c0_i32, %c0_i32_0 : i32, i32
  }
  func.func @transform_5(%arg0: i32, %arg1: i32) -> (i32, i32) {
    %c0_i32 = arith.constant 0 : i32
    %c0_i32_0 = arith.constant 0 : i32
    %c0_i32_1 = arith.constant 0 : i32
    return %c0_i32, %c0_i32_0 : i32, i32
  }
  func.func @transform_6(%arg0: i32, %arg1: i32) -> (i32, i32) {
    %c0_i32 = arith.constant 0 : i32
    %c0_i32_0 = arith.constant 0 : i32
    %c0_i32_1 = arith.constant 0 : i32
    return %c0_i32, %c0_i32_0 : i32, i32
  }
  func.func @transform_7(%arg0: i32, %arg1: i32) -> (i32, i32) {
    %c0_i32 = arith.constant 0 : i32
    %c0_i32_0 = arith.constant 0 : i32
    %c0_i32_1 = arith.constant 0 : i32
    return %c0_i32, %c0_i32_0 : i32, i32
  }
  func.func @transform_8(%arg0: i32, %arg1: i32) -> (i32, i32) {
    %c0_i32 = arith.constant 0 : i32
    %c0_i32_0 = arith.constant 0 : i32
    %c0_i32_1 = arith.constant 0 : i32
    return %c0_i32, %c0_i32_0 : i32, i32
  }
  func.func @transform_9(%arg0: i32, %arg1: i32) -> (i32, i32, i32) {
    %c0_i32 = arith.constant 0 : i32
    %c0_i32_0 = arith.constant 0 : i32
    return %arg0, %arg1, %c0_i32 : i32, i32, i32
  }
}

module attributes {stable_mosaic.version = 14 : i64} {
  func.func @_fp_kernel(%arg0: i32, %arg1: i32, %arg2: memref<1x512x3xf32, #tpu.memory_space<vmem>>, %arg3: memref<1x2048x3xf32, #tpu.memory_space<vmem>>, %arg4: memref<1x2048x64xf32, #tpu.memory_space<vmem>>, %arg5: memref<1x512x32xf32, #tpu.memory_space<vmem>>, %arg6: memref<64x32xf32, #tpu.memory_space<vmem>>, %arg7: memref<32x32xf32, #tpu.memory_space<vmem>>, %arg8: memref<1x32xf32, #tpu.memory_space<vmem>>, %arg9: memref<32x32xf32, #tpu.memory_space<vmem>>, %arg10: memref<1x32xf32, #tpu.memory_space<vmem>>, %arg11: memref<1x512x32xf32, #tpu.memory_space<vmem>>) attributes {dimension_semantics = [#tpu.dimension_semantics<parallel>, #tpu.dimension_semantics<arbitrary>], iteration_bounds = array<i64: 4, 16>, scalar_prefetch = 0 : i64, scratch_operands = 0 : i64, tpu.core_type = #tpu.core_type<tc>, window_params = [{transform_indices = @transform_0, window_bounds = array<i64: 1, 512, 3>}, {transform_indices = @transform_1, window_bounds = array<i64: 1, 2048, 3>}, {transform_indices = @transform_2, window_bounds = array<i64: 1, 2048, 64>}, {transform_indices = @transform_3, window_bounds = array<i64: 1, 512, 32>}, {pipeline_mode = #tpu.pipeline_mode<synchronous>, transform_indices = @transform_4, window_bounds = array<i64: 64, 32>}, {pipeline_mode = #tpu.pipeline_mode<synchronous>, transform_indices = @transform_5, window_bounds = array<i64: 32, 32>}, {pipeline_mode = #tpu.pipeline_mode<synchronous>, transform_indices = @transform_6, window_bounds = array<i64: 1, 32>}, {pipeline_mode = #tpu.pipeline_mode<synchronous>, transform_indices = @transform_7, window_bounds = array<i64: 32, 32>}, {pipeline_mode = #tpu.pipeline_mode<synchronous>, transform_indices = @transform_8, window_bounds = array<i64: 1, 32>}, {transform_indices = @transform_9, window_bounds = array<i64: 1, 512, 32>}]} {
    %get3A = arith.constant 0 : index
    %get3A_0 = arith.constant 0 : index
    %get3A_1 = arith.constant 0 : index
    %get3A_2 = vector.load %arg2[%get3A, %get3A_0, %get3A_1] : memref<1x512x3xf32, #tpu.memory_space<vmem>>, vector<1x512x3xf32>
    %get3A_3 = vector.shape_cast %get3A_2 : vector<1x512x3xf32> to vector<512x3xf32>
    %get3A_4 = arith.constant 0 : index
    %get3A_5 = arith.constant 0 : index
    %get3A_6 = arith.constant 0 : index
    %get3A_7 = vector.load %arg3[%get3A_4, %get3A_5, %get3A_6] : memref<1x2048x3xf32, #tpu.memory_space<vmem>>, vector<1x2048x3xf32>
    %get3A_8 = vector.shape_cast %get3A_7 : vector<1x2048x3xf32> to vector<2048x3xf32>
    %broadcast_in_dim3A = arith.constant 0.000000e+00 : f32
    %broadcast_in_dim3A_9 = vector.broadcast %broadcast_in_dim3A : f32 to vector<512x2048xf32>
    %slice3A = vector.extract_strided_slice %get3A_3 {offsets = [0, 0], sizes = [512, 1], strides = [1, 1]} : vector<512x3xf32> to vector<512x1xf32>
    %slice3A_10 = vector.extract_strided_slice %get3A_8 {offsets = [0, 0], sizes = [2048, 1], strides = [1, 1]} : vector<2048x3xf32> to vector<2048x1xf32>
    %squeeze3A = vector.shape_cast %slice3A_10 : vector<2048x1xf32> to vector<2048xf32>
    %broadcast_in_dim3A_11 = vector.shape_cast %squeeze3A : vector<2048xf32> to vector<1x2048xf32>
    %sub3A = vector.broadcast %slice3A : vector<512x1xf32> to vector<512x2048xf32>
    %sub3A_12 = vector.broadcast %broadcast_in_dim3A_11 : vector<1x2048xf32> to vector<512x2048xf32>
    %sub3A_13 = arith.subf %sub3A, %sub3A_12 : vector<512x2048xf32>
    %mul3A = arith.mulf %sub3A_13, %sub3A_13 : vector<512x2048xf32>
    %add3A = arith.addf %broadcast_in_dim3A_9, %mul3A : vector<512x2048xf32>
    %slice3A_14 = vector.extract_strided_slice %get3A_3 {offsets = [0, 1], sizes = [512, 1], strides = [1, 1]} : vector<512x3xf32> to vector<512x1xf32>
    %slice3A_15 = vector.extract_strided_slice %get3A_8 {offsets = [0, 1], sizes = [2048, 1], strides = [1, 1]} : vector<2048x3xf32> to vector<2048x1xf32>
    %squeeze3A_16 = vector.shape_cast %slice3A_15 : vector<2048x1xf32> to vector<2048xf32>
    %broadcast_in_dim3A_17 = vector.shape_cast %squeeze3A_16 : vector<2048xf32> to vector<1x2048xf32>
    %sub3A_18 = vector.broadcast %slice3A_14 : vector<512x1xf32> to vector<512x2048xf32>
    %sub3A_19 = vector.broadcast %broadcast_in_dim3A_17 : vector<1x2048xf32> to vector<512x2048xf32>
    %sub3A_20 = arith.subf %sub3A_18, %sub3A_19 : vector<512x2048xf32>
    %mul3A_21 = arith.mulf %sub3A_20, %sub3A_20 : vector<512x2048xf32>
    %add3A_22 = arith.addf %add3A, %mul3A_21 : vector<512x2048xf32>
    %slice3A_23 = vector.extract_strided_slice %get3A_3 {offsets = [0, 2], sizes = [512, 1], strides = [1, 1]} : vector<512x3xf32> to vector<512x1xf32>
    %slice3A_24 = vector.extract_strided_slice %get3A_8 {offsets = [0, 2], sizes = [2048, 1], strides = [1, 1]} : vector<2048x3xf32> to vector<2048x1xf32>
    %squeeze3A_25 = vector.shape_cast %slice3A_24 : vector<2048x1xf32> to vector<2048xf32>
    %broadcast_in_dim3A_26 = vector.shape_cast %squeeze3A_25 : vector<2048xf32> to vector<1x2048xf32>
    %sub3A_27 = vector.broadcast %slice3A_23 : vector<512x1xf32> to vector<512x2048xf32>
    %sub3A_28 = vector.broadcast %broadcast_in_dim3A_26 : vector<1x2048xf32> to vector<512x2048xf32>
    %sub3A_29 = arith.subf %sub3A_27, %sub3A_28 : vector<512x2048xf32>
    %mul3A_30 = arith.mulf %sub3A_29, %sub3A_29 : vector<512x2048xf32>
    %add3A_31 = arith.addf %add3A_22, %mul3A_30 : vector<512x2048xf32>
    %iota3A = tpu.iota {dimensions = array<i32: 1>} : vector<1x2048xi32>
    %broadcast_in_dim3A_32 = arith.constant 0.000000e+00 : f32
    %broadcast_in_dim3A_33 = vector.broadcast %broadcast_in_dim3A_32 : f32 to vector<512x2048xf32>
    %reduce_min3A = arith.constant dense<0x7F800000> : vector<512xf32>
    %reduce_min3A_34 = vector.multi_reduction <minimumf>, %add3A_31, %reduce_min3A [1] : vector<512x2048xf32> to vector<512xf32>
    %broadcast_in_dim3A_35 = vector.shape_cast %reduce_min3A_34 : vector<512xf32> to vector<512x1xf32>
    %argmin3A = tpu.reduce_index %add3A_31 {axis = 1 : i32, kind = #tpu.reduction_kind<arg_min>} : vector<512x2048xf32> -> vector<512xi32>
    %broadcast_in_dim3A_36 = vector.shape_cast %argmin3A : vector<512xi32> to vector<512x1xi32>
    %eq3A = vector.broadcast %iota3A : vector<1x2048xi32> to vector<512x2048xi32>
    %eq3A_37 = vector.broadcast %broadcast_in_dim3A_36 : vector<512x1xi32> to vector<512x2048xi32>
    %eq3A_38 = arith.cmpi eq, %eq3A, %eq3A_37 : vector<512x2048xi32>
    %convert_element_type3A = arith.extui %eq3A_38 : vector<512x2048xi1> to vector<512x2048xi32>
    %convert_element_type3A_39 = arith.sitofp %convert_element_type3A : vector<512x2048xi32> to vector<512x2048xf32>
    %add3A_40 = arith.constant 9.99999993E-9 : f32
    %add3A_41 = vector.broadcast %add3A_40 : f32 to vector<512x1xf32>
    %add3A_42 = arith.addf %broadcast_in_dim3A_35, %add3A_41 : vector<512x1xf32>
    %div3A = vector.broadcast %add3A_42 : vector<512x1xf32> to vector<512x2048xf32>
    %div3A_43 = arith.divf %convert_element_type3A_39, %div3A : vector<512x2048xf32>
    %add3A_44 = arith.addf %broadcast_in_dim3A_33, %div3A_43 : vector<512x2048xf32>
    %mul3A_45 = arith.constant 1.000000e+10 : f32
    %mul3A_46 = vector.broadcast %mul3A_45 : f32 to vector<512x2048xf32>
    %mul3A_47 = arith.mulf %convert_element_type3A_39, %mul3A_46 : vector<512x2048xf32>
    %add3A_48 = arith.addf %add3A_31, %mul3A_47 : vector<512x2048xf32>
    %reduce_min3A_49 = arith.constant dense<0x7F800000> : vector<512xf32>
    %reduce_min3A_50 = vector.multi_reduction <minimumf>, %add3A_48, %reduce_min3A_49 [1] : vector<512x2048xf32> to vector<512xf32>
    %broadcast_in_dim3A_51 = vector.shape_cast %reduce_min3A_50 : vector<512xf32> to vector<512x1xf32>
    %argmin3A_52 = tpu.reduce_index %add3A_48 {axis = 1 : i32, kind = #tpu.reduction_kind<arg_min>} : vector<512x2048xf32> -> vector<512xi32>
    %broadcast_in_dim3A_53 = vector.shape_cast %argmin3A_52 : vector<512xi32> to vector<512x1xi32>
    %eq3A_54 = vector.broadcast %iota3A : vector<1x2048xi32> to vector<512x2048xi32>
    %eq3A_55 = vector.broadcast %broadcast_in_dim3A_53 : vector<512x1xi32> to vector<512x2048xi32>
    %eq3A_56 = arith.cmpi eq, %eq3A_54, %eq3A_55 : vector<512x2048xi32>
    %convert_element_type3A_57 = arith.extui %eq3A_56 : vector<512x2048xi1> to vector<512x2048xi32>
    %convert_element_type3A_58 = arith.sitofp %convert_element_type3A_57 : vector<512x2048xi32> to vector<512x2048xf32>
    %add3A_59 = arith.constant 9.99999993E-9 : f32
    %add3A_60 = vector.broadcast %add3A_59 : f32 to vector<512x1xf32>
    %add3A_61 = arith.addf %broadcast_in_dim3A_51, %add3A_60 : vector<512x1xf32>
    %div3A_62 = vector.broadcast %add3A_61 : vector<512x1xf32> to vector<512x2048xf32>
    %div3A_63 = arith.divf %convert_element_type3A_58, %div3A_62 : vector<512x2048xf32>
    %add3A_64 = arith.addf %add3A_44, %div3A_63 : vector<512x2048xf32>
    %mul3A_65 = arith.constant 1.000000e+10 : f32
    %mul3A_66 = vector.broadcast %mul3A_65 : f32 to vector<512x2048xf32>
    %mul3A_67 = arith.mulf %convert_element_type3A_58, %mul3A_66 : vector<512x2048xf32>
    %add3A_68 = arith.addf %add3A_48, %mul3A_67 : vector<512x2048xf32>
    %reduce_min3A_69 = arith.constant dense<0x7F800000> : vector<512xf32>
    %reduce_min3A_70 = vector.multi_reduction <minimumf>, %add3A_68, %reduce_min3A_69 [1] : vector<512x2048xf32> to vector<512xf32>
    %broadcast_in_dim3A_71 = vector.shape_cast %reduce_min3A_70 : vector<512xf32> to vector<512x1xf32>
    %argmin3A_72 = tpu.reduce_index %add3A_68 {axis = 1 : i32, kind = #tpu.reduction_kind<arg_min>} : vector<512x2048xf32> -> vector<512xi32>
    %broadcast_in_dim3A_73 = vector.shape_cast %argmin3A_72 : vector<512xi32> to vector<512x1xi32>
    %eq3A_74 = vector.broadcast %iota3A : vector<1x2048xi32> to vector<512x2048xi32>
    %eq3A_75 = vector.broadcast %broadcast_in_dim3A_73 : vector<512x1xi32> to vector<512x2048xi32>
    %eq3A_76 = arith.cmpi eq, %eq3A_74, %eq3A_75 : vector<512x2048xi32>
    %convert_element_type3A_77 = arith.extui %eq3A_76 : vector<512x2048xi1> to vector<512x2048xi32>
    %convert_element_type3A_78 = arith.sitofp %convert_element_type3A_77 : vector<512x2048xi32> to vector<512x2048xf32>
    %add3A_79 = arith.constant 9.99999993E-9 : f32
    %add3A_80 = vector.broadcast %add3A_79 : f32 to vector<512x1xf32>
    %add3A_81 = arith.addf %broadcast_in_dim3A_71, %add3A_80 : vector<512x1xf32>
    %div3A_82 = vector.broadcast %add3A_81 : vector<512x1xf32> to vector<512x2048xf32>
    %div3A_83 = arith.divf %convert_element_type3A_78, %div3A_82 : vector<512x2048xf32>
    %add3A_84 = arith.addf %add3A_64, %div3A_83 : vector<512x2048xf32>
    %reduce_sum3A = arith.constant dense<0.000000e+00> : vector<512xf32>
    %reduce_sum3A_85 = vector.multi_reduction <add>, %add3A_84, %reduce_sum3A [1] : vector<512x2048xf32> to vector<512xf32>
    %broadcast_in_dim3A_86 = vector.shape_cast %reduce_sum3A_85 : vector<512xf32> to vector<512x1xf32>
    %div3A_87 = vector.broadcast %broadcast_in_dim3A_86 : vector<512x1xf32> to vector<512x2048xf32>
    %div3A_88 = arith.divf %add3A_84, %div3A_87 : vector<512x2048xf32>
    %get3A_89 = arith.constant 0 : index
    %get3A_90 = arith.constant 0 : index
    %get3A_91 = arith.constant 0 : index
    %get3A_92 = vector.load %arg4[%get3A_89, %get3A_90, %get3A_91] : memref<1x2048x64xf32, #tpu.memory_space<vmem>>, vector<1x2048x64xf32>
    %get3A_93 = vector.shape_cast %get3A_92 : vector<1x2048x64xf32> to vector<2048x64xf32>
    %dot_general3A = arith.constant dense<0.000000e+00> : vector<512x64xf32>
    %dot_general3A_94 = tpu.matmul %div3A_88, %get3A_93, %dot_general3A {dimension_numbers = #tpu.dot_dimension_numbers<[1], [0], [0], [1], [0, 0, 1, 1], [], []>, transpose_lhs_hint = false} : vector<512x2048xf32>, vector<2048x64xf32>, vector<512x64xf32> -> vector<512x64xf32>
    %get3A_95 = arith.constant 0 : index
    %get3A_96 = arith.constant 0 : index
    %get3A_97 = vector.load %arg6[%get3A_95, %get3A_96] : memref<64x32xf32, #tpu.memory_space<vmem>>, vector<64x32xf32>
    %dot_general3A_98 = arith.constant dense<0.000000e+00> : vector<512x32xf32>
    %dot_general3A_99 = tpu.matmul %dot_general3A_94, %get3A_97, %dot_general3A_98 {dimension_numbers = #tpu.dot_dimension_numbers<[1], [0], [0], [1], [0, 0, 1, 1], [], []>, transpose_lhs_hint = false} : vector<512x64xf32>, vector<64x32xf32>, vector<512x32xf32> -> vector<512x32xf32>
    %get3A_100 = arith.constant 0 : index
    %get3A_101 = arith.constant 0 : index
    %get3A_102 = arith.constant 0 : index
    %get3A_103 = vector.load %arg5[%get3A_100, %get3A_101, %get3A_102] : memref<1x512x32xf32, #tpu.memory_space<vmem>>, vector<1x512x32xf32>
    %get3A_104 = vector.shape_cast %get3A_103 : vector<1x512x32xf32> to vector<512x32xf32>
    %get3A_105 = arith.constant 0 : index
    %get3A_106 = arith.constant 0 : index
    %get3A_107 = vector.load %arg7[%get3A_105, %get3A_106] : memref<32x32xf32, #tpu.memory_space<vmem>>, vector<32x32xf32>
    %dot_general3A_108 = arith.constant dense<0.000000e+00> : vector<512x32xf32>
    %dot_general3A_109 = tpu.matmul %get3A_104, %get3A_107, %dot_general3A_108 {dimension_numbers = #tpu.dot_dimension_numbers<[1], [0], [0], [1], [0, 0, 1, 1], [], []>, transpose_lhs_hint = false} : vector<512x32xf32>, vector<32x32xf32>, vector<512x32xf32> -> vector<512x32xf32>
    %add3A_110 = arith.addf %dot_general3A_99, %dot_general3A_109 : vector<512x32xf32>
    %get3A_111 = arith.constant 0 : index
    %get3A_112 = arith.constant 0 : index
    %get3A_113 = vector.load %arg8[%get3A_111, %get3A_112] : memref<1x32xf32, #tpu.memory_space<vmem>>, vector<1x32xf32>
    %add3A_114 = vector.broadcast %get3A_113 : vector<1x32xf32> to vector<512x32xf32>
    %add3A_115 = arith.addf %add3A_110, %add3A_114 : vector<512x32xf32>
    %max3A = arith.constant 0.000000e+00 : f32
    %max3A_116 = vector.broadcast %max3A : f32 to vector<512x32xf32>
    %max3A_117 = arith.maximumf %add3A_115, %max3A_116 : vector<512x32xf32>
    %get3A_118 = arith.constant 0 : index
    %get3A_119 = arith.constant 0 : index
    %get3A_120 = vector.load %arg9[%get3A_118, %get3A_119] : memref<32x32xf32, #tpu.memory_space<vmem>>, vector<32x32xf32>
    %dot_general3A_121 = arith.constant dense<0.000000e+00> : vector<512x32xf32>
    %dot_general3A_122 = tpu.matmul %max3A_117, %get3A_120, %dot_general3A_121 {dimension_numbers = #tpu.dot_dimension_numbers<[1], [0], [0], [1], [0, 0, 1, 1], [], []>, transpose_lhs_hint = false} : vector<512x32xf32>, vector<32x32xf32>, vector<512x32xf32> -> vector<512x32xf32>
    %get3A_123 = arith.constant 0 : index
    %get3A_124 = arith.constant 0 : index
    %get3A_125 = vector.load %arg10[%get3A_123, %get3A_124] : memref<1x32xf32, #tpu.memory_space<vmem>>, vector<1x32xf32>
    %add3A_126 = vector.broadcast %get3A_125 : vector<1x32xf32> to vector<512x32xf32>
    %add3A_127 = arith.addf %dot_general3A_122, %add3A_126 : vector<512x32xf32>
    %max3A_128 = arith.constant 0.000000e+00 : f32
    %max3A_129 = vector.broadcast %max3A_128 : f32 to vector<512x32xf32>
    %max3A_130 = arith.maximumf %add3A_127, %max3A_129 : vector<512x32xf32>
    %swap3A = arith.constant 0 : index
    %swap3A_131 = arith.constant 0 : index
    %swap3A_132 = arith.constant 0 : index
    %swap3A_133 = vector.load %arg11[%swap3A, %swap3A_131, %swap3A_132] : memref<1x512x32xf32, #tpu.memory_space<vmem>>, vector<1x512x32xf32>
    %swap3A_134 = vector.shape_cast %swap3A_133 : vector<1x512x32xf32> to vector<512x32xf32>
    %swap3A_135 = vector.shape_cast %max3A_130 : vector<512x32xf32> to vector<1x512x32xf32>
    tpu.vector_store %arg11[%swap3A, %swap3A_131, %swap3A_132], %swap3A_135 {strides = array<i32>} : memref<1x512x32xf32, #tpu.memory_space<vmem>>, vector<1x512x32xf32>,
    return
  }
  func.func @transform_0(%arg0: i32, %arg1: i32) -> (i32, i32, i32) {
    %c0_i32 = arith.constant 0 : i32
    %c0_i32_0 = arith.constant 0 : i32
    return %arg0, %arg1, %c0_i32 : i32, i32, i32
  }
  func.func @transform_1(%arg0: i32, %arg1: i32) -> (i32, i32, i32) {
    %c0_i32 = arith.constant 0 : i32
    %c0_i32_0 = arith.constant 0 : i32
    %c0_i32_1 = arith.constant 0 : i32
    return %arg0, %c0_i32, %c0_i32_0 : i32, i32, i32
  }
  func.func @transform_2(%arg0: i32, %arg1: i32) -> (i32, i32, i32) {
    %c0_i32 = arith.constant 0 : i32
    %c0_i32_0 = arith.constant 0 : i32
    %c0_i32_1 = arith.constant 0 : i32
    return %arg0, %c0_i32, %c0_i32_0 : i32, i32, i32
  }
  func.func @transform_3(%arg0: i32, %arg1: i32) -> (i32, i32, i32) {
    %c0_i32 = arith.constant 0 : i32
    %c0_i32_0 = arith.constant 0 : i32
    return %arg0, %arg1, %c0_i32 : i32, i32, i32
  }
  func.func @transform_4(%arg0: i32, %arg1: i32) -> (i32, i32) {
    %c0_i32 = arith.constant 0 : i32
    %c0_i32_0 = arith.constant 0 : i32
    %c0_i32_1 = arith.constant 0 : i32
    return %c0_i32, %c0_i32_0 : i32, i32
  }
  func.func @transform_5(%arg0: i32, %arg1: i32) -> (i32, i32) {
    %c0_i32 = arith.constant 0 : i32
    %c0_i32_0 = arith.constant 0 : i32
    %c0_i32_1 = arith.constant 0 : i32
    return %c0_i32, %c0_i32_0 : i32, i32
  }
  func.func @transform_6(%arg0: i32, %arg1: i32) -> (i32, i32) {
    %c0_i32 = arith.constant 0 : i32
    %c0_i32_0 = arith.constant 0 : i32
    %c0_i32_1 = arith.constant 0 : i32
    return %c0_i32, %c0_i32_0 : i32, i32
  }
  func.func @transform_7(%arg0: i32, %arg1: i32) -> (i32, i32) {
    %c0_i32 = arith.constant 0 : i32
    %c0_i32_0 = arith.constant 0 : i32
    %c0_i32_1 = arith.constant 0 : i32
    return %c0_i32, %c0_i32_0 : i32, i32
  }
  func.func @transform_8(%arg0: i32, %arg1: i32) -> (i32, i32) {
    %c0_i32 = arith.constant 0 : i32
    %c0_i32_0 = arith.constant 0 : i32
    %c0_i32_1 = arith.constant 0 : i32
    return %c0_i32, %c0_i32_0 : i32, i32
  }
  func.func @transform_9(%arg0: i32, %arg1: i32) -> (i32, i32, i32) {
    %c0_i32 = arith.constant 0 : i32
    %c0_i32_0 = arith.constant 0 : i32
    return %arg0, %arg1, %c0_i32 : i32, i32, i32
  }
}

module attributes {stable_mosaic.version = 14 : i64} {
  func.func @_head_kernel(%arg0: i32, %arg1: memref<1x8192x32xf32, #tpu.memory_space<vmem>>, %arg2: memref<32x64xf32, #tpu.memory_space<vmem>>, %arg3: memref<1x64xf32, #tpu.memory_space<vmem>>, %arg4: memref<64x13xf32, #tpu.memory_space<vmem>>, %arg5: memref<1x13xf32, #tpu.memory_space<vmem>>, %arg6: memref<1x8192x13xf32, #tpu.memory_space<vmem>>) attributes {dimension_semantics = [#tpu.dimension_semantics<parallel>], iteration_bounds = array<i64: 4>, scalar_prefetch = 0 : i64, scratch_operands = 0 : i64, tpu.core_type = #tpu.core_type<tc>, window_params = [{transform_indices = @transform_0, window_bounds = array<i64: 1, 8192, 32>}, {pipeline_mode = #tpu.pipeline_mode<synchronous>, transform_indices = @transform_1, window_bounds = array<i64: 32, 64>}, {pipeline_mode = #tpu.pipeline_mode<synchronous>, transform_indices = @transform_2, window_bounds = array<i64: 1, 64>}, {pipeline_mode = #tpu.pipeline_mode<synchronous>, transform_indices = @transform_3, window_bounds = array<i64: 64, 13>}, {pipeline_mode = #tpu.pipeline_mode<synchronous>, transform_indices = @transform_4, window_bounds = array<i64: 1, 13>}, {transform_indices = @transform_5, window_bounds = array<i64: 1, 8192, 13>}]} {
    %get3A = arith.constant 0 : index
    %get3A_0 = arith.constant 0 : index
    %get3A_1 = arith.constant 0 : index
    %get3A_2 = vector.load %arg1[%get3A, %get3A_0, %get3A_1] : memref<1x8192x32xf32, #tpu.memory_space<vmem>>, vector<1x8192x32xf32>
    %get3A_3 = vector.shape_cast %get3A_2 : vector<1x8192x32xf32> to vector<8192x32xf32>
    %get3A_4 = arith.constant 0 : index
    %get3A_5 = arith.constant 0 : index
    %get3A_6 = vector.load %arg2[%get3A_4, %get3A_5] : memref<32x64xf32, #tpu.memory_space<vmem>>, vector<32x64xf32>
    %dot_general3A = arith.constant dense<0.000000e+00> : vector<8192x64xf32>
    %dot_general3A_7 = tpu.matmul %get3A_3, %get3A_6, %dot_general3A {dimension_numbers = #tpu.dot_dimension_numbers<[1], [0], [0], [1], [0, 0, 1, 1], [], []>, transpose_lhs_hint = false} : vector<8192x32xf32>, vector<32x64xf32>, vector<8192x64xf32> -> vector<8192x64xf32>
    %get3A_8 = arith.constant 0 : index
    %get3A_9 = arith.constant 0 : index
    %get3A_10 = vector.load %arg3[%get3A_8, %get3A_9] : memref<1x64xf32, #tpu.memory_space<vmem>>, vector<1x64xf32>
    %add3A = vector.broadcast %get3A_10 : vector<1x64xf32> to vector<8192x64xf32>
    %add3A_11 = arith.addf %dot_general3A_7, %add3A : vector<8192x64xf32>
    %max3A = arith.constant 0.000000e+00 : f32
    %max3A_12 = vector.broadcast %max3A : f32 to vector<8192x64xf32>
    %max3A_13 = arith.maximumf %add3A_11, %max3A_12 : vector<8192x64xf32>
    %get3A_14 = arith.constant 0 : index
    %get3A_15 = arith.constant 0 : index
    %get3A_16 = vector.load %arg4[%get3A_14, %get3A_15] : memref<64x13xf32, #tpu.memory_space<vmem>>, vector<64x13xf32>
    %dot_general3A_17 = arith.constant dense<0.000000e+00> : vector<8192x13xf32>
    %dot_general3A_18 = tpu.matmul %max3A_13, %get3A_16, %dot_general3A_17 {dimension_numbers = #tpu.dot_dimension_numbers<[1], [0], [0], [1], [0, 0, 1, 1], [], []>, transpose_lhs_hint = false} : vector<8192x64xf32>, vector<64x13xf32>, vector<8192x13xf32> -> vector<8192x13xf32>
    %get3A_19 = arith.constant 0 : index
    %get3A_20 = arith.constant 0 : index
    %get3A_21 = vector.load %arg5[%get3A_19, %get3A_20] : memref<1x13xf32, #tpu.memory_space<vmem>>, vector<1x13xf32>
    %add3A_22 = vector.broadcast %get3A_21 : vector<1x13xf32> to vector<8192x13xf32>
    %add3A_23 = arith.addf %dot_general3A_18, %add3A_22 : vector<8192x13xf32>
    %swap3A = arith.constant 0 : index
    %swap3A_24 = arith.constant 0 : index
    %swap3A_25 = arith.constant 0 : index
    %swap3A_26 = vector.load %arg6[%swap3A, %swap3A_24, %swap3A_25] : memref<1x8192x13xf32, #tpu.memory_space<vmem>>, vector<1x8192x13xf32>
    %swap3A_27 = vector.shape_cast %swap3A_26 : vector<1x8192x13xf32> to vector<8192x13xf32>
    %swap3A_28 = vector.shape_cast %add3A_23 : vector<8192x13xf32> to vector<1x8192x13xf32>
    tpu.vector_store %arg6[%swap3A, %swap3A_24, %swap3A_25], %swap3A_28 {strides = array<i32>} : memref<1x8192x13xf32, #tpu.memory_space<vmem>>, vector<1x8192x13xf32>,
    return
  }
  func.func @transform_0(%arg0: i32) -> (i32, i32, i32) {
    %c0_i32 = arith.constant 0 : i32
    %c0_i32_0 = arith.constant 0 : i32
    %c0_i32_1 = arith.constant 0 : i32
    return %arg0, %c0_i32, %c0_i32_0 : i32, i32, i32
  }
  func.func @transform_1(%arg0: i32) -> (i32, i32) {
    %c0_i32 = arith.constant 0 : i32
    %c0_i32_0 = arith.constant 0 : i32
    %c0_i32_1 = arith.constant 0 : i32
    return %c0_i32, %c0_i32_0 : i32, i32
  }
  func.func @transform_2(%arg0: i32) -> (i32, i32) {
    %c0_i32 = arith.constant 0 : i32
    %c0_i32_0 = arith.constant 0 : i32
    %c0_i32_1 = arith.constant 0 : i32
    return %c0_i32, %c0_i32_0 : i32, i32
  }
  func.func @transform_3(%arg0: i32) -> (i32, i32) {
    %c0_i32 = arith.constant 0 : i32
    %c0_i32_0 = arith.constant 0 : i32
    %c0_i32_1 = arith.constant 0 : i32
    return %c0_i32, %c0_i32_0 : i32, i32
  }
  func.func @transform_4(%arg0: i32) -> (i32, i32) {
    %c0_i32 = arith.constant 0 : i32
    %c0_i32_0 = arith.constant 0 : i32
    %c0_i32_1 = arith.constant 0 : i32
    return %c0_i32, %c0_i32_0 : i32, i32
  }
  func.func @transform_5(%arg0: i32) -> (i32, i32, i32) {
    %c0_i32 = arith.constant 0 : i32
    %c0_i32_0 = arith.constant 0 : i32
    %c0_i32_1 = arith.constant 0 : i32
    return %arg0, %c0_i32, %c0_i32_0 : i32, i32, i32
  }
}

</mosaic_0001>

<sc_bundles>
// kernel: gather_offload_async_start.1
scs
__scs_entry_jumppad:
0x0: {  	(pc) =	sbr.rel $0x88, $3  }
0x1: {  	(tag) =	ssettag $0x0;
	lr =	simm.s32 $0x1  }
0x2: {  	[smem:$0x3F2F] =	sst lr;
	_ =	strace $0xD0000000  }
0x3: {  	_ = 	snop  }
0x4: {  	_ = 	snop  }
0x5: {  	_ = 	snop  }
0x6: {  	_ = 	snop  }
0x7: {  	_ = 	snop  }
__scs_overlays_trampoline_lowered:
0x8: {  	[smem:$0x3F3E] =	sst s0  }
0x9: {  	[smem:$0x3F3F] =	sst s1  }
0xa: {  	[smem:$0x3F40] =	sst s2  }
0xb: {  	[smem:$0x3F41] =	sst s3  }
0xc: {  	[smem:$0x3F42] =	sst s4  }
0xd: {  	[smem:$0x3F43] =	sst s5  }
0xe: {  	[smem:$0x3F44] =	sst s6  }
0xf: {  	[smem:$0x3F45] =	sst s7  }
0x10: {  	[smem:$0x3F46] =	sst s8  }
0x11: {  	[smem:$0x3F47] =	sst s9;
	s0 =	simm.s32 @!p0 $0x0  }
0x12: {  	s1 =	sld [smem:$0x3F2D];
	s0 =	simm.s32 @p0 $0x1  }
0x13: {  	[smem:$0x3F48] =	sst s0;
	s0 =	simm.s32 @!p1 $0x0  }
0x14: {  	s2 =	sld [smem:$0x3F2C];
	s0 =	simm.s32 @p1 $0x1  }
0x15: {  	[smem:$0x3F49] =	sst s0;
	s0 =	simm.s32 @!p2 $0x0  }
0x16: {  	s3 =	sld [smem:$0x3FDB];
	s0 =	simm.s32 @p2 $0x1  }
0x17: {  	s4 =	simm.s32 $0x1BF5;
	[smem:$0x3F4B] =	sst s0  }
0x18: {  	s0 =	sld [smem:$0x3F2E];
	_ =	swait.ge [sflag:s4], $0x0  }
0x19: {  	s7 =	sld [smem:$0x3F2F]  }
0x1a: {  	s8 =	sadd.s32 $0xFFFFE003, lr  }
0x1b: {  	s9 =	sadd.s32 $0xFFFFFEF7, lr;
	s5 =	simm.s32 $0xFFFFFFFF;
	p2 =	slt.u32 s8, $0xFFFFF086  }
0x1c: {  	p1 =	slt.u32 s9, $0xF7A;
	s5 =	simm.s32 @!p2 $0x0  }
0x1d: {  	s5 =	simm.s32 @p1 $0x1;
	p0 =	seq.s32 s7, s2  }
0x1e: {  	s7 =	smul.u32 @!p0 $0xF7A, s2;
	p2 =	seq.s32 @!p0 s5, $0x0  }
0x1f: {  	s9 =	smul.u32 $0xF7A, s1;
	s8 =	simm.s32 @!p0 $0x1BF5;
	p2 =	por !p2, p0  }
0x20: {  	[sflag:s8] =	ssyncset.s32 @!p0 $0xFFFFF086;
	s6 =	sadd.s32 @!p0 s3, s7;
	s7 =	simm.s32 @!p0 $0x108  }
0x21: {  	s3 =	sadd.s32 s3, s9;
	s6 =	sadd.s32 @!p0 $0x88, s6;
	s7 =	simm.s32 @p2 $0x1082  }
0x22: {  	[simem:s7], [sflag:s8] =	dma.local @!p0 [hbm:s6], $0xF7A  }
0x23: {  	s9 =	sor.u32 $0xD0000000, s2;
	s6 =	simm.s32 $0x108;
	_ =	swait.ge @!p0 [sflag:s8], $0x0  }
0x24: {  	s3 =	sadd.s32 $0x88, s3;
	s6 =	simm.s32 @!p1 $0x1082;
	[sflag:s4] =	ssyncset.s32 $0xFFFFF086  }
0x25: {  	[simem:s6], [sflag:s4] =	dma.local [hbm:s3], $0xF7A  }
0x26: {  	[smem:$0x3F2F] =	sst s1;
	(tag) =	ssettag s2;
	_ =	strace s9  }
0x27: {  	s1 =	sld [smem:$0x3F3F]  }
0x28: {  	s2 =	sld [smem:$0x3F40]  }
0x29: {  	s4 =	sld [smem:$0x3F42]  }
0x2a: {  	p0 =	seq.s32 s5, $0x0;
	s5 =	sld [smem:$0x3F43]  }
0x2b: {  	s6 =	sld [smem:$0x3F44]  }
0x2c: {  	s7 =	sld [smem:$0x3F45]  }
0x2d: {  	s3 =	simm.s32 $0x108;
	s8 =	sld [smem:$0x3F46]  }
0x2e: {  	s3 =	simm.s32 @!p0 $0x1082;
	s9 =	sld [smem:$0x3F47]  }
0x2f: {  	lr =	sadd.s32 s0, s3;
	s0 =	sld [smem:$0x3F3E]  }
0x30: {  	s3 =	sld [smem:$0x3F41]  }
0x31: {  	[smem:$0x3F4A] =	sst s10  }
0x32: {  	s10 =	sld [smem:$0x3F48];
	_ =	sdelay $0x3  }
0x33: {  	p0 =	seq.s32 s10, $0x1;
	s10 =	sld [smem:$0x3F4A];
	_ =	sdelay $0x3  }
0x34: {  	[smem:$0x3F4A] =	sst s10  }
0x35: {  	s10 =	sld [smem:$0x3F49];
	_ =	sdelay $0x3  }
0x36: {  	p1 =	seq.s32 s10, $0x1;
	s10 =	sld [smem:$0x3F4A];
	_ =	sdelay $0x3  }
0x37: {  	[smem:$0x3F4A] =	sst s10  }
0x38: {  	s10 =	sld [smem:$0x3F4B]  }
0x39: {  	_ = 	snop;
	(pc) =	sbr.ind lr, $3  }
0x3a: {  	_ = 	snop  }
0x3b: {  	_ = 	snop  }
0x3c: {  	p2 =	seq.s32 s10, $0x1;
	s10 =	sld [smem:$0x3F4A]  }
0x3d: {  	_ =	shalt  }
0x3e: {  	_ =	shalt  }
0x3f: {  	_ =	shalt  }
0x40: {  	_ =	shalt  }
0x41: {  	_ =	shalt  }
0x42: {  	_ =	shalt  }
0x43: {  	_ =	shalt  }
0x44: {  	_ =	shalt  }
0x45: {  	_ =	shalt  }
0x46: {  	_ =	shalt  }
0x47: {  	_ =	shalt  }
0x48: {  	_ =	shalt  }
0x49: {  	_ =	shalt  }
0x4a: {  	_ =	shalt  }
0x4b: {  	_ =	shalt  }
0x4c: {  	_ =	shalt  }
0x4d: {  	_ =	shalt  }
0x4e: {  	_ =	shalt  }
0x4f: {  	_ =	shalt  }
0x50: {  	_ =	shalt  }
0x51: {  	_ =	shalt  }
0x52: {  	_ =	shalt  }
0x53: {  	_ =	shalt  }
0x54: {  	_ =	shalt  }
0x55: {  	_ =	shalt  }
0x56: {  	_ =	shalt  }
0x57: {  	_ =	shalt  }
0x58: {  	_ =	shalt  }
0x59: {  	_ =	shalt  }
0x5a: {  	_ =	shalt  }
0x5b: {  	_ =	shalt  }
0x5c: {  	_ =	shalt  }
0x5d: {  	_ =	shalt  }
0x5e: {  	_ =	shalt  }
0x5f: {  	_ =	shalt  }
0x60: {  	_ =	shalt  }
0x61: {  	_ =	shalt  }
0x62: {  	_ =	shalt  }
0x63: {  	_ =	shalt  }
0x64: {  	_ =	shalt  }
0x65: {  	_ =	shalt  }
0x66: {  	_ =	shalt  }
0x67: {  	_ =	shalt  }
0x68: {  	_ =	shalt  }
0x69: {  	_ =	shalt  }
0x6a: {  	_ =	shalt  }
0x6b: {  	_ =	shalt  }
0x6c: {  	_ =	shalt  }
0x6d: {  	_ =	shalt  }
0x6e: {  	_ =	shalt  }
0x6f: {  	_ =	shalt  }
0x70: {  	_ =	shalt  }
0x71: {  	_ =	shalt  }
0x72: {  	_ =	shalt  }
0x73: {  	_ =	shalt  }
0x74: {  	_ =	shalt  }
0x75: {  	_ =	shalt  }
0x76: {  	_ =	shalt  }
0x77: {  	_ =	shalt  }
0x78: {  	_ =	shalt  }
0x79: {  	_ =	shalt  }
0x7a: {  	_ =	shalt  }
0x7b: {  	_ =	shalt  }
0x7c: {  	_ =	shalt  }
0x7d: {  	_ =	shalt  }
0x7e: {  	_ =	shalt  }
0x7f: {  	_ =	shalt  }
0x80: {  	_ =	shalt  }
0x81: {  	_ =	shalt  }
0x82: {  	_ =	shalt  }
0x83: {  	_ =	shalt  }
0x84: {  	_ =	shalt  }
0x85: {  	_ =	shalt  }
0x86: {  	_ =	shalt  }
0x87: {  	_ =	shalt  }
.Lfunc_end0:
.L_simem_size_0:
called_computation.2_lowered:
.L_overlay_start_0:
0x88: {  	s2 =	sld [smem:$0x3FD9]  }
0x89: {  	s3 =	sld [smem:$0x3FFE];
	_ =	sdelay $0x1  }
0x8a: {  	s1 =	srdreg.scid  }
0x8b: {  	s0 =	sand.u32 $0x1, s1  }
0x8c: {  	s16 =	sshll.u32 s0, $0xA;
	s2 =	sadd.s32 s3, s2  }
0x8d: {  	s2 =	sadd.s32 s2, s16  }
0x8e: {  	[smem:$0x3F56] =	sst s2  }
0x8f: {  	_ = 	snop  }
0x90: {  	(tm) =	ssettm $0x1  }
0x91: {  	s17 =	sld [smem:$0x3FFB];
	_ =	sdelay $0x3  }
0x92: {  	_ =	strace s17  }
0x93: {  	s2 =	sld [smem:$0x3FFC];
	_ =	sdelay $0x3  }
0x94: {  	_ =	strace s2  }
0x95: {  	s2 =	sld [smem:$0x3FFD];
	_ =	sdelay $0x3  }
0x96: {  	_ =	strace s2  }
0x97: {  	_ =	strace $0x8FFFFFFF  }
0x98: {  	s18 =	sld [smem:$0x3FDB];
	_ =	sdelay $0x1  }
0x99: {  	s19 =	simm.s32 $_scs_section_size  }
0x9a: {  	s4 =	simm.s32 $_size__tile_overlayer_lowered;
	s5 =	simm.s32 $_tile_overlayer_lowered  }
0x9b: {  	s22 =	simm.s32 $0x1BFF;
	s21 =	sshll.u32 s5, $0x1;
	s2 =	sadd.s32 s19, s18  }
0x9c: {  	s6 =	simm.s32 $0x0;
	s20 =	sshll.u32 s4, $0x1;
	s4 =	sadd.s32 s21, s2  }
0x9d: {  	[timem:s6], [sflag:s22] =	dma.local [hbm:s4], s20  }
0x9e: {  	_ =	swait.ge [sflag:s22], s20  }
0x9f: {  	s3 =	ssub.s32 $0x0, s20;
	[sflag:s22] =	ssyncset.done $0x0  }
0xa0: {  	[sflag:s22] =	ssyncadd.s32 s3;
	_ =	sdelay $0x1  }
0xa1: {  	s23 =	simm.s32 $0x1B8B  }
0xa2: {  	_ =	swait.ge [sflag:s23], $0x1  }
0xa3: {  	[sflag:s23] =	ssyncset.done $0x0  }
0xa4: {  	s25 =	simm.s32 $0x1B8E;
	s24 =	sld [smem:$0x3FFE];
	[sflag:s23] =	ssyncadd.s32 $0xFFFFFFFF  }
0xa5: {  	s26 =	simm.s32 $execute0_lowered;
	[smem:$0x3FD2] =	sst s25  }
0xa6: {  	s4 =	sshll.u32 s26, $0x1;
	_ =	strace $0x80000049;
	[dreg:$0x1] =	wrdreg $0xFFFFFFFF  }
0xa7: {  	s28 =	simm.s32 $_size_execute0_lowered;
	s2 =	sadd.s32 s2, s4;
	[dreg:$0x0] =	wrdreg $0x0  }
0xa8: {  	s4 =	sshll.u32 s28, $0x1;
	[dreg:$0x2] =	wrdreg s2  }
0xa9: {  	[dreg:$0x3] =	wrdreg s4  }
0xaa: {  	[dreg:$0x4] =	wrdreg $0xC0  }
0xab: {  	_ =	task [dreg:s6], $0x5FFFF  }
0xac: {  	[dreg:$0x1] =	wrdreg $0xFFFFFFFF  }
0xad: {  	[dreg:$0x0] =	wrdreg $0x60  }
0xae: {  	[dreg:$0x2] =	wrdreg s24  }
0xaf: {  	[dreg:$0x3] =	wrdreg $0xA  }
0xb0: {  	_ =	task.clear_ibuf [dreg:s6], $0x4FFFF;
	_ =	strace $0x90000049  }
0xb1: {  	s29 =	simm.s32 $0xA;
	_ =	strace $0x8000004B  }
0xb2: {  	_ =	swait.ge [sflag:s29], $0x1  }
0xb3: {  	[sflag:s29] =	ssyncadd.s32 $0xFFFFFFFF  }
0xb4: {  	_ =	strace $0x9000004B  }
0xb5: {  	_ =	sfence  }
0xb6: {  	s30 =	sld [smem:$0x0];
	_ =	sdelay $0x2  }
0xb7: {  	s31 =	sshll.u32 s1, $0xD;
	s1 =	sshrl.u32 s1, $0x2  }
0xb8: {  	s3 =	sand.u32 $0x4000, s31;
	s1 =	sadd.s32 s1, s30  }
0xb9: {  	s0 =	sor.u32 s3, s0;
	s1 =	sshll.u32 s1, $0x11  }
0xba: {  	s0 =	sor.u32 s1, s0  }
0xbb: {  	s0 =	sadd.s32 $0x8F2B, s0  }
0xbc: {  	[sflag:s0] =	ssyncadd.remote.s32 $0x1  }
0xbd: {  	_ =	sfence.sel $0xFFFF  }
0xbe: {  	[dreg:$0x0] =	wrdreg $0xFFFFFFFF;
	(pc) =	sbr.abs _section_cstart, $3  }
0xbf: {  	[dreg:$0x1] =	wrdreg $0xFFFFFFFF  }
0xc0: {  	_ =	task.clear_ibuf [dreg:s6], $0x2FFFF;
	_ =	strace $0x9FFFFFFF  }
0xc1: {  	(tm) =	ssettm $0x7FFFFFFF  }
tec
execute0_lowered:
.L_overlay_start_1:
0x0: {  	(tag) =	ssettag $0x1  }
0x1: {  	s7 =	rddreg [dreg:$0x0]  }
0x2: {  	s0 =	rddreg [dreg:$0x1];
	_ =	strace $0x8000004A  }
0x3: {  	s1 =	srdreg.scid;
	s4 =	simm.s32 $0x1;
	s9 =	simm.s32 $0x3  }
0x4: {  	s12 =	simm.s32 $0x0;
	s10 =	simm.s32 $0x0;
	s5 =	sshll.u32 s1, $0x4  }
.Ltmp0:
0x5: {  	s1 =	stileid.u32;
	s5 =	sand.u32 $0x10, s5;
	(pc) =	sbr.rel .LBB2_1-.Ltmp0, $4  }
0x6: {  	s2 =	sadd.s32 $0x98A00, s7;
	s3 =	sadd.s32 $0xB9A00, s7;
	s6 =	sor.u32 s1, s5  }
0x7: {  	[sflag:s4] =	ssyncpa.u1 $0x0;
	s5 =	simm.s32 $0x2;
	s6 =	sshll.u32 s6, $0x6  }
0x8: {  	s7 =	sadd.s32 $0xB9C00, s7;
	[sflag:s5] =	ssyncpa.u1 $0x0;
	s8 =	sadd.s32 $0x40, s6  }
0x9: {  	vm0 =	vmmov $0xff;
	vm1 =	vcmask $0x3F20;
	[sflag:s9] =	ssyncpa.u1 $0x0;
	s9 =	simm.s32 $0x40;
	s11 =	smov.u32 s6  }
.LBB2_9:
0xa: {  	p0 =	seq.s32 s10, $0x2  }
.Ltmp1:
0xb: {  	_ = 	snop;
	(pc) =	sbr.rel @p0 .LBB2_11-.Ltmp1, $1  }
0xc: {  	_ =	sdelay $0x3  }
.LBB2_10:
0xd: {  	s12 =	sadd.s32 $0x40, s11  }
0xe: {  	s13 =	smov.u32 s6;
	p0 =	slt.s32 s12, s8  }
0xf: {  	s13 =	smov.u32 @p0 s12  }
0x10: {  	s10 =	sadd.s32 $0x1, s10;
	s12 =	smov.u32 s11;
	s11 =	smov.u32 s13  }
.LBB2_1:
0x11: {  	p0 =	sne.s32 s10, $0x0  }
.Ltmp2:
0x12: {  	_ = 	snop;
	(pc) =	sbr.rel @!p0 .LBB2_2-.Ltmp2, $1  }
0x13: {  	_ =	sdelay $0x3  }
0x14: {  	s13 =	sand.u32 $0x1, s10  }
0x15: {  	p0 =	seq.s32 s13, $0x0  }
.Ltmp3:
0x16: {  	_ = 	snop;
	(pc) =	sbr.rel @p0 .LBB2_9-.Ltmp3, $1  }
0x17: {  	_ =	sdelay $0x3  }
0x18: {  	_ =	swait.ge [sflag:s5], $0x40  }
0x19: {  	[sflag:s5] =	ssyncset.done $0x0  }
0x1a: {  	s13 =	simm.s32 $0x0;
	[sflag:s5] =	ssyncadd.s32 $0xFFFFFFC0  }
0x1b: {  	v0 =	vld.msk [tilespmem:s13+$0x40 ss:$0x1], $0xffff;
	_ =	sdelay $0x4  }
0x1c: {  	v1 =	vshll.u32 v0, $0x5  }
0x1d: {  	vm2 =	veq.s32 v0, $0x80000000;
	v0 =	vshll.u32 v0, $0x12;
	v1 =	vand.u32 $0x3FF80, v1  }
0x1e: {  	v0 =	vand.u32 $0xC0000, v0;
	v1 =	vsel vm2, $0xFFFFFF80, v1  }
0x1f: {  	v0 =	vsel vm2, $0xFFFC0000, v0;
	v2 =	vand.u32 $0xFFFFFC00, v1  }
0x20: {  	v1 =	vand.u32 $0x380, v1;
	v0 =	vadd.s32 v0, v2  }
0x21: {  	v0 =	vor.u32 v1, v0  }
0x22: {  	v0 =	vshrl.u32 v0, $0x3;
	_ =	sdelay $0x3  }
0x23: {  	s13 =	simm.s32 $0x2080  }
0x24: {  	[tilespmem:s13], [sflag:$0x1] =	stream.indirect_vreg.gather [hbm:s2], $0x80, v0, vm0, $0x38;
	[tilespmem:$0x4080] =	vst v63  }
0x25: {  	s14 =	simm.s32 $0x2480;
	s31 =	simm.s32 $0x10  }
0x26: {  	[tilespmem:s14], [sflag:$0x1] =	stream.indirect_vreg.gather [hbm:s2], $0x80, v0, vm1, $0x38;
	[tilespmem:$0x4080] =	vst v63  }
0x27: {  	s14 =	simm.s32 $0x80;
	v0 =	vld.msk [tilespmem:s31+$0x40 ss:$0x1], $0xffff  }
.LBB2_5:
0x28: {  	p0 =	sne.s32 s14, $0xC0;
	_ =	sdelay $0x4  }
0x29: {  	v1 =	vshll.u32 v0, $0x5  }
0x2a: {  	vm2 =	veq.s32 v0, $0x80000000;
	v0 =	vshll.u32 v0, $0x12;
	v1 =	vand.u32 $0x3FF80, v1  }
0x2b: {  	v0 =	vand.u32 $0xC0000, v0;
	v1 =	vsel vm2, $0xFFFFFF80, v1  }
0x2c: {  	v0 =	vsel vm2, $0xFFFC0000, v0;
	v2 =	vand.u32 $0xFFFFFC00, v1  }
0x2d: {  	v1 =	vand.u32 $0x380, v1;
	v0 =	vadd.s32 v0, v2  }
0x2e: {  	v0 =	vor.u32 v1, v0  }
0x2f: {  	v0 =	vshrl.u32 v0, $0x3;
	_ =	sdelay $0x3  }
.Ltmp4:
0x30: {  	s13 =	sadd.s32 $0x800, s13;
	(pc) =	sbr.rel @p0 .LBB2_5-.Ltmp4, $4  }
0x31: {  	[tilespmem:s13], [sflag:$0x1] =	stream.indirect_vreg.gather [hbm:s2], $0x80, v0, vm0, $0x38;
	[tilespmem:$0x4080] =	vst v63  }
0x32: {  	s15 =	sshra.s32 s14, $0x2;
	s16 =	sadd.s32 $0x400, s13  }
0x33: {  	[tilespmem:s16], [sflag:$0x1] =	stream.indirect_vreg.gather [hbm:s2], $0x80, v0, vm1, $0x38;
	[tilespmem:$0x4080] =	vst v63  }
0x34: {  	s14 =	sadd.s32 $0x40, s14;
	v0 =	vld.msk [tilespmem:s15+$0x40 ss:$0x1], $0xffff  }
0x35: {  	_ =	sdelay $0x3  }
0x36: {  	v1 =	vshll.u32 v0, $0x5  }
0x37: {  	vm2 =	veq.s32 v0, $0x80000000;
	v63 =	vshll.u32 v0, $0x12;
	v1 =	vand.u32 $0x3FF80, v1  }
0x38: {  	v0 =	vand.u32 $0xC0000, v63;
	v1 =	vsel vm2, $0xFFFFFF80, v1  }
0x39: {  	v0 =	vsel vm2, $0xFFFC0000, v0;
	v2 =	vand.u32 $0xFFFFFC00, v1  }
0x3a: {  	v1 =	vand.u32 $0x380, v1;
	v0 =	vadd.s32 v0, v2  }
0x3b: {  	v0 =	vor.u32 v1, v0  }
0x3c: {  	v0 =	vshrl.u32 v0, $0x3;
	_ =	sdelay $0x3  }
0x3d: {  	s13 =	sadd.s32 $0x800, s13  }
0x3e: {  	[tilespmem:s13], [sflag:$0x1] =	stream.indirect_vreg.gather [hbm:s2], $0x80, v0, vm0, $0x38;
	[tilespmem:$0x4080] =	vst v63  }
0x3f: {  	s13 =	sadd.s32 $0x400, s13  }
0x40: {  	[tilespmem:s13], [sflag:$0x1] =	stream.indirect_vreg.gather [hbm:s2], $0x80, v0, vm1, $0x38;
	[tilespmem:$0x4080] =	vst v63  }
0x41: {  	s12 =	sshll.u32 s12, $0x4;
	s14 =	simm.s32 $0x80;
	_ =	swait.ge [sflag:s4], $0x2000  }
0x42: {  	s15 =	simm.s32 $0x2480;
	s12 =	sadd.s32 s12, s7;
	[sflag:s4] =	ssyncset.done $0x0  }
0x43: {  	s16 =	sadd.s32 $0x0, s12;
	s13 =	simm.s32 $0x2080;
	[sflag:s4] =	ssyncadd.s32 $0xFFFFE000  }
.LBB2_7:
0x44: {  	[hbm:s16] =	stream.linear.scatter [tilespmem:s13], [sflag:$0x3], $0x400, $0x38;
	[tilespmem:$0x4080] =	vst v63  }
0x45: {  	s16 =	smov.u32 s14;
	s13 =	smov.u32 s15;
	p0 =	sne.s32 s14, $0x380  }
.Ltmp5:
0x46: {  	s14 =	sadd.s32 $0x80, s14;
	(pc) =	sbr.rel @p0 .LBB2_7-.Ltmp5, $2  }
0x47: {  	_ =	sdelay $0x2  }
0x48: {  	s15 =	sadd.s32 $0x400, s15;
	s16 =	sadd.s32 s16, s12  }
.Ltmp6:
0x49: {  	(pc) =	sbr.rel .LBB2_9-.Ltmp6, $2  }
0x4a: {  	_ =	sdelay $0x2  }
0x4b: {  	[hbm:s16] =	stream.linear.scatter [tilespmem:s13], [sflag:$0x3], $0x400, $0x38;
	[tilespmem:$0x4080] =	vst v63  }
.LBB2_2:
.Ltmp7:
0x4c: {  	(pc) =	sbr.rel .LBB2_10-.Ltmp7, $4  }
0x4d: {  	_ = 	snop  }
0x4e: {  	s12 =	sshrl.u32 s11, $0x3  }
0x4f: {  	s13 =	sand.u32 $0x7, s11;
	s12 =	sadd.s32 s3, s12  }
0x50: {  	[tilespmem:s9], [sflag:$0x2] =	stream.linear.gather [hbm4b:s12+s13], $0x40, $0x38;
	[tilespmem:$0x4080] =	vst v63  }
.LBB2_11:
0x51: {  	s2 =	simm.s32 $0x3  }
0x52: {  	_ =	swait.ge [sflag:s2], $0x2000  }
0x53: {  	[sflag:s2] =	ssyncset.done $0x0  }
0x54: {  	[sflag:s2] =	ssyncadd.s32 $0xFFFFE000  }
0x55: {  	_ =	sfence.sel $0x180000  }
0x56: {  	s3 =	simm.s32 $0x2;
	[bflag:$0x0] =	sbarrier.arrive $0xFFFF  }
0x57: {  	[sflag:s3] =	ssyncpa.u1 $0x1  }
0x58: {  	s31 =	simm.s32 $0x1;
	[sflag:s2] =	ssyncpa.u1 $0x1  }
0x59: {  	[sflag:s31] =	ssyncpa.u1 $0x1  }
0x5a: {  	p0 =	sne.s32 s1, $0x0;
	_ =	strace $0x9000004A  }
0x5b: {  	s0 =	sadd.s32 @!p0 $0x100000, s0;
	[bflag:$0x2] =	sbarrier.arrive $0xFFFF  }
0x5c: {  	[sflag:s0] =	ssyncadd.tile.s32 @!p0 $0x1;
	_ =	shalt  }
.Lfunc_end2:
_tile_overlayer_lowered:
.L_overlay_start_2:
0x5d: {  	(tag) =	ssettag $0x2  }
0x5e: {  	s0 =	rddreg [dreg:$0x0];
	s2 =	stileid.u32  }
0x5f: {  	s1 =	rddreg [dreg:$0x1];
	p0 =	sne.s32 s2, $0x0  }
0x60: {  	s3 =	rddreg [dreg:$0x2];
	[bflag:$0x3] =	sbarrier.arrive $0xFFFF;
	s2 =	simm.s32 @!p0 $0x1C01  }
0x61: {  	[timem:s3], [sflag:s2] =	dma.local @!p0 [hbm:s0], s1  }
0x62: {  	s0 =	simm.s32 @!p0 $0x1  }
0x63: {  	_ =	swait.ge @!p0 [sflag:s0], s1  }
0x64: {  	s1 =	ssub.s32 @!p0 $0x0, s1;
	[sflag:s0] =	ssyncset.done @!p0 $0x0  }
0x65: {  	[sflag:s0] =	ssyncadd.s32 @!p0 s1  }
0x66: {  	[bflag:$0x3] =	sbarrier.arrive $0xFFFF  }
0x67: {  	_ =	shalt  }

// kernel: gather_offload_async_start.2
scs
__scs_entry_jumppad:
0x0: {  	(pc) =	sbr.rel $0x88, $3  }
0x1: {  	(tag) =	ssettag $0x0;
	lr =	simm.s32 $0x1  }
0x2: {  	[smem:$0x3F2F] =	sst lr;
	_ =	strace $0xD0000000  }
0x3: {  	_ = 	snop  }
0x4: {  	_ = 	snop  }
0x5: {  	_ = 	snop  }
0x6: {  	_ = 	snop  }
0x7: {  	_ = 	snop  }
__scs_overlays_trampoline_lowered:
0x8: {  	[smem:$0x3F3E] =	sst s0  }
0x9: {  	[smem:$0x3F3F] =	sst s1  }
0xa: {  	[smem:$0x3F40] =	sst s2  }
0xb: {  	[smem:$0x3F41] =	sst s3  }
0xc: {  	[smem:$0x3F42] =	sst s4  }
0xd: {  	[smem:$0x3F43] =	sst s5  }
0xe: {  	[smem:$0x3F44] =	sst s6  }
0xf: {  	[smem:$0x3F45] =	sst s7  }
0x10: {  	[smem:$0x3F46] =	sst s8  }
0x11: {  	[smem:$0x3F47] =	sst s9;
	s0 =	simm.s32 @!p0 $0x0  }
0x12: {  	s1 =	sld [smem:$0x3F2D];
	s0 =	simm.s32 @p0 $0x1  }
0x13: {  	[smem:$0x3F48] =	sst s0;
	s0 =	simm.s32 @!p1 $0x0  }
0x14: {  	s2 =	sld [smem:$0x3F2C];
	s0 =	simm.s32 @p1 $0x1  }
0x15: {  	[smem:$0x3F49] =	sst s0;
	s0 =	simm.s32 @!p2 $0x0  }
0x16: {  	s3 =	sld [smem:$0x3FDB];
	s0 =	simm.s32 @p2 $0x1  }
0x17: {  	s4 =	simm.s32 $0x1BF5;
	[smem:$0x3F4B] =	sst s0  }
0x18: {  	s0 =	sld [smem:$0x3F2E];
	_ =	swait.ge [sflag:s4], $0x0  }
0x19: {  	s7 =	sld [smem:$0x3F2F]  }
0x1a: {  	s8 =	sadd.s32 $0xFFFFE003, lr  }
0x1b: {  	s9 =	sadd.s32 $0xFFFFFEF7, lr;
	s5 =	simm.s32 $0xFFFFFFFF;
	p2 =	slt.u32 s8, $0xFFFFF086  }
0x1c: {  	p1 =	slt.u32 s9, $0xF7A;
	s5 =	simm.s32 @!p2 $0x0  }
0x1d: {  	s5 =	simm.s32 @p1 $0x1;
	p0 =	seq.s32 s7, s2  }
0x1e: {  	s7 =	smul.u32 @!p0 $0xF7A, s2;
	p2 =	seq.s32 @!p0 s5, $0x0  }
0x1f: {  	s9 =	smul.u32 $0xF7A, s1;
	s8 =	simm.s32 @!p0 $0x1BF5;
	p2 =	por !p2, p0  }
0x20: {  	[sflag:s8] =	ssyncset.s32 @!p0 $0xFFFFF086;
	s6 =	sadd.s32 @!p0 s3, s7;
	s7 =	simm.s32 @!p0 $0x108  }
0x21: {  	s3 =	sadd.s32 s3, s9;
	s6 =	sadd.s32 @!p0 $0x88, s6;
	s7 =	simm.s32 @p2 $0x1082  }
0x22: {  	[simem:s7], [sflag:s8] =	dma.local @!p0 [hbm:s6], $0xF7A  }
0x23: {  	s9 =	sor.u32 $0xD0000000, s2;
	s6 =	simm.s32 $0x108;
	_ =	swait.ge @!p0 [sflag:s8], $0x0  }
0x24: {  	s3 =	sadd.s32 $0x88, s3;
	s6 =	simm.s32 @!p1 $0x1082;
	[sflag:s4] =	ssyncset.s32 $0xFFFFF086  }
0x25: {  	[simem:s6], [sflag:s4] =	dma.local [hbm:s3], $0xF7A  }
0x26: {  	[smem:$0x3F2F] =	sst s1;
	(tag) =	ssettag s2;
	_ =	strace s9  }
0x27: {  	s1 =	sld [smem:$0x3F3F]  }
0x28: {  	s2 =	sld [smem:$0x3F40]  }
0x29: {  	s4 =	sld [smem:$0x3F42]  }
0x2a: {  	p0 =	seq.s32 s5, $0x0;
	s5 =	sld [smem:$0x3F43]  }
0x2b: {  	s6 =	sld [smem:$0x3F44]  }
0x2c: {  	s7 =	sld [smem:$0x3F45]  }
0x2d: {  	s3 =	simm.s32 $0x108;
	s8 =	sld [smem:$0x3F46]  }
0x2e: {  	s3 =	simm.s32 @!p0 $0x1082;
	s9 =	sld [smem:$0x3F47]  }
0x2f: {  	lr =	sadd.s32 s0, s3;
	s0 =	sld [smem:$0x3F3E]  }
0x30: {  	s3 =	sld [smem:$0x3F41]  }
0x31: {  	[smem:$0x3F4A] =	sst s10  }
0x32: {  	s10 =	sld [smem:$0x3F48];
	_ =	sdelay $0x3  }
0x33: {  	p0 =	seq.s32 s10, $0x1;
	s10 =	sld [smem:$0x3F4A];
	_ =	sdelay $0x3  }
0x34: {  	[smem:$0x3F4A] =	sst s10  }
0x35: {  	s10 =	sld [smem:$0x3F49];
	_ =	sdelay $0x3  }
0x36: {  	p1 =	seq.s32 s10, $0x1;
	s10 =	sld [smem:$0x3F4A];
	_ =	sdelay $0x3  }
0x37: {  	[smem:$0x3F4A] =	sst s10  }
0x38: {  	s10 =	sld [smem:$0x3F4B]  }
0x39: {  	_ = 	snop;
	(pc) =	sbr.ind lr, $3  }
0x3a: {  	_ = 	snop  }
0x3b: {  	_ = 	snop  }
0x3c: {  	p2 =	seq.s32 s10, $0x1;
	s10 =	sld [smem:$0x3F4A]  }
0x3d: {  	_ =	shalt  }
0x3e: {  	_ =	shalt  }
0x3f: {  	_ =	shalt  }
0x40: {  	_ =	shalt  }
0x41: {  	_ =	shalt  }
0x42: {  	_ =	shalt  }
0x43: {  	_ =	shalt  }
0x44: {  	_ =	shalt  }
0x45: {  	_ =	shalt  }
0x46: {  	_ =	shalt  }
0x47: {  	_ =	shalt  }
0x48: {  	_ =	shalt  }
0x49: {  	_ =	shalt  }
0x4a: {  	_ =	shalt  }
0x4b: {  	_ =	shalt  }
0x4c: {  	_ =	shalt  }
0x4d: {  	_ =	shalt  }
0x4e: {  	_ =	shalt  }
0x4f: {  	_ =	shalt  }
0x50: {  	_ =	shalt  }
0x51: {  	_ =	shalt  }
0x52: {  	_ =	shalt  }
0x53: {  	_ =	shalt  }
0x54: {  	_ =	shalt  }
0x55: {  	_ =	shalt  }
0x56: {  	_ =	shalt  }
0x57: {  	_ =	shalt  }
0x58: {  	_ =	shalt  }
0x59: {  	_ =	shalt  }
0x5a: {  	_ =	shalt  }
0x5b: {  	_ =	shalt  }
0x5c: {  	_ =	shalt  }
0x5d: {  	_ =	shalt  }
0x5e: {  	_ =	shalt  }
0x5f: {  	_ =	shalt  }
0x60: {  	_ =	shalt  }
0x61: {  	_ =	shalt  }
0x62: {  	_ =	shalt  }
0x63: {  	_ =	shalt  }
0x64: {  	_ =	shalt  }
0x65: {  	_ =	shalt  }
0x66: {  	_ =	shalt  }
0x67: {  	_ =	shalt  }
0x68: {  	_ =	shalt  }
0x69: {  	_ =	shalt  }
0x6a: {  	_ =	shalt  }
0x6b: {  	_ =	shalt  }
0x6c: {  	_ =	shalt  }
0x6d: {  	_ =	shalt  }
0x6e: {  	_ =	shalt  }
0x6f: {  	_ =	shalt  }
0x70: {  	_ =	shalt  }
0x71: {  	_ =	shalt  }
0x72: {  	_ =	shalt  }
0x73: {  	_ =	shalt  }
0x74: {  	_ =	shalt  }
0x75: {  	_ =	shalt  }
0x76: {  	_ =	shalt  }
0x77: {  	_ =	shalt  }
0x78: {  	_ =	shalt  }
0x79: {  	_ =	shalt  }
0x7a: {  	_ =	shalt  }
0x7b: {  	_ =	shalt  }
0x7c: {  	_ =	shalt  }
0x7d: {  	_ =	shalt  }
0x7e: {  	_ =	shalt  }
0x7f: {  	_ =	shalt  }
0x80: {  	_ =	shalt  }
0x81: {  	_ =	shalt  }
0x82: {  	_ =	shalt  }
0x83: {  	_ =	shalt  }
0x84: {  	_ =	shalt  }
0x85: {  	_ =	shalt  }
0x86: {  	_ =	shalt  }
0x87: {  	_ =	shalt  }
.Lfunc_end0:
.L_simem_size_0:
called_computation.3_lowered:
.L_overlay_start_0:
0x88: {  	s2 =	sld [smem:$0x3FD9]  }
0x89: {  	s3 =	sld [smem:$0x3FFE];
	_ =	sdelay $0x1  }
0x8a: {  	s1 =	srdreg.scid  }
0x8b: {  	s0 =	sand.u32 $0x1, s1  }
0x8c: {  	s16 =	sshll.u32 s0, $0xA;
	s2 =	sadd.s32 s3, s2  }
0x8d: {  	s2 =	sadd.s32 s2, s16  }
0x8e: {  	[smem:$0x3F56] =	sst s2  }
0x8f: {  	_ = 	snop  }
0x90: {  	(tm) =	ssettm $0x1  }
0x91: {  	s17 =	sld [smem:$0x3FFB];
	_ =	sdelay $0x3  }
0x92: {  	_ =	strace s17  }
0x93: {  	s2 =	sld [smem:$0x3FFC];
	_ =	sdelay $0x3  }
0x94: {  	_ =	strace s2  }
0x95: {  	s2 =	sld [smem:$0x3FFD];
	_ =	sdelay $0x3  }
0x96: {  	_ =	strace s2  }
0x97: {  	_ =	strace $0x8FFFFFFF  }
0x98: {  	s18 =	sld [smem:$0x3FDB];
	_ =	sdelay $0x1  }
0x99: {  	s19 =	simm.s32 $_scs_section_size  }
0x9a: {  	s4 =	simm.s32 $_size__tile_overlayer_lowered;
	s5 =	simm.s32 $_tile_overlayer_lowered  }
0x9b: {  	s22 =	simm.s32 $0x1BFF;
	s21 =	sshll.u32 s5, $0x1;
	s2 =	sadd.s32 s19, s18  }
0x9c: {  	s6 =	simm.s32 $0x0;
	s20 =	sshll.u32 s4, $0x1;
	s4 =	sadd.s32 s21, s2  }
0x9d: {  	[timem:s6], [sflag:s22] =	dma.local [hbm:s4], s20  }
0x9e: {  	_ =	swait.ge [sflag:s22], s20  }
0x9f: {  	s3 =	ssub.s32 $0x0, s20;
	[sflag:s22] =	ssyncset.done $0x0  }
0xa0: {  	[sflag:s22] =	ssyncadd.s32 s3;
	_ =	sdelay $0x1  }
0xa1: {  	s23 =	simm.s32 $0x1B8B  }
0xa2: {  	_ =	swait.ge [sflag:s23], $0x1  }
0xa3: {  	[sflag:s23] =	ssyncset.done $0x0  }
0xa4: {  	s25 =	simm.s32 $0x1B8E;
	s24 =	sld [smem:$0x3FFE];
	[sflag:s23] =	ssyncadd.s32 $0xFFFFFFFF  }
0xa5: {  	s26 =	simm.s32 $execute0_lowered;
	[smem:$0x3FD2] =	sst s25  }
0xa6: {  	s4 =	sshll.u32 s26, $0x1;
	_ =	strace $0x8000004F;
	[dreg:$0x1] =	wrdreg $0xFFFFFFFF  }
0xa7: {  	s28 =	simm.s32 $_size_execute0_lowered;
	s2 =	sadd.s32 s2, s4;
	[dreg:$0x0] =	wrdreg $0x0  }
0xa8: {  	s4 =	sshll.u32 s28, $0x1;
	[dreg:$0x2] =	wrdreg s2  }
0xa9: {  	[dreg:$0x3] =	wrdreg s4  }
0xaa: {  	[dreg:$0x4] =	wrdreg $0xC0  }
0xab: {  	_ =	task [dreg:s6], $0x5FFFF  }
0xac: {  	[dreg:$0x1] =	wrdreg $0xFFFFFFFF  }
0xad: {  	[dreg:$0x0] =	wrdreg $0x60  }
0xae: {  	[dreg:$0x2] =	wrdreg s24  }
0xaf: {  	[dreg:$0x3] =	wrdreg $0x9  }
0xb0: {  	_ =	task.clear_ibuf [dreg:s6], $0x4FFFF;
	_ =	strace $0x9000004F  }
0xb1: {  	s29 =	simm.s32 $0x9;
	_ =	strace $0x80000051  }
0xb2: {  	_ =	swait.ge [sflag:s29], $0x1  }
0xb3: {  	[sflag:s29] =	ssyncadd.s32 $0xFFFFFFFF  }
0xb4: {  	_ =	strace $0x90000051  }
0xb5: {  	_ =	sfence  }
0xb6: {  	s30 =	sld [smem:$0x0];
	_ =	sdelay $0x2  }
0xb7: {  	s31 =	sshll.u32 s1, $0xD;
	s1 =	sshrl.u32 s1, $0x2  }
0xb8: {  	s3 =	sand.u32 $0x4000, s31;
	s1 =	sadd.s32 s1, s30  }
0xb9: {  	s0 =	sor.u32 s3, s0;
	s1 =	sshll.u32 s1, $0x11  }
0xba: {  	s0 =	sor.u32 s1, s0  }
0xbb: {  	s0 =	sadd.s32 $0x8F2B, s0  }
0xbc: {  	[sflag:s0] =	ssyncadd.remote.s32 $0x1  }
0xbd: {  	_ =	sfence.sel $0xFFFF  }
0xbe: {  	[dreg:$0x0] =	wrdreg $0xFFFFFFFF;
	(pc) =	sbr.abs _section_cstart, $3  }
0xbf: {  	[dreg:$0x1] =	wrdreg $0xFFFFFFFF  }
0xc0: {  	_ =	task.clear_ibuf [dreg:s6], $0x2FFFF;
	_ =	strace $0x9FFFFFFF  }
0xc1: {  	(tm) =	ssettm $0x7FFFFFFF  }
tec
execute0_lowered:
.L_overlay_start_1:
0x0: {  	(tag) =	ssettag $0x1  }
0x1: {  	s7 =	rddreg [dreg:$0x0]  }
0x2: {  	s0 =	rddreg [dreg:$0x1];
	_ =	strace $0x80000050  }
0x3: {  	s1 =	srdreg.scid;
	s4 =	simm.s32 $0x1;
	s9 =	simm.s32 $0x3  }
0x4: {  	s12 =	simm.s32 $0x0;
	s10 =	simm.s32 $0x0;
	s5 =	sshll.u32 s1, $0x4  }
.Ltmp0:
0x5: {  	s1 =	stileid.u32;
	s5 =	sand.u32 $0x10, s5;
	(pc) =	sbr.rel .LBB2_1-.Ltmp0, $4  }
0x6: {  	s2 =	sadd.s32 $0x10C7C00, s7;
	s3 =	sadd.s32 $0x8BC00, s7;
	s6 =	sor.u32 s1, s5  }
0x7: {  	[sflag:s4] =	ssyncpa.u1 $0x0;
	s5 =	simm.s32 $0x2;
	s6 =	sshll.u32 s6, $0x8  }
0x8: {  	s7 =	sadd.s32 $0x115C200, s7;
	[sflag:s5] =	ssyncpa.u1 $0x0;
	s8 =	sadd.s32 $0x100, s6  }
0x9: {  	vm0 =	vmmov $0xff;
	vm1 =	vcmask $0x3F20;
	[sflag:s9] =	ssyncpa.u1 $0x0;
	s9 =	simm.s32 $0x100;
	s11 =	smov.u32 s6  }
.LBB2_9:
0xa: {  	p0 =	seq.s32 s10, $0x2  }
.Ltmp1:
0xb: {  	_ = 	snop;
	(pc) =	sbr.rel @p0 .LBB2_11-.Ltmp1, $1  }
0xc: {  	_ =	sdelay $0x3  }
.LBB2_10:
0xd: {  	s12 =	sadd.s32 $0x100, s11  }
0xe: {  	s13 =	smov.u32 s6;
	p0 =	slt.s32 s12, s8  }
0xf: {  	s13 =	smov.u32 @p0 s12  }
0x10: {  	s10 =	sadd.s32 $0x1, s10;
	s12 =	smov.u32 s11;
	s11 =	smov.u32 s13  }
.LBB2_1:
0x11: {  	p0 =	sne.s32 s10, $0x0  }
.Ltmp2:
0x12: {  	_ = 	snop;
	(pc) =	sbr.rel @!p0 .LBB2_2-.Ltmp2, $1  }
0x13: {  	_ =	sdelay $0x3  }
0x14: {  	s13 =	sand.u32 $0x1, s10  }
0x15: {  	p0 =	seq.s32 s13, $0x0  }
.Ltmp3:
0x16: {  	_ = 	snop;
	(pc) =	sbr.rel @p0 .LBB2_9-.Ltmp3, $1  }
0x17: {  	_ =	sdelay $0x3  }
0x18: {  	_ =	swait.ge [sflag:s5], $0x100  }
0x19: {  	[sflag:s5] =	ssyncset.done $0x0  }
0x1a: {  	s13 =	simm.s32 $0x0;
	[sflag:s5] =	ssyncadd.s32 $0xFFFFFF00  }
0x1b: {  	v0 =	vld.msk [tilespmem:s13+$0x100 ss:$0x1], $0xffff;
	_ =	sdelay $0x4  }
0x1c: {  	v1 =	vshll.u32 v0, $0x5  }
0x1d: {  	vm2 =	veq.s32 v0, $0x80000000;
	v0 =	vshll.u32 v0, $0x14;
	v1 =	vand.u32 $0xFFF80, v1  }
0x1e: {  	v0 =	vand.u32 $0x300000, v0;
	v1 =	vsel vm2, $0xFFFFFF80, v1  }
0x1f: {  	v0 =	vsel vm2, $0xFFF00000, v0;
	v2 =	vand.u32 $0xFFFFFC00, v1  }
0x20: {  	v1 =	vand.u32 $0x380, v1;
	v0 =	vadd.s32 v0, v2  }
0x21: {  	v0 =	vor.u32 v1, v0  }
0x22: {  	v0 =	vshrl.u32 v0, $0x3;
	_ =	sdelay $0x3  }
0x23: {  	s13 =	simm.s32 $0x8200  }
0x24: {  	[tilespmem:s13], [sflag:$0x1] =	stream.indirect_vreg.gather [hbm:s2], $0x80, v0, vm0, $0x38;
	[tilespmem:$0x10200] =	vst v63  }
0x25: {  	s14 =	simm.s32 $0x8600;
	s31 =	simm.s32 $0x10  }
0x26: {  	[tilespmem:s14], [sflag:$0x1] =	stream.indirect_vreg.gather [hbm:s2], $0x80, v0, vm1, $0x38;
	[tilespmem:$0x10200] =	vst v63  }
0x27: {  	s14 =	simm.s32 $0x80;
	v0 =	vld.msk [tilespmem:s31+$0x100 ss:$0x1], $0xffff  }
.LBB2_5:
0x28: {  	p0 =	sne.s32 s14, $0x3C0;
	_ =	sdelay $0x4  }
0x29: {  	v1 =	vshll.u32 v0, $0x5  }
0x2a: {  	vm2 =	veq.s32 v0, $0x80000000;
	v0 =	vshll.u32 v0, $0x14;
	v1 =	vand.u32 $0xFFF80, v1  }
0x2b: {  	v0 =	vand.u32 $0x300000, v0;
	v1 =	vsel vm2, $0xFFFFFF80, v1  }
0x2c: {  	v0 =	vsel vm2, $0xFFF00000, v0;
	v2 =	vand.u32 $0xFFFFFC00, v1  }
0x2d: {  	v1 =	vand.u32 $0x380, v1;
	v0 =	vadd.s32 v0, v2  }
0x2e: {  	v0 =	vor.u32 v1, v0  }
0x2f: {  	v0 =	vshrl.u32 v0, $0x3;
	_ =	sdelay $0x3  }
.Ltmp4:
0x30: {  	s13 =	sadd.s32 $0x800, s13;
	(pc) =	sbr.rel @p0 .LBB2_5-.Ltmp4, $4  }
0x31: {  	[tilespmem:s13], [sflag:$0x1] =	stream.indirect_vreg.gather [hbm:s2], $0x80, v0, vm0, $0x38;
	[tilespmem:$0x10200] =	vst v63  }
0x32: {  	s15 =	sshra.s32 s14, $0x2;
	s16 =	sadd.s32 $0x400, s13  }
0x33: {  	[tilespmem:s16], [sflag:$0x1] =	stream.indirect_vreg.gather [hbm:s2], $0x80, v0, vm1, $0x38;
	[tilespmem:$0x10200] =	vst v63  }
0x34: {  	s14 =	sadd.s32 $0x40, s14;
	v0 =	vld.msk [tilespmem:s15+$0x100 ss:$0x1], $0xffff  }
0x35: {  	_ =	sdelay $0x3  }
0x36: {  	v1 =	vshll.u32 v0, $0x5  }
0x37: {  	vm2 =	veq.s32 v0, $0x80000000;
	v63 =	vshll.u32 v0, $0x14;
	v1 =	vand.u32 $0xFFF80, v1  }
0x38: {  	v0 =	vand.u32 $0x300000, v63;
	v1 =	vsel vm2, $0xFFFFFF80, v1  }
0x39: {  	v0 =	vsel vm2, $0xFFF00000, v0;
	v2 =	vand.u32 $0xFFFFFC00, v1  }
0x3a: {  	v1 =	vand.u32 $0x380, v1;
	v0 =	vadd.s32 v0, v2  }
0x3b: {  	v0 =	vor.u32 v1, v0  }
0x3c: {  	v0 =	vshrl.u32 v0, $0x3;
	_ =	sdelay $0x3  }
0x3d: {  	s13 =	sadd.s32 $0x800, s13  }
0x3e: {  	[tilespmem:s13], [sflag:$0x1] =	stream.indirect_vreg.gather [hbm:s2], $0x80, v0, vm0, $0x38;
	[tilespmem:$0x10200] =	vst v63  }
0x3f: {  	s13 =	sadd.s32 $0x400, s13  }
0x40: {  	[tilespmem:s13], [sflag:$0x1] =	stream.indirect_vreg.gather [hbm:s2], $0x80, v0, vm1, $0x38;
	[tilespmem:$0x10200] =	vst v63  }
0x41: {  	s12 =	sshll.u32 s12, $0x4;
	s14 =	simm.s32 $0x80;
	_ =	swait.ge [sflag:s4], $0x8000  }
0x42: {  	s15 =	simm.s32 $0x8600;
	s12 =	sadd.s32 s12, s7;
	[sflag:s4] =	ssyncset.done $0x0  }
0x43: {  	s16 =	sadd.s32 $0x0, s12;
	s13 =	simm.s32 $0x8200;
	[sflag:s4] =	ssyncadd.s32 $0xFFFF8000  }
.LBB2_7:
0x44: {  	[hbm:s16] =	stream.linear.scatter [tilespmem:s13], [sflag:$0x3], $0x400, $0x38;
	[tilespmem:$0x10200] =	vst v63  }
0x45: {  	s16 =	smov.u32 s14;
	s13 =	smov.u32 s15;
	p0 =	sne.s32 s14, $0xF80  }
.Ltmp5:
0x46: {  	s14 =	sadd.s32 $0x80, s14;
	(pc) =	sbr.rel @p0 .LBB2_7-.Ltmp5, $2  }
0x47: {  	_ =	sdelay $0x2  }
0x48: {  	s15 =	sadd.s32 $0x400, s15;
	s16 =	sadd.s32 s16, s12  }
.Ltmp6:
0x49: {  	(pc) =	sbr.rel .LBB2_9-.Ltmp6, $2  }
0x4a: {  	_ =	sdelay $0x2  }
0x4b: {  	[hbm:s16] =	stream.linear.scatter [tilespmem:s13], [sflag:$0x3], $0x400, $0x38;
	[tilespmem:$0x10200] =	vst v63  }
.LBB2_2:
.Ltmp7:
0x4c: {  	(pc) =	sbr.rel .LBB2_10-.Ltmp7, $4  }
0x4d: {  	_ = 	snop  }
0x4e: {  	s12 =	sshrl.u32 s11, $0x3  }
0x4f: {  	s13 =	sand.u32 $0x7, s11;
	s12 =	sadd.s32 s3, s12  }
0x50: {  	[tilespmem:s9], [sflag:$0x2] =	stream.linear.gather [hbm4b:s12+s13], $0x100, $0x38;
	[tilespmem:$0x10200] =	vst v63  }
.LBB2_11:
0x51: {  	s2 =	simm.s32 $0x3  }
0x52: {  	_ =	swait.ge [sflag:s2], $0x8000  }
0x53: {  	[sflag:s2] =	ssyncset.done $0x0  }
0x54: {  	[sflag:s2] =	ssyncadd.s32 $0xFFFF8000  }
0x55: {  	_ =	sfence.sel $0x180000  }
0x56: {  	s3 =	simm.s32 $0x2;
	[bflag:$0x0] =	sbarrier.arrive $0xFFFF  }
0x57: {  	[sflag:s3] =	ssyncpa.u1 $0x1  }
0x58: {  	s31 =	simm.s32 $0x1;
	[sflag:s2] =	ssyncpa.u1 $0x1  }
0x59: {  	[sflag:s31] =	ssyncpa.u1 $0x1  }
0x5a: {  	p0 =	sne.s32 s1, $0x0;
	_ =	strace $0x90000050  }
0x5b: {  	s0 =	sadd.s32 @!p0 $0x100000, s0;
	[bflag:$0x2] =	sbarrier.arrive $0xFFFF  }
0x5c: {  	[sflag:s0] =	ssyncadd.tile.s32 @!p0 $0x1;
	_ =	shalt  }
.Lfunc_end2:
_tile_overlayer_lowered:
.L_overlay_start_2:
0x5d: {  	(tag) =	ssettag $0x2  }
0x5e: {  	s0 =	rddreg [dreg:$0x0];
	s2 =	stileid.u32  }
0x5f: {  	s1 =	rddreg [dreg:$0x1];
	p0 =	sne.s32 s2, $0x0  }
0x60: {  	s3 =	rddreg [dreg:$0x2];
	[bflag:$0x3] =	sbarrier.arrive $0xFFFF;
	s2 =	simm.s32 @!p0 $0x1C01  }
0x61: {  	[timem:s3], [sflag:s2] =	dma.local @!p0 [hbm:s0], s1  }
0x62: {  	s0 =	simm.s32 @!p0 $0x1  }
0x63: {  	_ =	swait.ge @!p0 [sflag:s0], s1  }
0x64: {  	s1 =	ssub.s32 @!p0 $0x0, s1;
	[sflag:s0] =	ssyncset.done @!p0 $0x0  }
0x65: {  	[sflag:s0] =	ssyncadd.s32 @!p0 s1  }
0x66: {  	[bflag:$0x3] =	sbarrier.arrive $0xFFFF  }
0x67: {  	_ =	shalt  }

// kernel: gather_offload_async_start.3
scs
__scs_entry_jumppad:
0x0: {  	(pc) =	sbr.rel $0x88, $3  }
0x1: {  	(tag) =	ssettag $0x0;
	lr =	simm.s32 $0x1  }
0x2: {  	[smem:$0x3F2F] =	sst lr;
	_ =	strace $0xD0000000  }
0x3: {  	_ = 	snop  }
0x4: {  	_ = 	snop  }
0x5: {  	_ = 	snop  }
0x6: {  	_ = 	snop  }
0x7: {  	_ = 	snop  }
__scs_overlays_trampoline_lowered:
0x8: {  	[smem:$0x3F3E] =	sst s0  }
0x9: {  	[smem:$0x3F3F] =	sst s1  }
0xa: {  	[smem:$0x3F40] =	sst s2  }
0xb: {  	[smem:$0x3F41] =	sst s3  }
0xc: {  	[smem:$0x3F42] =	sst s4  }
0xd: {  	[smem:$0x3F43] =	sst s5  }
0xe: {  	[smem:$0x3F44] =	sst s6  }
0xf: {  	[smem:$0x3F45] =	sst s7  }
0x10: {  	[smem:$0x3F46] =	sst s8  }
0x11: {  	[smem:$0x3F47] =	sst s9;
	s0 =	simm.s32 @!p0 $0x0  }
0x12: {  	s1 =	sld [smem:$0x3F2D];
	s0 =	simm.s32 @p0 $0x1  }
0x13: {  	[smem:$0x3F48] =	sst s0;
	s0 =	simm.s32 @!p1 $0x0  }
0x14: {  	s2 =	sld [smem:$0x3F2C];
	s0 =	simm.s32 @p1 $0x1  }
0x15: {  	[smem:$0x3F49] =	sst s0;
	s0 =	simm.s32 @!p2 $0x0  }
0x16: {  	s3 =	sld [smem:$0x3FDB];
	s0 =	simm.s32 @p2 $0x1  }
0x17: {  	s4 =	simm.s32 $0x1BF5;
	[smem:$0x3F4B] =	sst s0  }
0x18: {  	s0 =	sld [smem:$0x3F2E];
	_ =	swait.ge [sflag:s4], $0x0  }
0x19: {  	s7 =	sld [smem:$0x3F2F]  }
0x1a: {  	s8 =	sadd.s32 $0xFFFFE003, lr  }
0x1b: {  	s9 =	sadd.s32 $0xFFFFFEF7, lr;
	s5 =	simm.s32 $0xFFFFFFFF;
	p2 =	slt.u32 s8, $0xFFFFF086  }
0x1c: {  	p1 =	slt.u32 s9, $0xF7A;
	s5 =	simm.s32 @!p2 $0x0  }
0x1d: {  	s5 =	simm.s32 @p1 $0x1;
	p0 =	seq.s32 s7, s2  }
0x1e: {  	s7 =	smul.u32 @!p0 $0xF7A, s2;
	p2 =	seq.s32 @!p0 s5, $0x0  }
0x1f: {  	s9 =	smul.u32 $0xF7A, s1;
	s8 =	simm.s32 @!p0 $0x1BF5;
	p2 =	por !p2, p0  }
0x20: {  	[sflag:s8] =	ssyncset.s32 @!p0 $0xFFFFF086;
	s6 =	sadd.s32 @!p0 s3, s7;
	s7 =	simm.s32 @!p0 $0x108  }
0x21: {  	s3 =	sadd.s32 s3, s9;
	s6 =	sadd.s32 @!p0 $0x88, s6;
	s7 =	simm.s32 @p2 $0x1082  }
0x22: {  	[simem:s7], [sflag:s8] =	dma.local @!p0 [hbm:s6], $0xF7A  }
0x23: {  	s9 =	sor.u32 $0xD0000000, s2;
	s6 =	simm.s32 $0x108;
	_ =	swait.ge @!p0 [sflag:s8], $0x0  }
0x24: {  	s3 =	sadd.s32 $0x88, s3;
	s6 =	simm.s32 @!p1 $0x1082;
	[sflag:s4] =	ssyncset.s32 $0xFFFFF086  }
0x25: {  	[simem:s6], [sflag:s4] =	dma.local [hbm:s3], $0xF7A  }
0x26: {  	[smem:$0x3F2F] =	sst s1;
	(tag) =	ssettag s2;
	_ =	strace s9  }
0x27: {  	s1 =	sld [smem:$0x3F3F]  }
0x28: {  	s2 =	sld [smem:$0x3F40]  }
0x29: {  	s4 =	sld [smem:$0x3F42]  }
0x2a: {  	p0 =	seq.s32 s5, $0x0;
	s5 =	sld [smem:$0x3F43]  }
0x2b: {  	s6 =	sld [smem:$0x3F44]  }
0x2c: {  	s7 =	sld [smem:$0x3F45]  }
0x2d: {  	s3 =	simm.s32 $0x108;
	s8 =	sld [smem:$0x3F46]  }
0x2e: {  	s3 =	simm.s32 @!p0 $0x1082;
	s9 =	sld [smem:$0x3F47]  }
0x2f: {  	lr =	sadd.s32 s0, s3;
	s0 =	sld [smem:$0x3F3E]  }
0x30: {  	s3 =	sld [smem:$0x3F41]  }
0x31: {  	[smem:$0x3F4A] =	sst s10  }
0x32: {  	s10 =	sld [smem:$0x3F48];
	_ =	sdelay $0x3  }
0x33: {  	p0 =	seq.s32 s10, $0x1;
	s10 =	sld [smem:$0x3F4A];
	_ =	sdelay $0x3  }
0x34: {  	[smem:$0x3F4A] =	sst s10  }
0x35: {  	s10 =	sld [smem:$0x3F49];
	_ =	sdelay $0x3  }
0x36: {  	p1 =	seq.s32 s10, $0x1;
	s10 =	sld [smem:$0x3F4A];
	_ =	sdelay $0x3  }
0x37: {  	[smem:$0x3F4A] =	sst s10  }
0x38: {  	s10 =	sld [smem:$0x3F4B]  }
0x39: {  	_ = 	snop;
	(pc) =	sbr.ind lr, $3  }
0x3a: {  	_ = 	snop  }
0x3b: {  	_ = 	snop  }
0x3c: {  	p2 =	seq.s32 s10, $0x1;
	s10 =	sld [smem:$0x3F4A]  }
0x3d: {  	_ =	shalt  }
0x3e: {  	_ =	shalt  }
0x3f: {  	_ =	shalt  }
0x40: {  	_ =	shalt  }
0x41: {  	_ =	shalt  }
0x42: {  	_ =	shalt  }
0x43: {  	_ =	shalt  }
0x44: {  	_ =	shalt  }
0x45: {  	_ =	shalt  }
0x46: {  	_ =	shalt  }
0x47: {  	_ =	shalt  }
0x48: {  	_ =	shalt  }
0x49: {  	_ =	shalt  }
0x4a: {  	_ =	shalt  }
0x4b: {  	_ =	shalt  }
0x4c: {  	_ =	shalt  }
0x4d: {  	_ =	shalt  }
0x4e: {  	_ =	shalt  }
0x4f: {  	_ =	shalt  }
0x50: {  	_ =	shalt  }
0x51: {  	_ =	shalt  }
0x52: {  	_ =	shalt  }
0x53: {  	_ =	shalt  }
0x54: {  	_ =	shalt  }
0x55: {  	_ =	shalt  }
0x56: {  	_ =	shalt  }
0x57: {  	_ =	shalt  }
0x58: {  	_ =	shalt  }
0x59: {  	_ =	shalt  }
0x5a: {  	_ =	shalt  }
0x5b: {  	_ =	shalt  }
0x5c: {  	_ =	shalt  }
0x5d: {  	_ =	shalt  }
0x5e: {  	_ =	shalt  }
0x5f: {  	_ =	shalt  }
0x60: {  	_ =	shalt  }
0x61: {  	_ =	shalt  }
0x62: {  	_ =	shalt  }
0x63: {  	_ =	shalt  }
0x64: {  	_ =	shalt  }
0x65: {  	_ =	shalt  }
0x66: {  	_ =	shalt  }
0x67: {  	_ =	shalt  }
0x68: {  	_ =	shalt  }
0x69: {  	_ =	shalt  }
0x6a: {  	_ =	shalt  }
0x6b: {  	_ =	shalt  }
0x6c: {  	_ =	shalt  }
0x6d: {  	_ =	shalt  }
0x6e: {  	_ =	shalt  }
0x6f: {  	_ =	shalt  }
0x70: {  	_ =	shalt  }
0x71: {  	_ =	shalt  }
0x72: {  	_ =	shalt  }
0x73: {  	_ =	shalt  }
0x74: {  	_ =	shalt  }
0x75: {  	_ =	shalt  }
0x76: {  	_ =	shalt  }
0x77: {  	_ =	shalt  }
0x78: {  	_ =	shalt  }
0x79: {  	_ =	shalt  }
0x7a: {  	_ =	shalt  }
0x7b: {  	_ =	shalt  }
0x7c: {  	_ =	shalt  }
0x7d: {  	_ =	shalt  }
0x7e: {  	_ =	shalt  }
0x7f: {  	_ =	shalt  }
0x80: {  	_ =	shalt  }
0x81: {  	_ =	shalt  }
0x82: {  	_ =	shalt  }
0x83: {  	_ =	shalt  }
0x84: {  	_ =	shalt  }
0x85: {  	_ =	shalt  }
0x86: {  	_ =	shalt  }
0x87: {  	_ =	shalt  }
.Lfunc_end0:
.L_simem_size_0:
called_computation.4_lowered:
.L_overlay_start_0:
0x88: {  	s2 =	sld [smem:$0x3FD9]  }
0x89: {  	s3 =	sld [smem:$0x3FFE];
	_ =	sdelay $0x1  }
0x8a: {  	s1 =	srdreg.scid  }
0x8b: {  	s0 =	sand.u32 $0x1, s1  }
0x8c: {  	s17 =	sshll.u32 s0, $0xA;
	s2 =	sadd.s32 s3, s2  }
0x8d: {  	s2 =	sadd.s32 s2, s17  }
0x8e: {  	[smem:$0x3F56] =	sst s2  }
0x8f: {  	_ = 	snop  }
0x90: {  	s2 =	sld [smem:$0x3FD0];
	(tm) =	ssettm $0x1  }
0x91: {  	s18 =	sld [smem:$0x3FFB];
	_ =	sdelay $0x3  }
0x92: {  	_ =	strace s18  }
0x93: {  	s3 =	sld [smem:$0x3FFC];
	_ =	sdelay $0x3  }
0x94: {  	_ =	strace s3  }
0x95: {  	s3 =	sld [smem:$0x3FFD];
	_ =	sdelay $0x3  }
0x96: {  	_ =	strace s3  }
0x97: {  	_ =	strace $0x8FFFFFFF  }
0x98: {  	s19 =	sld [smem:$0x3FDB];
	_ =	sdelay $0x1  }
0x99: {  	s4 =	simm.s32 $_scs_section_size  }
0x9a: {  	s5 =	simm.s32 $_size__tile_overlayer_lowered;
	s6 =	simm.s32 $_tile_overlayer_lowered  }
0x9b: {  	s22 =	simm.s32 $0x1BFF;
	s21 =	sshll.u32 s6, $0x1;
	s3 =	sadd.s32 s4, s19  }
0x9c: {  	s7 =	simm.s32 $0x0;
	s20 =	sshll.u32 s5, $0x1;
	s5 =	sadd.s32 s21, s3  }
0x9d: {  	[timem:s7], [sflag:s22] =	dma.local [hbm:s5], s20  }
0x9e: {  	_ =	swait.ge [sflag:s22], s20  }
0x9f: {  	s4 =	ssub.s32 $0x0, s20;
	[sflag:s22] =	ssyncset.done $0x0  }
0xa0: {  	[sflag:s22] =	ssyncadd.s32 s4;
	_ =	sdelay $0x1  }
0xa1: {  	s23 =	simm.s32 $0x1B8B  }
0xa2: {  	_ =	swait.ge [sflag:s23], $0x1  }
0xa3: {  	[sflag:s23] =	ssyncset.done $0x0  }
0xa4: {  	s25 =	simm.s32 $0x1B8E;
	s24 =	sld [smem:$0x3FFE];
	[sflag:s23] =	ssyncadd.s32 $0xFFFFFFFF  }
0xa5: {  	s26 =	simm.s32 $execute0_lowered;
	[smem:$0x3FD2] =	sst s25  }
0xa6: {  	s5 =	sshll.u32 s26, $0x1;
	_ =	strace $0x80000052;
	[dreg:$0x1] =	wrdreg $0xFFFFFFFF  }
0xa7: {  	s28 =	simm.s32 $_size_execute0_lowered;
	s3 =	sadd.s32 s3, s5;
	[dreg:$0x0] =	wrdreg $0x0  }
0xa8: {  	s5 =	sshll.u32 s28, $0x1;
	[dreg:$0x2] =	wrdreg s3  }
0xa9: {  	[dreg:$0x3] =	wrdreg s5  }
0xaa: {  	[dreg:$0x4] =	wrdreg $0xC0  }
0xab: {  	_ =	task [dreg:s7], $0x5FFFF  }
0xac: {  	[dreg:$0x1] =	wrdreg $0xFFFFFFFF  }
0xad: {  	[dreg:$0x0] =	wrdreg $0x60  }
0xae: {  	[dreg:$0x2] =	wrdreg s24  }
0xaf: {  	[dreg:$0x3] =	wrdreg s2  }
0xb0: {  	[dreg:$0x4] =	wrdreg $0x9  }
0xb1: {  	_ =	task.clear_ibuf [dreg:s7], $0x5FFFF;
	_ =	strace $0x90000052  }
0xb2: {  	s29 =	simm.s32 $0x9;
	_ =	strace $0x80000054  }
0xb3: {  	_ =	swait.ge [sflag:s29], $0x1  }
0xb4: {  	[sflag:s29] =	ssyncadd.s32 $0xFFFFFFFF  }
0xb5: {  	_ =	strace $0x90000054  }
0xb6: {  	_ =	sfence  }
0xb7: {  	s30 =	sld [smem:$0x0];
	_ =	sdelay $0x2  }
0xb8: {  	s31 =	sshll.u32 s1, $0xD;
	s1 =	sshrl.u32 s1, $0x2  }
0xb9: {  	s3 =	sand.u32 $0x4000, s31;
	s1 =	sadd.s32 s1, s30  }
0xba: {  	s0 =	sor.u32 s3, s0;
	s1 =	sshll.u32 s1, $0x11  }
0xbb: {  	s0 =	sor.u32 s1, s0  }
0xbc: {  	s0 =	sadd.s32 $0x8F2B, s0  }
0xbd: {  	[sflag:s0] =	ssyncadd.remote.s32 $0x1  }
0xbe: {  	_ =	sfence.sel $0xFFFF  }
0xbf: {  	[dreg:$0x0] =	wrdreg $0xFFFFFFFF;
	(pc) =	sbr.abs _section_cstart, $3  }
0xc0: {  	[dreg:$0x1] =	wrdreg $0xFFFFFFFF  }
0xc1: {  	_ =	task.clear_ibuf [dreg:s7], $0x2FFFF;
	_ =	strace $0x9FFFFFFF  }
0xc2: {  	(tm) =	ssettm $0x7FFFFFFF  }
0xc3: {  	_ =	shalt  }
tec
execute0_lowered:
.L_overlay_start_1:
0x0: {  	(tag) =	ssettag $0x1  }
0x1: {  	s7 =	rddreg [dreg:$0x0]  }
0x2: {  	s2 =	rddreg [dreg:$0x1]  }
0x3: {  	s0 =	rddreg [dreg:$0x2]  }
0x4: {  	s1 =	srdreg.scid;
	_ =	strace $0x80000053;
	s4 =	simm.s32 $0x1  }
0x5: {  	s9 =	simm.s32 $0x3;
	s12 =	simm.s32 $0x0;
	s5 =	sshll.u32 s1, $0x4  }
.Ltmp0:
0x6: {  	s1 =	stileid.u32;
	s5 =	sand.u32 $0x10, s5;
	(pc) =	sbr.rel .LBB2_1-.Ltmp0, $4  }
0x7: {  	s10 =	simm.s32 $0x0;
	s3 =	sadd.s32 $0x115A200, s7;
	s6 =	sor.u32 s1, s5  }
0x8: {  	[sflag:s4] =	ssyncpa.u1 $0x0;
	s5 =	simm.s32 $0x2;
	s6 =	sshll.u32 s6, $0x6  }
0x9: {  	s7 =	sadd.s32 $0xB9A00, s7;
	[sflag:s5] =	ssyncpa.u1 $0x0;
	s8 =	sadd.s32 $0x40, s6  }
0xa: {  	vm0 =	vmmov $0xff;
	vm1 =	vcmask $0x3F20;
	[sflag:s9] =	ssyncpa.u1 $0x0;
	s9 =	simm.s32 $0x40;
	s11 =	smov.u32 s6  }
.LBB2_9:
0xb: {  	p0 =	seq.s32 s10, $0x2  }
.Ltmp1:
0xc: {  	_ = 	snop;
	(pc) =	sbr.rel @p0 .LBB2_11-.Ltmp1, $1  }
0xd: {  	_ =	sdelay $0x3  }
.LBB2_10:
0xe: {  	s12 =	sadd.s32 $0x40, s11  }
0xf: {  	s13 =	smov.u32 s6;
	p0 =	slt.s32 s12, s8  }
0x10: {  	s13 =	smov.u32 @p0 s12  }
0x11: {  	s10 =	sadd.s32 $0x1, s10;
	s12 =	smov.u32 s11;
	s11 =	smov.u32 s13  }
.LBB2_1:
0x12: {  	p0 =	sne.s32 s10, $0x0  }
.Ltmp2:
0x13: {  	_ = 	snop;
	(pc) =	sbr.rel @!p0 .LBB2_2-.Ltmp2, $1  }
0x14: {  	_ =	sdelay $0x3  }
0x15: {  	s13 =	sand.u32 $0x1, s10  }
0x16: {  	p0 =	seq.s32 s13, $0x0  }
.Ltmp3:
0x17: {  	_ = 	snop;
	(pc) =	sbr.rel @p0 .LBB2_9-.Ltmp3, $1  }
0x18: {  	_ =	sdelay $0x3  }
0x19: {  	_ =	swait.ge [sflag:s5], $0x40  }
0x1a: {  	[sflag:s5] =	ssyncset.done $0x0  }
0x1b: {  	s13 =	simm.s32 $0x0;
	[sflag:s5] =	ssyncadd.s32 $0xFFFFFFC0  }
0x1c: {  	v0 =	vld.msk [tilespmem:s13+$0x40 ss:$0x1], $0xffff;
	_ =	sdelay $0x4  }
0x1d: {  	v1 =	vshll.u32 v0, $0x5  }
0x1e: {  	vm2 =	veq.s32 v0, $0x80000000;
	v0 =	vshll.u32 v0, $0x12;
	v1 =	vand.u32 $0x3FF80, v1  }
0x1f: {  	v0 =	vand.u32 $0xC0000, v0;
	v1 =	vsel vm2, $0xFFFFFF80, v1  }
0x20: {  	v0 =	vsel vm2, $0xFFFC0000, v0;
	v2 =	vand.u32 $0xFFFFFC00, v1  }
0x21: {  	v1 =	vand.u32 $0x380, v1;
	v0 =	vadd.s32 v0, v2  }
0x22: {  	v0 =	vor.u32 v1, v0  }
0x23: {  	v0 =	vshrl.u32 v0, $0x3;
	_ =	sdelay $0x3  }
0x24: {  	s13 =	simm.s32 $0x2080  }
0x25: {  	[tilespmem:s13], [sflag:$0x1] =	stream.indirect_vreg.gather [hbm:s3], $0x80, v0, vm0, $0x38;
	[tilespmem:$0x4080] =	vst v63  }
0x26: {  	s14 =	simm.s32 $0x2480;
	s31 =	simm.s32 $0x10  }
0x27: {  	[tilespmem:s14], [sflag:$0x1] =	stream.indirect_vreg.gather [hbm:s3], $0x80, v0, vm1, $0x38;
	[tilespmem:$0x4080] =	vst v63  }
0x28: {  	s14 =	simm.s32 $0x80;
	v0 =	vld.msk [tilespmem:s31+$0x40 ss:$0x1], $0xffff  }
.LBB2_5:
0x29: {  	p0 =	sne.s32 s14, $0xC0;
	_ =	sdelay $0x4  }
0x2a: {  	v1 =	vshll.u32 v0, $0x5  }
0x2b: {  	vm2 =	veq.s32 v0, $0x80000000;
	v0 =	vshll.u32 v0, $0x12;
	v1 =	vand.u32 $0x3FF80, v1  }
0x2c: {  	v0 =	vand.u32 $0xC0000, v0;
	v1 =	vsel vm2, $0xFFFFFF80, v1  }
0x2d: {  	v0 =	vsel vm2, $0xFFFC0000, v0;
	v2 =	vand.u32 $0xFFFFFC00, v1  }
0x2e: {  	v1 =	vand.u32 $0x380, v1;
	v0 =	vadd.s32 v0, v2  }
0x2f: {  	v0 =	vor.u32 v1, v0  }
0x30: {  	v0 =	vshrl.u32 v0, $0x3;
	_ =	sdelay $0x3  }
.Ltmp4:
0x31: {  	s13 =	sadd.s32 $0x800, s13;
	(pc) =	sbr.rel @p0 .LBB2_5-.Ltmp4, $4  }
0x32: {  	[tilespmem:s13], [sflag:$0x1] =	stream.indirect_vreg.gather [hbm:s3], $0x80, v0, vm0, $0x38;
	[tilespmem:$0x4080] =	vst v63  }
0x33: {  	s15 =	sshra.s32 s14, $0x2;
	s16 =	sadd.s32 $0x400, s13  }
0x34: {  	[tilespmem:s16], [sflag:$0x1] =	stream.indirect_vreg.gather [hbm:s3], $0x80, v0, vm1, $0x38;
	[tilespmem:$0x4080] =	vst v63  }
0x35: {  	s14 =	sadd.s32 $0x40, s14;
	v0 =	vld.msk [tilespmem:s15+$0x40 ss:$0x1], $0xffff  }
0x36: {  	_ =	sdelay $0x3  }
0x37: {  	v1 =	vshll.u32 v0, $0x5  }
0x38: {  	vm2 =	veq.s32 v0, $0x80000000;
	v63 =	vshll.u32 v0, $0x12;
	v1 =	vand.u32 $0x3FF80, v1  }
0x39: {  	v0 =	vand.u32 $0xC0000, v63;
	v1 =	vsel vm2, $0xFFFFFF80, v1  }
0x3a: {  	v0 =	vsel vm2, $0xFFFC0000, v0;
	v2 =	vand.u32 $0xFFFFFC00, v1  }
0x3b: {  	v1 =	vand.u32 $0x380, v1;
	v0 =	vadd.s32 v0, v2  }
0x3c: {  	v0 =	vor.u32 v1, v0  }
0x3d: {  	v0 =	vshrl.u32 v0, $0x3;
	_ =	sdelay $0x3  }
0x3e: {  	s13 =	sadd.s32 $0x800, s13  }
0x3f: {  	[tilespmem:s13], [sflag:$0x1] =	stream.indirect_vreg.gather [hbm:s3], $0x80, v0, vm0, $0x38;
	[tilespmem:$0x4080] =	vst v63  }
0x40: {  	s13 =	sadd.s32 $0x400, s13  }
0x41: {  	[tilespmem:s13], [sflag:$0x1] =	stream.indirect_vreg.gather [hbm:s3], $0x80, v0, vm1, $0x38;
	[tilespmem:$0x4080] =	vst v63  }
0x42: {  	s12 =	sshll.u32 s12, $0x4;
	s14 =	simm.s32 $0x80;
	_ =	swait.ge [sflag:s4], $0x2000  }
0x43: {  	s15 =	simm.s32 $0x2480;
	s12 =	sadd.s32 s12, s2;
	[sflag:s4] =	ssyncset.done $0x0  }
0x44: {  	s16 =	sadd.s32 $0x0, s12;
	s13 =	simm.s32 $0x2080;
	[sflag:s4] =	ssyncadd.s32 $0xFFFFE000  }
.LBB2_7:
0x45: {  	[hbm:s16] =	stream.linear.scatter [tilespmem:s13], [sflag:$0x3], $0x400, $0x38;
	[tilespmem:$0x4080] =	vst v63  }
0x46: {  	s16 =	smov.u32 s14;
	s13 =	smov.u32 s15;
	p0 =	sne.s32 s14, $0x380  }
.Ltmp5:
0x47: {  	s14 =	sadd.s32 $0x80, s14;
	(pc) =	sbr.rel @p0 .LBB2_7-.Ltmp5, $2  }
0x48: {  	_ =	sdelay $0x2  }
0x49: {  	s15 =	sadd.s32 $0x400, s15;
	s16 =	sadd.s32 s16, s12  }
.Ltmp6:
0x4a: {  	(pc) =	sbr.rel .LBB2_9-.Ltmp6, $2  }
0x4b: {  	_ =	sdelay $0x2  }
0x4c: {  	[hbm:s16] =	stream.linear.scatter [tilespmem:s13], [sflag:$0x3], $0x400, $0x38;
	[tilespmem:$0x4080] =	vst v63  }
.LBB2_2:
.Ltmp7:
0x4d: {  	(pc) =	sbr.rel .LBB2_10-.Ltmp7, $4  }
0x4e: {  	_ = 	snop  }
0x4f: {  	s12 =	sshrl.u32 s11, $0x3  }
0x50: {  	s13 =	sand.u32 $0x7, s11;
	s12 =	sadd.s32 s7, s12  }
0x51: {  	[tilespmem:s9], [sflag:$0x2] =	stream.linear.gather [hbm4b:s12+s13], $0x40, $0x38;
	[tilespmem:$0x4080] =	vst v63  }
.LBB2_11:
0x52: {  	s2 =	simm.s32 $0x3  }
0x53: {  	_ =	swait.ge [sflag:s2], $0x2000  }
0x54: {  	[sflag:s2] =	ssyncset.done $0x0  }
0x55: {  	[sflag:s2] =	ssyncadd.s32 $0xFFFFE000  }
0x56: {  	_ =	sfence.sel $0x180000  }
0x57: {  	s3 =	simm.s32 $0x2;
	[bflag:$0x0] =	sbarrier.arrive $0xFFFF  }
0x58: {  	[sflag:s3] =	ssyncpa.u1 $0x1  }
0x59: {  	s31 =	simm.s32 $0x1;
	[sflag:s2] =	ssyncpa.u1 $0x1  }
0x5a: {  	[sflag:s31] =	ssyncpa.u1 $0x1  }
0x5b: {  	p0 =	sne.s32 s1, $0x0;
	_ =	strace $0x90000053  }
0x5c: {  	s0 =	sadd.s32 @!p0 $0x100000, s0;
	[bflag:$0x2] =	sbarrier.arrive $0xFFFF  }
0x5d: {  	[sflag:s0] =	ssyncadd.tile.s32 @!p0 $0x1;
	_ =	shalt  }
.Lfunc_end2:
_tile_overlayer_lowered:
.L_overlay_start_2:
0x5e: {  	(tag) =	ssettag $0x2  }
0x5f: {  	s0 =	rddreg [dreg:$0x0];
	s2 =	stileid.u32  }
0x60: {  	s1 =	rddreg [dreg:$0x1];
	p0 =	sne.s32 s2, $0x0  }
0x61: {  	s3 =	rddreg [dreg:$0x2];
	[bflag:$0x3] =	sbarrier.arrive $0xFFFF;
	s2 =	simm.s32 @!p0 $0x1C01  }
0x62: {  	[timem:s3], [sflag:s2] =	dma.local @!p0 [hbm:s0], s1  }
0x63: {  	s0 =	simm.s32 @!p0 $0x1  }
0x64: {  	_ =	swait.ge @!p0 [sflag:s0], s1  }
0x65: {  	s1 =	ssub.s32 @!p0 $0x0, s1;
	[sflag:s0] =	ssyncset.done @!p0 $0x0  }
0x66: {  	[sflag:s0] =	ssyncadd.s32 @!p0 s1  }
0x67: {  	[bflag:$0x3] =	sbarrier.arrive $0xFFFF  }
0x68: {  	_ =	shalt  }

// kernel: gather_offload_async_start
scs
__scs_entry_jumppad:
0x0: {  	(pc) =	sbr.rel $0x88, $3  }
0x1: {  	(tag) =	ssettag $0x0;
	lr =	simm.s32 $0x1  }
0x2: {  	[smem:$0x3F2F] =	sst lr;
	_ =	strace $0xD0000000  }
0x3: {  	_ = 	snop  }
0x4: {  	_ = 	snop  }
0x5: {  	_ = 	snop  }
0x6: {  	_ = 	snop  }
0x7: {  	_ = 	snop  }
__scs_overlays_trampoline_lowered:
0x8: {  	[smem:$0x3F3E] =	sst s0  }
0x9: {  	[smem:$0x3F3F] =	sst s1  }
0xa: {  	[smem:$0x3F40] =	sst s2  }
0xb: {  	[smem:$0x3F41] =	sst s3  }
0xc: {  	[smem:$0x3F42] =	sst s4  }
0xd: {  	[smem:$0x3F43] =	sst s5  }
0xe: {  	[smem:$0x3F44] =	sst s6  }
0xf: {  	[smem:$0x3F45] =	sst s7  }
0x10: {  	[smem:$0x3F46] =	sst s8  }
0x11: {  	[smem:$0x3F47] =	sst s9;
	s0 =	simm.s32 @!p0 $0x0  }
0x12: {  	s1 =	sld [smem:$0x3F2D];
	s0 =	simm.s32 @p0 $0x1  }
0x13: {  	[smem:$0x3F48] =	sst s0;
	s0 =	simm.s32 @!p1 $0x0  }
0x14: {  	s2 =	sld [smem:$0x3F2C];
	s0 =	simm.s32 @p1 $0x1  }
0x15: {  	[smem:$0x3F49] =	sst s0;
	s0 =	simm.s32 @!p2 $0x0  }
0x16: {  	s3 =	sld [smem:$0x3FDB];
	s0 =	simm.s32 @p2 $0x1  }
0x17: {  	s4 =	simm.s32 $0x1BF5;
	[smem:$0x3F4B] =	sst s0  }
0x18: {  	s0 =	sld [smem:$0x3F2E];
	_ =	swait.ge [sflag:s4], $0x0  }
0x19: {  	s7 =	sld [smem:$0x3F2F]  }
0x1a: {  	s8 =	sadd.s32 $0xFFFFE003, lr  }
0x1b: {  	s9 =	sadd.s32 $0xFFFFFEF7, lr;
	s5 =	simm.s32 $0xFFFFFFFF;
	p2 =	slt.u32 s8, $0xFFFFF086  }
0x1c: {  	p1 =	slt.u32 s9, $0xF7A;
	s5 =	simm.s32 @!p2 $0x0  }
0x1d: {  	s5 =	simm.s32 @p1 $0x1;
	p0 =	seq.s32 s7, s2  }
0x1e: {  	s7 =	smul.u32 @!p0 $0xF7A, s2;
	p2 =	seq.s32 @!p0 s5, $0x0  }
0x1f: {  	s9 =	smul.u32 $0xF7A, s1;
	s8 =	simm.s32 @!p0 $0x1BF5;
	p2 =	por !p2, p0  }
0x20: {  	[sflag:s8] =	ssyncset.s32 @!p0 $0xFFFFF086;
	s6 =	sadd.s32 @!p0 s3, s7;
	s7 =	simm.s32 @!p0 $0x108  }
0x21: {  	s3 =	sadd.s32 s3, s9;
	s6 =	sadd.s32 @!p0 $0x88, s6;
	s7 =	simm.s32 @p2 $0x1082  }
0x22: {  	[simem:s7], [sflag:s8] =	dma.local @!p0 [hbm:s6], $0xF7A  }
0x23: {  	s9 =	sor.u32 $0xD0000000, s2;
	s6 =	simm.s32 $0x108;
	_ =	swait.ge @!p0 [sflag:s8], $0x0  }
0x24: {  	s3 =	sadd.s32 $0x88, s3;
	s6 =	simm.s32 @!p1 $0x1082;
	[sflag:s4] =	ssyncset.s32 $0xFFFFF086  }
0x25: {  	[simem:s6], [sflag:s4] =	dma.local [hbm:s3], $0xF7A  }
0x26: {  	[smem:$0x3F2F] =	sst s1;
	(tag) =	ssettag s2;
	_ =	strace s9  }
0x27: {  	s1 =	sld [smem:$0x3F3F]  }
0x28: {  	s2 =	sld [smem:$0x3F40]  }
0x29: {  	s4 =	sld [smem:$0x3F42]  }
0x2a: {  	p0 =	seq.s32 s5, $0x0;
	s5 =	sld [smem:$0x3F43]  }
0x2b: {  	s6 =	sld [smem:$0x3F44]  }
0x2c: {  	s7 =	sld [smem:$0x3F45]  }
0x2d: {  	s3 =	simm.s32 $0x108;
	s8 =	sld [smem:$0x3F46]  }
0x2e: {  	s3 =	simm.s32 @!p0 $0x1082;
	s9 =	sld [smem:$0x3F47]  }
0x2f: {  	lr =	sadd.s32 s0, s3;
	s0 =	sld [smem:$0x3F3E]  }
0x30: {  	s3 =	sld [smem:$0x3F41]  }
0x31: {  	[smem:$0x3F4A] =	sst s10  }
0x32: {  	s10 =	sld [smem:$0x3F48];
	_ =	sdelay $0x3  }
0x33: {  	p0 =	seq.s32 s10, $0x1;
	s10 =	sld [smem:$0x3F4A];
	_ =	sdelay $0x3  }
0x34: {  	[smem:$0x3F4A] =	sst s10  }
0x35: {  	s10 =	sld [smem:$0x3F49];
	_ =	sdelay $0x3  }
0x36: {  	p1 =	seq.s32 s10, $0x1;
	s10 =	sld [smem:$0x3F4A];
	_ =	sdelay $0x3  }
0x37: {  	[smem:$0x3F4A] =	sst s10  }
0x38: {  	s10 =	sld [smem:$0x3F4B]  }
0x39: {  	_ = 	snop;
	(pc) =	sbr.ind lr, $3  }
0x3a: {  	_ = 	snop  }
0x3b: {  	_ = 	snop  }
0x3c: {  	p2 =	seq.s32 s10, $0x1;
	s10 =	sld [smem:$0x3F4A]  }
0x3d: {  	_ =	shalt  }
0x3e: {  	_ =	shalt  }
0x3f: {  	_ =	shalt  }
0x40: {  	_ =	shalt  }
0x41: {  	_ =	shalt  }
0x42: {  	_ =	shalt  }
0x43: {  	_ =	shalt  }
0x44: {  	_ =	shalt  }
0x45: {  	_ =	shalt  }
0x46: {  	_ =	shalt  }
0x47: {  	_ =	shalt  }
0x48: {  	_ =	shalt  }
0x49: {  	_ =	shalt  }
0x4a: {  	_ =	shalt  }
0x4b: {  	_ =	shalt  }
0x4c: {  	_ =	shalt  }
0x4d: {  	_ =	shalt  }
0x4e: {  	_ =	shalt  }
0x4f: {  	_ =	shalt  }
0x50: {  	_ =	shalt  }
0x51: {  	_ =	shalt  }
0x52: {  	_ =	shalt  }
0x53: {  	_ =	shalt  }
0x54: {  	_ =	shalt  }
0x55: {  	_ =	shalt  }
0x56: {  	_ =	shalt  }
0x57: {  	_ =	shalt  }
0x58: {  	_ =	shalt  }
0x59: {  	_ =	shalt  }
0x5a: {  	_ =	shalt  }
0x5b: {  	_ =	shalt  }
0x5c: {  	_ =	shalt  }
0x5d: {  	_ =	shalt  }
0x5e: {  	_ =	shalt  }
0x5f: {  	_ =	shalt  }
0x60: {  	_ =	shalt  }
0x61: {  	_ =	shalt  }
0x62: {  	_ =	shalt  }
0x63: {  	_ =	shalt  }
0x64: {  	_ =	shalt  }
0x65: {  	_ =	shalt  }
0x66: {  	_ =	shalt  }
0x67: {  	_ =	shalt  }
0x68: {  	_ =	shalt  }
0x69: {  	_ =	shalt  }
0x6a: {  	_ =	shalt  }
0x6b: {  	_ =	shalt  }
0x6c: {  	_ =	shalt  }
0x6d: {  	_ =	shalt  }
0x6e: {  	_ =	shalt  }
0x6f: {  	_ =	shalt  }
0x70: {  	_ =	shalt  }
0x71: {  	_ =	shalt  }
0x72: {  	_ =	shalt  }
0x73: {  	_ =	shalt  }
0x74: {  	_ =	shalt  }
0x75: {  	_ =	shalt  }
0x76: {  	_ =	shalt  }
0x77: {  	_ =	shalt  }
0x78: {  	_ =	shalt  }
0x79: {  	_ =	shalt  }
0x7a: {  	_ =	shalt  }
0x7b: {  	_ =	shalt  }
0x7c: {  	_ =	shalt  }
0x7d: {  	_ =	shalt  }
0x7e: {  	_ =	shalt  }
0x7f: {  	_ =	shalt  }
0x80: {  	_ =	shalt  }
0x81: {  	_ =	shalt  }
0x82: {  	_ =	shalt  }
0x83: {  	_ =	shalt  }
0x84: {  	_ =	shalt  }
0x85: {  	_ =	shalt  }
0x86: {  	_ =	shalt  }
0x87: {  	_ =	shalt  }
.Lfunc_end0:
.L_simem_size_0:
called_computation.1_lowered:
.L_overlay_start_0:
0x88: {  	s2 =	sld [smem:$0x3FD9]  }
0x89: {  	s3 =	sld [smem:$0x3FFE];
	_ =	sdelay $0x1  }
0x8a: {  	s1 =	srdreg.scid  }
0x8b: {  	s0 =	sand.u32 $0x1, s1  }
0x8c: {  	s16 =	sshll.u32 s0, $0xA;
	s2 =	sadd.s32 s3, s2  }
0x8d: {  	s2 =	sadd.s32 s2, s16  }
0x8e: {  	[smem:$0x3F56] =	sst s2  }
0x8f: {  	_ = 	snop  }
0x90: {  	(tm) =	ssettm $0x1  }
0x91: {  	s17 =	sld [smem:$0x3FFB];
	_ =	sdelay $0x3  }
0x92: {  	_ =	strace s17  }
0x93: {  	s2 =	sld [smem:$0x3FFC];
	_ =	sdelay $0x3  }
0x94: {  	_ =	strace s2  }
0x95: {  	s2 =	sld [smem:$0x3FFD];
	_ =	sdelay $0x3  }
0x96: {  	_ =	strace s2  }
0x97: {  	_ =	strace $0x8FFFFFFF  }
0x98: {  	s18 =	sld [smem:$0x3FDB];
	_ =	sdelay $0x1  }
0x99: {  	s19 =	simm.s32 $_scs_section_size  }
0x9a: {  	s4 =	simm.s32 $_size__tile_overlayer_lowered;
	s5 =	simm.s32 $_tile_overlayer_lowered  }
0x9b: {  	s22 =	simm.s32 $0x1BFF;
	s21 =	sshll.u32 s5, $0x1;
	s2 =	sadd.s32 s19, s18  }
0x9c: {  	s6 =	simm.s32 $0x0;
	s20 =	sshll.u32 s4, $0x1;
	s4 =	sadd.s32 s21, s2  }
0x9d: {  	[timem:s6], [sflag:s22] =	dma.local [hbm:s4], s20  }
0x9e: {  	_ =	swait.ge [sflag:s22], s20  }
0x9f: {  	s3 =	ssub.s32 $0x0, s20;
	[sflag:s22] =	ssyncset.done $0x0  }
0xa0: {  	[sflag:s22] =	ssyncadd.s32 s3;
	_ =	sdelay $0x1  }
0xa1: {  	s23 =	simm.s32 $0x1B8B  }
0xa2: {  	_ =	swait.ge [sflag:s23], $0x1  }
0xa3: {  	[sflag:s23] =	ssyncset.done $0x0  }
0xa4: {  	s25 =	simm.s32 $0x1B8E;
	s24 =	sld [smem:$0x3FFE];
	[sflag:s23] =	ssyncadd.s32 $0xFFFFFFFF  }
0xa5: {  	s26 =	simm.s32 $execute0_lowered;
	[smem:$0x3FD2] =	sst s25  }
0xa6: {  	s4 =	sshll.u32 s26, $0x1;
	_ =	strace $0x80000046;
	[dreg:$0x1] =	wrdreg $0xFFFFFFFF  }
0xa7: {  	s28 =	simm.s32 $_size_execute0_lowered;
	s2 =	sadd.s32 s2, s4;
	[dreg:$0x0] =	wrdreg $0x0  }
0xa8: {  	s4 =	sshll.u32 s28, $0x1;
	[dreg:$0x2] =	wrdreg s2  }
0xa9: {  	[dreg:$0x3] =	wrdreg s4  }
0xaa: {  	[dreg:$0x4] =	wrdreg $0xC0  }
0xab: {  	_ =	task [dreg:s6], $0x5FFFF  }
0xac: {  	[dreg:$0x1] =	wrdreg $0xFFFFFFFF  }
0xad: {  	[dreg:$0x0] =	wrdreg $0x60  }
0xae: {  	[dreg:$0x2] =	wrdreg s24  }
0xaf: {  	[dreg:$0x3] =	wrdreg $0x9  }
0xb0: {  	_ =	task.clear_ibuf [dreg:s6], $0x4FFFF;
	_ =	strace $0x90000046  }
0xb1: {  	s29 =	simm.s32 $0x9;
	_ =	strace $0x80000048  }
0xb2: {  	_ =	swait.ge [sflag:s29], $0x1  }
0xb3: {  	[sflag:s29] =	ssyncadd.s32 $0xFFFFFFFF  }
0xb4: {  	_ =	strace $0x90000048  }
0xb5: {  	_ =	sfence  }
0xb6: {  	s30 =	sld [smem:$0x0];
	_ =	sdelay $0x2  }
0xb7: {  	s31 =	sshll.u32 s1, $0xD;
	s1 =	sshrl.u32 s1, $0x2  }
0xb8: {  	s3 =	sand.u32 $0x4000, s31;
	s1 =	sadd.s32 s1, s30  }
0xb9: {  	s0 =	sor.u32 s3, s0;
	s1 =	sshll.u32 s1, $0x11  }
0xba: {  	s0 =	sor.u32 s1, s0  }
0xbb: {  	s0 =	sadd.s32 $0x8F2B, s0  }
0xbc: {  	[sflag:s0] =	ssyncadd.remote.s32 $0x1  }
0xbd: {  	_ =	sfence.sel $0xFFFF  }
0xbe: {  	[dreg:$0x0] =	wrdreg $0xFFFFFFFF;
	(pc) =	sbr.abs _section_cstart, $3  }
0xbf: {  	[dreg:$0x1] =	wrdreg $0xFFFFFFFF  }
0xc0: {  	_ =	task.clear_ibuf [dreg:s6], $0x2FFFF;
	_ =	strace $0x9FFFFFFF  }
0xc1: {  	(tm) =	ssettm $0x7FFFFFFF  }
tec
execute0_lowered:
.L_overlay_start_1:
0x0: {  	(tag) =	ssettag $0x1  }
0x1: {  	s7 =	rddreg [dreg:$0x0]  }
0x2: {  	s0 =	rddreg [dreg:$0x1];
	_ =	strace $0x80000047  }
0x3: {  	s1 =	srdreg.scid;
	s4 =	simm.s32 $0x1;
	s9 =	simm.s32 $0x3  }
0x4: {  	s12 =	simm.s32 $0x0;
	s10 =	simm.s32 $0x0;
	s5 =	sshll.u32 s1, $0x4  }
.Ltmp0:
0x5: {  	s1 =	stileid.u32;
	s5 =	sand.u32 $0x10, s5;
	(pc) =	sbr.rel .LBB2_1-.Ltmp0, $4  }
0x6: {  	s2 =	sadd.s32 $0xBC00, s7;
	s3 =	sadd.s32 $0x8BC00, s7;
	s6 =	sor.u32 s1, s5  }
0x7: {  	[sflag:s4] =	ssyncpa.u1 $0x0;
	s5 =	simm.s32 $0x2;
	s6 =	sshll.u32 s6, $0x8  }
0x8: {  	s7 =	sadd.s32 $0x98A00, s7;
	[sflag:s5] =	ssyncpa.u1 $0x0;
	s8 =	sadd.s32 $0x100, s6  }
0x9: {  	vm0 =	vmmov $0xff;
	vm1 =	vcmask $0x3F20;
	[sflag:s9] =	ssyncpa.u1 $0x0;
	s9 =	simm.s32 $0x100;
	s11 =	smov.u32 s6  }
.LBB2_9:
0xa: {  	p0 =	seq.s32 s10, $0x2  }
.Ltmp1:
0xb: {  	_ = 	snop;
	(pc) =	sbr.rel @p0 .LBB2_11-.Ltmp1, $1  }
0xc: {  	_ =	sdelay $0x3  }
.LBB2_10:
0xd: {  	s12 =	sadd.s32 $0x100, s11  }
0xe: {  	s13 =	smov.u32 s6;
	p0 =	slt.s32 s12, s8  }
0xf: {  	s13 =	smov.u32 @p0 s12  }
0x10: {  	s10 =	sadd.s32 $0x1, s10;
	s12 =	smov.u32 s11;
	s11 =	smov.u32 s13  }
.LBB2_1:
0x11: {  	p0 =	sne.s32 s10, $0x0  }
.Ltmp2:
0x12: {  	_ = 	snop;
	(pc) =	sbr.rel @!p0 .LBB2_2-.Ltmp2, $1  }
0x13: {  	_ =	sdelay $0x3  }
0x14: {  	s13 =	sand.u32 $0x1, s10  }
0x15: {  	p0 =	seq.s32 s13, $0x0  }
.Ltmp3:
0x16: {  	_ = 	snop;
	(pc) =	sbr.rel @p0 .LBB2_9-.Ltmp3, $1  }
0x17: {  	_ =	sdelay $0x3  }
0x18: {  	_ =	swait.ge [sflag:s5], $0x100  }
0x19: {  	[sflag:s5] =	ssyncset.done $0x0  }
0x1a: {  	s13 =	simm.s32 $0x0;
	[sflag:s5] =	ssyncadd.s32 $0xFFFFFF00  }
0x1b: {  	v0 =	vld.msk [tilespmem:s13+$0x100 ss:$0x1], $0xffff;
	_ =	sdelay $0x4  }
0x1c: {  	v1 =	vshll.u32 v0, $0x5  }
0x1d: {  	vm2 =	veq.s32 v0, $0x80000000;
	v0 =	vshll.u32 v0, $0x14;
	v1 =	vand.u32 $0xFFF80, v1  }
0x1e: {  	v0 =	vand.u32 $0x300000, v0;
	v1 =	vsel vm2, $0xFFFFFF80, v1  }
0x1f: {  	v0 =	vsel vm2, $0xFFF00000, v0;
	v2 =	vand.u32 $0xFFFFFC00, v1  }
0x20: {  	v1 =	vand.u32 $0x380, v1;
	v0 =	vadd.s32 v0, v2  }
0x21: {  	v0 =	vor.u32 v1, v0  }
0x22: {  	v0 =	vshrl.u32 v0, $0x3;
	_ =	sdelay $0x3  }
0x23: {  	s13 =	simm.s32 $0x8200  }
0x24: {  	[tilespmem:s13], [sflag:$0x1] =	stream.indirect_vreg.gather [hbm:s2], $0x80, v0, vm0, $0x38;
	[tilespmem:$0x10200] =	vst v63  }
0x25: {  	s14 =	simm.s32 $0x8600;
	s31 =	simm.s32 $0x10  }
0x26: {  	[tilespmem:s14], [sflag:$0x1] =	stream.indirect_vreg.gather [hbm:s2], $0x80, v0, vm1, $0x38;
	[tilespmem:$0x10200] =	vst v63  }
0x27: {  	s14 =	simm.s32 $0x80;
	v0 =	vld.msk [tilespmem:s31+$0x100 ss:$0x1], $0xffff  }
.LBB2_5:
0x28: {  	p0 =	sne.s32 s14, $0x3C0;
	_ =	sdelay $0x4  }
0x29: {  	v1 =	vshll.u32 v0, $0x5  }
0x2a: {  	vm2 =	veq.s32 v0, $0x80000000;
	v0 =	vshll.u32 v0, $0x14;
	v1 =	vand.u32 $0xFFF80, v1  }
0x2b: {  	v0 =	vand.u32 $0x300000, v0;
	v1 =	vsel vm2, $0xFFFFFF80, v1  }
0x2c: {  	v0 =	vsel vm2, $0xFFF00000, v0;
	v2 =	vand.u32 $0xFFFFFC00, v1  }
0x2d: {  	v1 =	vand.u32 $0x380, v1;
	v0 =	vadd.s32 v0, v2  }
0x2e: {  	v0 =	vor.u32 v1, v0  }
0x2f: {  	v0 =	vshrl.u32 v0, $0x3;
	_ =	sdelay $0x3  }
.Ltmp4:
0x30: {  	s13 =	sadd.s32 $0x800, s13;
	(pc) =	sbr.rel @p0 .LBB2_5-.Ltmp4, $4  }
0x31: {  	[tilespmem:s13], [sflag:$0x1] =	stream.indirect_vreg.gather [hbm:s2], $0x80, v0, vm0, $0x38;
	[tilespmem:$0x10200] =	vst v63  }
0x32: {  	s15 =	sshra.s32 s14, $0x2;
	s16 =	sadd.s32 $0x400, s13  }
0x33: {  	[tilespmem:s16], [sflag:$0x1] =	stream.indirect_vreg.gather [hbm:s2], $0x80, v0, vm1, $0x38;
	[tilespmem:$0x10200] =	vst v63  }
0x34: {  	s14 =	sadd.s32 $0x40, s14;
	v0 =	vld.msk [tilespmem:s15+$0x100 ss:$0x1], $0xffff  }
0x35: {  	_ =	sdelay $0x3  }
0x36: {  	v1 =	vshll.u32 v0, $0x5  }
0x37: {  	vm2 =	veq.s32 v0, $0x80000000;
	v63 =	vshll.u32 v0, $0x14;
	v1 =	vand.u32 $0xFFF80, v1  }
0x38: {  	v0 =	vand.u32 $0x300000, v63;
	v1 =	vsel vm2, $0xFFFFFF80, v1  }
0x39: {  	v0 =	vsel vm2, $0xFFF00000, v0;
	v2 =	vand.u32 $0xFFFFFC00, v1  }
0x3a: {  	v1 =	vand.u32 $0x380, v1;
	v0 =	vadd.s32 v0, v2  }
0x3b: {  	v0 =	vor.u32 v1, v0  }
0x3c: {  	v0 =	vshrl.u32 v0, $0x3;
	_ =	sdelay $0x3  }
0x3d: {  	s13 =	sadd.s32 $0x800, s13  }
0x3e: {  	[tilespmem:s13], [sflag:$0x1] =	stream.indirect_vreg.gather [hbm:s2], $0x80, v0, vm0, $0x38;
	[tilespmem:$0x10200] =	vst v63  }
0x3f: {  	s13 =	sadd.s32 $0x400, s13  }
0x40: {  	[tilespmem:s13], [sflag:$0x1] =	stream.indirect_vreg.gather [hbm:s2], $0x80, v0, vm1, $0x38;
	[tilespmem:$0x10200] =	vst v63  }
0x41: {  	s12 =	sshll.u32 s12, $0x4;
	s14 =	simm.s32 $0x80;
	_ =	swait.ge [sflag:s4], $0x8000  }
0x42: {  	s15 =	simm.s32 $0x8600;
	s12 =	sadd.s32 s12, s7;
	[sflag:s4] =	ssyncset.done $0x0  }
0x43: {  	s16 =	sadd.s32 $0x0, s12;
	s13 =	simm.s32 $0x8200;
	[sflag:s4] =	ssyncadd.s32 $0xFFFF8000  }
.LBB2_7:
0x44: {  	[hbm:s16] =	stream.linear.scatter [tilespmem:s13], [sflag:$0x3], $0x400, $0x38;
	[tilespmem:$0x10200] =	vst v63  }
0x45: {  	s16 =	smov.u32 s14;
	s13 =	smov.u32 s15;
	p0 =	sne.s32 s14, $0xF80  }
.Ltmp5:
0x46: {  	s14 =	sadd.s32 $0x80, s14;
	(pc) =	sbr.rel @p0 .LBB2_7-.Ltmp5, $2  }
0x47: {  	_ =	sdelay $0x2  }
0x48: {  	s15 =	sadd.s32 $0x400, s15;
	s16 =	sadd.s32 s16, s12  }
.Ltmp6:
0x49: {  	(pc) =	sbr.rel .LBB2_9-.Ltmp6, $2  }
0x4a: {  	_ =	sdelay $0x2  }
0x4b: {  	[hbm:s16] =	stream.linear.scatter [tilespmem:s13], [sflag:$0x3], $0x400, $0x38;
	[tilespmem:$0x10200] =	vst v63  }
.LBB2_2:
.Ltmp7:
0x4c: {  	(pc) =	sbr.rel .LBB2_10-.Ltmp7, $4  }
0x4d: {  	_ = 	snop  }
0x4e: {  	s12 =	sshrl.u32 s11, $0x3  }
0x4f: {  	s13 =	sand.u32 $0x7, s11;
	s12 =	sadd.s32 s3, s12  }
0x50: {  	[tilespmem:s9], [sflag:$0x2] =	stream.linear.gather [hbm4b:s12+s13], $0x100, $0x38;
	[tilespmem:$0x10200] =	vst v63  }
.LBB2_11:
0x51: {  	s2 =	simm.s32 $0x3  }
0x52: {  	_ =	swait.ge [sflag:s2], $0x8000  }
0x53: {  	[sflag:s2] =	ssyncset.done $0x0  }
0x54: {  	[sflag:s2] =	ssyncadd.s32 $0xFFFF8000  }
0x55: {  	_ =	sfence.sel $0x180000  }
0x56: {  	s3 =	simm.s32 $0x2;
	[bflag:$0x0] =	sbarrier.arrive $0xFFFF  }
0x57: {  	[sflag:s3] =	ssyncpa.u1 $0x1  }
0x58: {  	s31 =	simm.s32 $0x1;
	[sflag:s2] =	ssyncpa.u1 $0x1  }
0x59: {  	[sflag:s31] =	ssyncpa.u1 $0x1  }
0x5a: {  	p0 =	sne.s32 s1, $0x0;
	_ =	strace $0x90000047  }
0x5b: {  	s0 =	sadd.s32 @!p0 $0x100000, s0;
	[bflag:$0x2] =	sbarrier.arrive $0xFFFF  }
0x5c: {  	[sflag:s0] =	ssyncadd.tile.s32 @!p0 $0x1;
	_ =	shalt  }
.Lfunc_end2:
_tile_overlayer_lowered:
.L_overlay_start_2:
0x5d: {  	(tag) =	ssettag $0x2  }
0x5e: {  	s0 =	rddreg [dreg:$0x0];
	s2 =	stileid.u32  }
0x5f: {  	s1 =	rddreg [dreg:$0x1];
	p0 =	sne.s32 s2, $0x0  }
0x60: {  	s3 =	rddreg [dreg:$0x2];
	[bflag:$0x3] =	sbarrier.arrive $0xFFFF;
	s2 =	simm.s32 @!p0 $0x1C01  }
0x61: {  	[timem:s3], [sflag:s2] =	dma.local @!p0 [hbm:s0], s1  }
0x62: {  	s0 =	simm.s32 @!p0 $0x1  }
0x63: {  	_ =	swait.ge @!p0 [sflag:s0], s1  }
0x64: {  	s1 =	ssub.s32 @!p0 $0x0, s1;
	[sflag:s0] =	ssyncset.done @!p0 $0x0  }
0x65: {  	[sflag:s0] =	ssyncadd.s32 @!p0 s1  }
0x66: {  	[bflag:$0x3] =	sbarrier.arrive $0xFFFF  }
0x67: {  	_ =	shalt  }

// kernel: sparse-core-data-format-call.cloned.1.call-start
scs
called_computation_lowered:
.L_overlay_start_0:
0x0: {  	s2 =	sld [smem:$0x3FD9]  }
0x1: {  	s3 =	sld [smem:$0x3FFE];
	_ =	sdelay $0x1  }
0x2: {  	s1 =	srdreg.scid  }
0x3: {  	s0 =	sand.u32 $0x1, s1  }
0x4: {  	s18 =	sshll.u32 s0, $0xA;
	s2 =	sadd.s32 s3, s2  }
0x5: {  	s2 =	sadd.s32 s2, s18  }
0x6: {  	[smem:$0x3F56] =	sst s2  }
0x7: {  	_ = 	snop  }
0x8: {  	(tm) =	ssettm $0x1  }
0x9: {  	s19 =	sld [smem:$0x3FFB];
	_ =	sdelay $0x3  }
0xa: {  	_ =	strace s19  }
0xb: {  	s2 =	sld [smem:$0x3FFC];
	_ =	sdelay $0x3  }
0xc: {  	_ =	strace s2  }
0xd: {  	s2 =	sld [smem:$0x3FFD];
	_ =	sdelay $0x3  }
0xe: {  	_ =	strace s2  }
0xf: {  	_ =	strace $0x8FFFFFFF  }
0x10: {  	s20 =	sld [smem:$0x3FDB];
	_ =	sdelay $0x1  }
0x11: {  	s21 =	simm.s32 $_scs_section_size  }
0x12: {  	s4 =	simm.s32 $_size__tile_overlayer_lowered;
	s5 =	simm.s32 $_tile_overlayer_lowered  }
0x13: {  	s6 =	simm.s32 $0x1BFF;
	s22 =	sshll.u32 s5, $0x1;
	s3 =	sadd.s32 s21, s20  }
0x14: {  	s23 =	simm.s32 $0x0;
	s4 =	sshll.u32 s4, $0x1;
	s5 =	sadd.s32 s22, s3  }
0x15: {  	[timem:s23], [sflag:s6] =	dma.local [hbm:s5], s4  }
0x16: {  	_ =	swait.ge [sflag:s6], s4  }
0x17: {  	s4 =	ssub.s32 $0x0, s4;
	[sflag:s6] =	ssyncset.done $0x0  }
0x18: {  	[sflag:s6] =	ssyncadd.s32 s4;
	_ =	sdelay $0x1  }
0x19: {  	s24 =	simm.s32 $0x1B8B  }
0x1a: {  	_ =	swait.ge [sflag:s24], $0x1  }
0x1b: {  	[sflag:s24] =	ssyncset.done $0x0  }
0x1c: {  	[sflag:s24] =	ssyncadd.s32 $0xFFFFFFFF  }
0x1d: {  	s4 =	sld [smem:$0x0]  }
0x1e: {  	s5 =	sand.u32 $0xFFFFFFFE, s1  }
0x1f: {  	p0 =	sne.s32 s1, s5  }
0x20: {  	s5 =	sshll.u32 @p0 s5, $0xE  }
0x21: {  	s5 =	sadd.s32 @p0 $0x11B8D, s5;
	s6 =	sshll.u32 @p0 s4, $0x11  }
0x22: {  	s5 =	sor.u32 @p0 s6, s5  }
0x23: {  	[sflag:s5] =	ssyncadd.remote.s32 @p0 $0x1;
	_ =	sdelay $0x1  }
0x24: {  	s5 =	simm.s32 @p0 $0x1B8D  }
0x25: {  	_ =	swait.eq @p0 [sflag:s5], $0x1  }
0x26: {  	[sflag:s5] =	ssyncadd.s32 @p0 $0xFFFFFFFF  }
0x27: {  	s6 =	sshll.u32 @!p0 s1, $0xE  }
0x28: {  	s6 =	sor.u32 @!p0 $0x4000, s6;
	s5 =	simm.s32 @!p0 $0x1B8D  }
0x29: {  	s4 =	sshll.u32 @!p0 s4, $0x11;
	s6 =	sadd.s32 @!p0 $0x11B8D, s6;
	_ =	swait.eq @!p0 [sflag:s5], $0x1  }
0x2a: {  	s4 =	sor.u32 @!p0 s4, s6;
	[sflag:s5] =	ssyncadd.s32 @!p0 $0xFFFFFFFF  }
0x2b: {  	s26 =	simm.s32 $0x1B8E;
	s25 =	sld [smem:$0x3FFE];
	[sflag:s4] =	ssyncadd.remote.s32 @!p0 $0x1  }
0x2c: {  	s27 =	simm.s32 $execute0_lowered;
	[smem:$0x3FD2] =	sst s26  }
0x2d: {  	s5 =	sshll.u32 s27, $0x1;
	_ =	strace $0x8000004C;
	[dreg:$0x1] =	wrdreg $0xFFFFFFFF  }
0x2e: {  	s28 =	simm.s32 $_size_execute0_lowered;
	s3 =	sadd.s32 s3, s5;
	[dreg:$0x0] =	wrdreg $0x0  }
0x2f: {  	s5 =	sshll.u32 s28, $0x1;
	[dreg:$0x2] =	wrdreg s3  }
0x30: {  	[dreg:$0x3] =	wrdreg s5  }
0x31: {  	[dreg:$0x4] =	wrdreg $0xC0  }
0x32: {  	_ =	task [dreg:s23], $0x5FFFF  }
0x33: {  	[dreg:$0x1] =	wrdreg $0xFFFFFFFF  }
0x34: {  	[dreg:$0x0] =	wrdreg $0x60  }
0x35: {  	[dreg:$0x2] =	wrdreg s25  }
0x36: {  	[dreg:$0x3] =	wrdreg $0x9  }
0x37: {  	_ =	task.clear_ibuf [dreg:s23], $0x4FFFF;
	_ =	strace $0x9000004C  }
0x38: {  	s29 =	simm.s32 $0x9;
	_ =	strace $0x8000004E  }
0x39: {  	_ =	swait.ge [sflag:s29], $0x1  }
0x3a: {  	[sflag:s29] =	ssyncadd.s32 $0xFFFFFFFF  }
0x3b: {  	_ =	strace $0x9000004E  }
0x3c: {  	_ =	sfence  }
0x3d: {  	s30 =	sld [smem:$0x0];
	_ =	sdelay $0x2  }
0x3e: {  	s31 =	sshll.u32 s1, $0xD;
	s1 =	sshrl.u32 s1, $0x2  }
0x3f: {  	s4 =	sand.u32 $0x4000, s31;
	s1 =	sadd.s32 s1, s30  }
0x40: {  	s0 =	sor.u32 s4, s0;
	s1 =	sshll.u32 s1, $0x11  }
0x41: {  	s0 =	sor.u32 s1, s0  }
0x42: {  	s0 =	sadd.s32 $0x8F2B, s0  }
0x43: {  	[sflag:s0] =	ssyncadd.remote.s32 $0x1  }
0x44: {  	_ =	sfence.sel $0xFFFF  }
0x45: {  	[dreg:$0x0] =	wrdreg $0xFFFFFFFF;
	(pc) =	sbr.abs _section_cstart, $3  }
0x46: {  	[dreg:$0x1] =	wrdreg $0xFFFFFFFF  }
0x47: {  	_ =	task.clear_ibuf [dreg:s23], $0x2FFFF;
	_ =	strace $0x9FFFFFFF  }
0x48: {  	(tm) =	ssettm $0x7FFFFFFF  }
0x49: {  	_ =	shalt  }
tec
execute0_lowered:
.L_overlay_start_1:
0x0: {  	(tag) =	ssettag $0x1  }
0x1: {  	s0 =	stileid.u32;
	s1 =	srdreg.scid  }
0x2: {  	s4 =	rddreg [dreg:$0x0];
	s7 =	simm.s32 $0x1;
	s31 =	simm.s32 $0x2  }
0x3: {  	s16 =	simm.s32 $0x0;
	s2 =	sshll.u32 s0, $0x5;
	s1 =	sshll.u32 s1, $0x9  }
0x4: {  	s9 =	simm.s32 $0x4000;
	s14 =	simm.s32 $0x0;
	s1 =	sor.u32 s2, s1  }
0x5: {  	s15 =	simm.s32 $0x0;
	s10 =	simm.s32 $0x0;
	s2 =	sand.u32 $0x380, s1  }
0x6: {  	s13 =	simm.s32 $0x0;
	s3 =	sadd.s32 $0xC1C00, s4;
	s5 =	ssub.s32 $0x800, s2  }
0x7: {  	s4 =	sadd.s32 $0x8C1C00, s4;
	s1 =	rddreg [dreg:$0x1];
	s6 =	sand.u32 $0x380, s5  }
.Ltmp0:
0x8: {  	_ =	strace $0x8000004D;
	p0 =	sne.s32 s6, $0x0;
	(pc) =	sbr.rel .LBB1_1-.Ltmp0, $4  }
0x9: {  	s11 =	smov.u32 s2;
	s8 =	sshrl.u32 s5, $0xA;
	s7 =	simm.s32 @!p0 $0x0  }
0xa: {  	s5 =	sand.u32 $0x3, s0;
	s6 =	simm.s32 $0x1;
	s7 =	sadd.s32 s7, s8  }
0xb: {  	s12 =	smov.u32 s5;
	[sflag:s6] =	ssyncpa.u1 $0x0;
	s7 =	sshll.u32 s7, $0x6  }
0xc: {  	p0 =	por $0x0, $0x0;
	[sflag:s31] =	ssyncpa.u1 $0x0;
	s8 =	sor.u32 $0x1, s7  }
.LBB1_4:
0xd: {  	v5 =	vld [tilespmem:s19+$0xFFFFFFD0]  }
0xe: {  	[tilespmem:s20+$0x2040 ss:$0x81] =	vst.msk $0xffff, v1;
	v58 =	vld [tilespmem:s19+$0xFFFFFFE0]  }
0xf: {  	[tilespmem:s20+$0x2850 ss:$0x81] =	vst.msk $0xffff, v2;
	v59 =	vld [tilespmem:s19+$0xFFFFFFF0]  }
0x10: {  	s21 =	sshra.s32 s21, $0x2;
	[tilespmem:s20+$0x3060 ss:$0x81] =	vst.msk $0xffff, v3;
	v60 =	vld [tilespmem:s19+$0x0]  }
0x11: {  	[tilespmem:s20+$0x0 ss:$0x81] =	vst.msk $0xffff, v0;
	v61 =	vld [tilespmem:s19+$0x10];
	s18 =	sadd.s32 s21, s18  }
0x12: {  	s26 =	sshll.u32 s16, $0xB;
	v62 =	vld [tilespmem:s19+$0x20];
	[tilespmem:s18+$0x3870 ss:$0x81] =	vst.msk $0xffff, v4  }
0x13: {  	s27 =	sand.u32 $0x78, s14;
	s22 =	sshll.u32 s14, $0x3;
	v63 =	vld [tilespmem:s19+$0xFFFFFFC0];
	s29 =	sshll.u32 s16, $0x7;
	[tilespmem:s18+$0x810 ss:$0x81] =	vst.msk $0xffff, v5  }
0x14: {  	s15 =	sshll.u32 s15, $0x15;
	s20 =	sand.u32 $0xFFC000, s26;
	s28 =	sand.u32 $0xFFFC00, s22;
	[tilespmem:s18+$0x1020 ss:$0x81] =	vst.msk $0xffff, v58  }
0x15: {  	s31 =	sand.u32 $0x7, s14;
	s22 =	sand.u32 $0x400, s22;
	s19 =	sadd.s32 s28, s20;
	[tilespmem:s18+$0x1830 ss:$0x81] =	vst.msk $0xffff, v59  }
0x16: {  	s16 =	sand.u32 $0x380, s29;
	s30 =	sor.u32 s27, s22;
	s19 =	sshrl.u32 s19, $0x3;
	[tilespmem:s18+$0x2040 ss:$0x81] =	vst.msk $0xffff, v60  }
0x17: {  	s15 =	sadd.s32 s4, s15;
	s16 =	sor.u32 s16, s30;
	s19 =	sand.u32 $0x1FFF00, s19;
	[tilespmem:s18+$0x2850 ss:$0x81] =	vst.msk $0xffff, v61  }
0x18: {  	s14 =	sshll.u32 s31, $0x12;
	s16 =	sshrl.u32 s16, $0x3;
	[tilespmem:s18+$0x3060 ss:$0x81] =	vst.msk $0xffff, v62;
	s15 =	sadd.s32 s19, s15  }
0x19: {  	s14 =	sor.u32 $0x400, s14;
	[tilespmem:s18+$0x0 ss:$0x81] =	vst.msk $0xffff, v63;
	s15 =	sadd.s32 s16, s15  }
0x1a: {  	[hbm4b:s15+s14] =	stream.strided.scatter [tilespmem:s17], [sflag:$0x2], $0x4000, s9, s14, $0x20;
	[tilespmem:$0x10100] =	vst v63  }
.LBB1_5:
0x1b: {  	s17 =	sadd.s32 $0x80, s10  }
0x1c: {  	s14 =	sadd.s32 $0x400, s11;
	s18 =	smov.u32 s11;
	p2 =	sgt.s32 s17, $0x1FFF  }
0x1d: {  	s18 =	smov.u32 @p2 s14  }
0x1e: {  	s20 =	smov.u32 s12;
	s14 =	sadd.s32 $0x4, s12;
	p3 =	sgt.s32 s18, $0x7FF  }
0x1f: {  	s20 =	smov.u32 @p3 s14  }
0x20: {  	s17 =	simm.s32 @p2 $0x0;
	p2 =	sgt.s32 s20, $0x3  }
0x21: {  	p1 =	slt.u32 s13, $0x2;
	s20 =	smov.u32 @p2 s5;
	p2 =	sne.s32 s13, s8  }
.Ltmp1:
0x22: {  	s19 =	simm.s32 @!p1 $0x2;
	(pc) =	sbr.rel @!p2 .LBB1_6-.Ltmp1, $4  }
0x23: {  	s16 =	smov.u32 s10;
	s15 =	smov.u32 s12;
	_ =	swait.ge @!p1 [sflag:s19], $0x4000  }
0x24: {  	p0 =	por !p0, !p0;
	[sflag:s19] =	ssyncset.done @!p1 $0x0;
	s10 =	smov.u32 s17  }
0x25: {  	s18 =	smov.u32 @p3 s2;
	s14 =	smov.u32 s11;
	[sflag:s19] =	ssyncadd.s32 @!p1 $0xFFFFC000  }
0x26: {  	s11 =	smov.u32 s18;
	s13 =	sadd.s32 $0x1, s13;
	s12 =	smov.u32 s20  }
.LBB1_1:
0x27: {  	p1 =	sge.u32 s13, s7;
	s31 =	sadd.s32 $0xFFFFFFFF, s13  }
0x28: {  	s17 =	sxor.u32 @!p1 $0xFFFFFFFF, s13;
	s18 =	sand.u32 @!p1 $0x78, s10;
	s19 =	sshll.u32 @!p1 s11, $0xD  }
0x29: {  	s20 =	sshll.u32 @!p1 s11, $0x7;
	s21 =	sshll.u32 @!p1 s10, $0x3;
	s17 =	sshll.u32 @!p1 s17, $0xE  }
0x2a: {  	s19 =	sand.u32 @!p1 $0xFF0000, s19;
	s20 =	sand.u32 @!p1 $0x380, s20;
	s17 =	sand.u32 @!p1 $0x4000, s17  }
0x2b: {  	s19 =	sadd.s32 @!p1 s19, s21;
	s21 =	sand.u32 @!p1 $0x1C00, s21;
	s18 =	sor.u32 @!p1 s20, s18  }
0x2c: {  	s20 =	sshll.u32 @!p1 s12, $0x15;
	s18 =	sor.u32 @!p1 s21, s18;
	s19 =	sshrl.u32 @!p1 s19, $0x3  }
0x2d: {  	s20 =	sadd.s32 @!p1 s3, s20;
	s21 =	sand.u32 @!p1 $0x7, s10;
	s19 =	sand.u32 @!p1 $0x1FFC00, s19  }
0x2e: {  	s18 =	sshrl.u32 @!p1 s18, $0x3;
	s19 =	sadd.s32 @!p1 s19, s20;
	s20 =	sshll.u32 @!p1 s21, $0x12  }
0x2f: {  	s18 =	sadd.s32 @!p1 s18, s19;
	s19 =	sor.u32 @!p1 $0x400, s20;
	s20 =	simm.s32 @!p1 $0x10000  }
0x30: {  	[tilespmem:s17], [sflag:$0x1] =	stream.strided.gather @!p1 [hbm4b:s18+s19], $0x4000, s20, s19, $0x38;
	[tilespmem:$0x10100] =	vst v63  }
0x31: {  	p1 =	sge.u32 s31, s7  }
.Ltmp2:
0x32: {  	_ = 	snop;
	(pc) =	sbr.rel @p1 .LBB1_5-.Ltmp2, $1  }
0x33: {  	_ =	sdelay $0x3  }
0x34: {  	s17 =	simm.s32 $0x1  }
0x35: {  	_ =	swait.ge [sflag:s6], $0x4000;
	s17 =	simm.s32 @!p0 $0x0  }
0x36: {  	[sflag:s6] =	ssyncset.done $0x0;
	s18 =	sshll.u32 s17, $0xE  }
0x37: {  	[sflag:s6] =	ssyncadd.s32 $0xFFFFC000;
	s19 =	sor.u32 $0x40, s18  }
0x38: {  	s17 =	smul.u32 $0x10200, s17;
	v0 =	vld [tilespmem:s19+$0x30]  }
0x39: {  	v3 =	vld [tilespmem:s19+$0xFFFFFFD0]  }
0x3a: {  	s17 =	sshrl.u32 s17, $0x2;
	v4 =	vld [tilespmem:s19+$0xFFFFFFE0]  }
0x3b: {  	v5 =	vld [tilespmem:s19+$0xFFFFFFF0];
	s18 =	sor.u32 $0x8000, s17  }
0x3c: {  	s31 =	sand.u32 $0x1, s13;
	v1 =	vld [tilespmem:s19+$0x0];
	s20 =	sadd.s32 $0x0, s18  }
0x3d: {  	v2 =	vld [tilespmem:s19+$0x10];
	s17 =	smul.u32 $0x10200, s31;
	[tilespmem:s20+$0x3870 ss:$0x81] =	vst.msk $0xffff, v0  }
0x3e: {  	[tilespmem:s20+$0x810 ss:$0x81] =	vst.msk $0xffff, v3;
	v3 =	vld [tilespmem:s19+$0x20]  }
0x3f: {  	s17 =	sshrl.u32 s17, $0x2;
	v0 =	vld [tilespmem:s19+$0xFFFFFFC0];
	[tilespmem:s20+$0x1020 ss:$0x81] =	vst.msk $0xffff, v4;
	s19 =	sadd.s32 $0x80, s19  }
0x40: {  	s21 =	simm.s32 $0x4;
	s22 =	simm.s32 $0x8;
	s17 =	sor.u32 $0x8000, s17;
	[tilespmem:s20+$0x1830 ss:$0x81] =	vst.msk $0xffff, v5;
	v4 =	vld [tilespmem:s19+$0x30]  }
.LBB1_3:
0x41: {  	p1 =	sne.s32 s22, $0x1FC;
	v5 =	vld [tilespmem:s19+$0xFFFFFFD0];
	[tilespmem:s20+$0x2040 ss:$0x81] =	vst.msk $0xffff, v1  }
0x42: {  	v6 =	vld [tilespmem:s19+$0xFFFFFFE0];
	[tilespmem:s20+$0x2850 ss:$0x81] =	vst.msk $0xffff, v2  }
0x43: {  	s23 =	sshra.s32 s21, $0x2;
	s21 =	smov.u32 s22;
	v7 =	vld [tilespmem:s19+$0xFFFFFFF0];
	[tilespmem:s20+$0x3060 ss:$0x81] =	vst.msk $0xffff, v3  }
.Ltmp3:
0x44: {  	v1 =	vld [tilespmem:s19+$0x0];
	[tilespmem:s20+$0x0 ss:$0x81] =	vst.msk $0xffff, v0;
	s20 =	sadd.s32 s23, s18;
	(pc) =	sbr.rel @p1 .LBB1_3-.Ltmp3, $4  }
0x45: {  	v2 =	vld [tilespmem:s19+$0x10];
	[tilespmem:s20+$0x3870 ss:$0x81] =	vst.msk $0xffff, v4  }
0x46: {  	[tilespmem:s20+$0x810 ss:$0x81] =	vst.msk $0xffff, v5;
	v3 =	vld [tilespmem:s19+$0x20]  }
0x47: {  	v0 =	vld [tilespmem:s19+$0xFFFFFFC0];
	[tilespmem:s20+$0x1020 ss:$0x81] =	vst.msk $0xffff, v6;
	s19 =	sadd.s32 $0x80, s19  }
0x48: {  	s22 =	sadd.s32 $0x4, s22;
	v4 =	vld [tilespmem:s19+$0x30];
	[tilespmem:s20+$0x1830 ss:$0x81] =	vst.msk $0xffff, v7  }
.Ltmp4:
0x49: {  	_ = 	snop;
	(pc) =	sbr.rel .LBB1_4-.Ltmp4, $1  }
0x4a: {  	_ =	sdelay $0x3  }
.LBB1_6:
0x4b: {  	_ =	sfence.sel $0x180000  }
0x4c: {  	s2 =	simm.s32 $0x1;
	[bflag:$0x0] =	sbarrier.arrive $0xFFFF  }
0x4d: {  	s31 =	simm.s32 $0x2;
	[sflag:s2] =	ssyncpa.u1 $0x1  }
0x4e: {  	[sflag:s31] =	ssyncpa.u1 $0x1  }
0x4f: {  	p0 =	sne.s32 s0, $0x0;
	_ =	strace $0x9000004D  }
0x50: {  	s0 =	sadd.s32 @!p0 $0x100000, s1;
	[bflag:$0x2] =	sbarrier.arrive $0xFFFF  }
0x51: {  	[sflag:s0] =	ssyncadd.tile.s32 @!p0 $0x1;
	_ =	shalt  }
.Lfunc_end1:
_tile_overlayer_lowered:
.L_overlay_start_2:
0x52: {  	(tag) =	ssettag $0x2  }
0x53: {  	s0 =	rddreg [dreg:$0x0];
	s2 =	stileid.u32  }
0x54: {  	s1 =	rddreg [dreg:$0x1];
	p0 =	sne.s32 s2, $0x0  }
0x55: {  	s3 =	rddreg [dreg:$0x2];
	[bflag:$0x3] =	sbarrier.arrive $0xFFFF;
	s2 =	simm.s32 @!p0 $0x1C01  }
0x56: {  	[timem:s3], [sflag:s2] =	dma.local @!p0 [hbm:s0], s1  }
0x57: {  	s0 =	simm.s32 @!p0 $0x1  }
0x58: {  	_ =	swait.ge @!p0 [sflag:s0], s1  }
0x59: {  	s1 =	ssub.s32 @!p0 $0x0, s1;
	[sflag:s0] =	ssyncset.done @!p0 $0x0  }
0x5a: {  	[sflag:s0] =	ssyncadd.s32 @!p0 s1  }
0x5b: {  	[bflag:$0x3] =	sbarrier.arrive $0xFFFF  }
0x5c: {  	_ =	shalt  }

</sc_bundles>
